<compile_context>
chip_gen: v7x
topology: tpu7x:2x2x1
jax: 0.10.2.dev20260603
libtpu: 0.0.44.dev20260713+nightly
codegen_flags: <defaults>
</compile_context>

<pallas_src>
import functools

import jax
import jax.numpy as jnp
from jax import lax
from jax.experimental import pallas as pl
from jax.experimental.pallas import tpu as pltpu
from jax.experimental.pallas import tpu_sc as plsc

N = 10000
E = 640000
F = 128
HID = 64

NSUB = 16
NPAD = 10240
NODES_PER_SUB = NPAD // NSUB
EDGES_PER_SUB = E // NSUB
CHUNK = 80
NCHUNKS = EDGES_PER_SUB // CHUNK

DEG_K = 10
DEG_G = NCHUNKS // DEG_K

NBUF = 4
NGROUPS = NCHUNKS // NBUF
BLK = NBUF * CHUNK


def _zero16():
    return jnp.zeros((16,), jnp.float32)



def _sc_deg_body(row_hbm, col_hbm, w_hbm, dego_hbm, degi_hbm,
                 deg_sp, zv_v, idxb_v, wb_v, lsem, ssem):
    c = lax.axis_index("c")
    s = lax.axis_index("s")
    base_n = s * NODES_PER_SUB
    ebase = s * EDGES_PER_SUB

    def zinv(j, _):
        zv_v[pl.ds(16 * j, 16)] = _zero16()
        return 0
    lax.fori_loop(0, NODES_PER_SUB // 16, zinv, 0)
    pltpu.sync_copy(zv_v, deg_sp.at[pl.ds(base_n, NODES_PER_SUB)])

    @pl.when(c == 0)
    def _():
        pltpu.async_copy(row_hbm.at[pl.ds(ebase, EDGES_PER_SUB)], idxb_v,
                         lsem)

    @pl.when(c == 1)
    def _():
        pltpu.async_copy(col_hbm.at[pl.ds(ebase, EDGES_PER_SUB)], idxb_v,
                         lsem)

    pltpu.async_copy(w_hbm.at[pl.ds(ebase, EDGES_PER_SUB)], wb_v, lsem)
    pltpu.make_async_copy(
        row_hbm.at[pl.ds(ebase, EDGES_PER_SUB)], idxb_v, lsem).wait()
    pltpu.make_async_copy(
        w_hbm.at[pl.ds(ebase, EDGES_PER_SUB)], wb_v, lsem).wait()

    plsc.subcore_barrier()

    def grp(g, _):
        for b in range(DEG_K):
            off = pl.multiple_of((g * DEG_K + b) * CHUNK, 8)
            pltpu.async_copy(wb_v.at[pl.ds(off, CHUNK)],
                             deg_sp.at[idxb_v.at[pl.ds(off, CHUNK)]], ssem,
                             add=True)
        for b in range(DEG_K):
            off = pl.multiple_of((g * DEG_K + b) * CHUNK, 8)
            pltpu.make_async_copy(wb_v.at[pl.ds(off, CHUNK)],
                                  deg_sp.at[idxb_v.at[pl.ds(off, CHUNK)]],
                                  ssem).wait()
        return 0
    lax.fori_loop(0, DEG_G, grp, 0)

    plsc.subcore_barrier()

    @pl.when(c == 0)
    def _():
        pltpu.sync_copy(deg_sp.at[pl.ds(base_n, NODES_PER_SUB)],
                        dego_hbm.at[pl.ds(base_n, NODES_PER_SUB)])

    @pl.when(c == 1)
    def _():
        pltpu.sync_copy(deg_sp.at[pl.ds(base_n, NODES_PER_SUB)],
                        degi_hbm.at[pl.ds(base_n, NODES_PER_SUB)])


def _sc_deg(row, col, w):
    mesh = plsc.VectorSubcoreMesh(core_axis_name="c", subcore_axis_name="s")
    f32 = jnp.float32
    kern = functools.partial(
        pl.kernel,
        mesh=mesh,
        out_type=[
            jax.ShapeDtypeStruct((NPAD,), f32),
            jax.ShapeDtypeStruct((NPAD,), f32),
        ],
        scratch_types=[
            pltpu.VMEM_SHARED((NPAD,), f32),
            pltpu.VMEM((NODES_PER_SUB,), f32),
            pltpu.VMEM((EDGES_PER_SUB,), jnp.int32),
            pltpu.VMEM((EDGES_PER_SUB,), f32),
            pltpu.SemaphoreType.DMA,
            pltpu.SemaphoreType.DMA,
        ],
    )(_sc_deg_body)
    return kern(row, col, w)



def _sc_prop_body(xso_hbm, xsi_hbm, row_hbm, col_hbm, po_hbm, pi_hbm,
                  P_sp, sidx_v, didx_v, rows0, rows1, rows2, rows3,
                  lsem, g0, g1, g2, g3, s0, s1, s2, s3):
    c = lax.axis_index("c")
    s = lax.axis_index("s")
    base_n = s * NODES_PER_SUB
    ebase = s * EDGES_PER_SUB
    rows = (rows0, rows1, rows2, rows3)
    gsem = (g0, g1, g2, g3)
    ssem = (s0, s1, s2, s3)

    def zrow(r, _):
        for j in range(F // 16):
            rows0[r, pl.ds(16 * j, 16)] = _zero16()
        return 0
    lax.fori_loop(0, CHUNK, zrow, 0)
    for k in range(NODES_PER_SUB // CHUNK):
        pltpu.sync_copy(rows0, P_sp.at[pl.ds(base_n + k * CHUNK, CHUNK), :])
    plsc.subcore_barrier()

    def edges(src_hbm, dst_hbm, xs_hbm):
        pltpu.sync_copy(src_hbm.at[pl.ds(ebase, BLK)],
                        sidx_v.at[pl.ds(0, BLK)])
        pltpu.sync_copy(dst_hbm.at[pl.ds(ebase, BLK)],
                        didx_v.at[pl.ds(0, BLK)])
        for b in range(NBUF):
            o = b * CHUNK
            pltpu.async_copy(xs_hbm.at[sidx_v.at[pl.ds(o, CHUNK)]],
                             rows[b], gsem[b])

        def grp(g, _):
            p = lax.rem(g, 2) * BLK
            pn = pl.multiple_of(lax.rem(g + 1, 2) * BLK, 8)
            nxt = ebase + (g + 1) * BLK
            pltpu.async_copy(src_hbm.at[pl.ds(nxt, BLK)],
                             sidx_v.at[pl.ds(pn, BLK)], lsem)
            pltpu.async_copy(dst_hbm.at[pl.ds(nxt, BLK)],
                             didx_v.at[pl.ds(pn, BLK)], lsem)
            for b in range(NBUF):
                io = pl.multiple_of(p + b * CHUNK, 8)
                pltpu.make_async_copy(
                    xs_hbm.at[sidx_v.at[pl.ds(io, CHUNK)]],
                    rows[b], gsem[b]).wait()
                pltpu.async_copy(rows[b],
                                 P_sp.at[didx_v.at[pl.ds(io, CHUNK)]],
                                 ssem[b], add=True)
            pltpu.make_async_copy(src_hbm.at[pl.ds(nxt, BLK)],
                                  sidx_v.at[pl.ds(pn, BLK)], lsem).wait()
            pltpu.make_async_copy(dst_hbm.at[pl.ds(nxt, BLK)],
                                  didx_v.at[pl.ds(pn, BLK)], lsem).wait()
            for b in range(NBUF):
                io = pl.multiple_of(p + b * CHUNK, 8)
                ion = pl.multiple_of(pn + b * CHUNK, 8)
                pltpu.make_async_copy(
                    rows[b], P_sp.at[didx_v.at[pl.ds(io, CHUNK)]],
                    ssem[b]).wait()
                pltpu.async_copy(xs_hbm.at[sidx_v.at[pl.ds(ion, CHUNK)]],
                                 rows[b], gsem[b])
            return 0
        lax.fori_loop(0, NGROUPS - 1, grp, 0)

        lp = ((NGROUPS - 1) % 2) * BLK
        for b in range(NBUF):
            o = lp + b * CHUNK
            pltpu.make_async_copy(xs_hbm.at[sidx_v.at[pl.ds(o, CHUNK)]],
                                  rows[b], gsem[b]).wait()
            pltpu.async_copy(rows[b], P_sp.at[didx_v.at[pl.ds(o, CHUNK)]],
                             ssem[b], add=True)
        for b in range(NBUF):
            o = lp + b * CHUNK
            pltpu.make_async_copy(rows[b],
                                  P_sp.at[didx_v.at[pl.ds(o, CHUNK)]],
                                  ssem[b]).wait()

    @pl.when(c == 0)
    def _():
        edges(row_hbm, col_hbm, xso_hbm)

    @pl.when(c == 1)
    def _():
        edges(col_hbm, row_hbm, xsi_hbm)

    plsc.subcore_barrier()

    @pl.when(c == 0)
    def _():
        pltpu.sync_copy(P_sp.at[pl.ds(base_n, NODES_PER_SUB), :],
                        po_hbm.at[pl.ds(base_n, NODES_PER_SUB), :])

    @pl.when(c == 1)
    def _():
        pltpu.sync_copy(P_sp.at[pl.ds(base_n, NODES_PER_SUB), :],
                        pi_hbm.at[pl.ds(base_n, NODES_PER_SUB), :])


def _sc_prop(xs_o, xs_i, row, col):
    mesh = plsc.VectorSubcoreMesh(core_axis_name="c", subcore_axis_name="s")
    f32 = jnp.float32
    kern = functools.partial(
        pl.kernel,
        mesh=mesh,
        out_type=[
            jax.ShapeDtypeStruct((NPAD, F), f32),
            jax.ShapeDtypeStruct((NPAD, F), f32),
        ],
        scratch_types=[
            pltpu.VMEM_SHARED((NPAD, F), f32),
            pltpu.VMEM((2 * BLK,), jnp.int32),
            pltpu.VMEM((2 * BLK,), jnp.int32),
        ] + [pltpu.VMEM((CHUNK, F), f32)] * NBUF
        + [pltpu.SemaphoreType.DMA] * (1 + 2 * NBUF),
    )(_sc_prop_body)
    return kern(xs_o, xs_i, row, col)



BN = 2000


def _tc_scale_body(x_ref, dego_ref, degi_ref, xso_ref, xsi_ref):
    x = x_ref[...]
    do = dego_ref[...]
    di = degi_ref[...]
    inv_o = jnp.where(do > 0.0, 1.0 / jnp.where(do > 0.0, do, 1.0), 0.0)
    inv_i = jnp.where(di > 0.0, 1.0 / jnp.where(di > 0.0, di, 1.0), 0.0)
    xso_ref[...] = x * inv_o
    xsi_ref[...] = x * inv_i


def _tc_scale(x, deg_o, deg_i):
    grid = (N // BN,)
    row_block = pl.BlockSpec((BN, F), lambda i: (i, 0))
    deg_block = pl.BlockSpec((BN, 1), lambda i: (i, 0))
    return pl.pallas_call(
        _tc_scale_body,
        grid=grid,
        in_specs=[row_block, deg_block, deg_block],
        out_specs=[row_block, row_block],
        out_shape=[
            jax.ShapeDtypeStruct((N, F), jnp.float32),
            jax.ShapeDtypeStruct((N, F), jnp.float32),
        ],
    )(x, deg_o, deg_i)



def _tc_tail_body(x_ref, po_ref, pi_ref, wz_ref, wh_ref, bz_ref, bh_ref,
                  wl_ref, bl_ref, o_ref):
    cat = jnp.concatenate([x_ref[...], po_ref[...], pi_ref[...]], axis=1)
    z = jax.nn.sigmoid(
        jnp.dot(cat, wz_ref[...], preferred_element_type=jnp.float32)
        + bz_ref[...])
    ht = jnp.tanh(
        jnp.dot(cat, wh_ref[...], preferred_element_type=jnp.float32)
        + bh_ref[...])
    h = (1.0 - z) * ht
    o_ref[...] = (
        jnp.dot(jnp.maximum(h, 0.0), wl_ref[...],
                preferred_element_type=jnp.float32)
        + bl_ref[...])


def _tc_tail(x, p_o, p_i, wz, wh, bz, bh, wl, bl):
    grid = (N // BN,)

    def full(i):
        return (0, 0)

    return pl.pallas_call(
        _tc_tail_body,
        grid=grid,
        in_specs=[
            pl.BlockSpec((BN, F), lambda i: (i, 0)),
            pl.BlockSpec((BN, F), lambda i: (i, 0)),
            pl.BlockSpec((BN, F), lambda i: (i, 0)),
            pl.BlockSpec((3 * F, HID), full),
            pl.BlockSpec((3 * F, HID), full),
            pl.BlockSpec((1, HID), full),
            pl.BlockSpec((1, HID), full),
            pl.BlockSpec((HID, 1), full),
            pl.BlockSpec((1, 1), full),
        ],
        out_specs=pl.BlockSpec((BN, 1), lambda i: (i, 0)),
        out_shape=jax.ShapeDtypeStruct((N, 1), jnp.float32),
    )(x, p_o, p_i, wz, wh, bz, bh, wl, bl)


def kernel(x, edge_index, edge_weight, W_z, b_z, W_r, b_r, W_h, b_h,
           W_lin, b_lin):
    del W_r, b_r
    ei = edge_index.astype(jnp.int32)
    row, col = ei[0], ei[1]

    deg_o, deg_i = _sc_deg(row, col, edge_weight)
    xs_o, xs_i = _tc_scale(
        x, deg_o[:N].reshape(N, 1), deg_i[:N].reshape(N, 1))

    p_o, p_i = _sc_prop(xs_o, xs_i, row, col)

    def cat_w(W):
        return jnp.concatenate(
            [W[0, 0, :F] + W[1, 0, :F], W[0, 1, :F], W[1, 1, :F]], axis=0)

    out = _tc_tail(
        x, p_o[:N], p_i[:N], cat_w(W_z), cat_w(W_h),
        b_z.reshape(1, HID), b_h.reshape(1, HID),
        W_lin, b_lin.reshape(1, 1))
    return out

# --- scband reference (transcript-rebuilt; emitter-appended) ---
"""Pipeline reference for scband-dcrnn-81647328297651 (READ-ONLY COPY).

The authoritative reference and input builder live on the scoring server;
editing this copy changes nothing except your own understanding.
"""

import jax, jax.numpy as jnp
import numpy as np

N = 10000
E = 640000
F_IN = 128
HID = 64
K = 2


def setup_inputs(seed: int = 0):
    key = jax.random.key(seed)
    ks = jax.random.split(key, 8)
    s = 0.05
    return {
        "x": jax.random.normal(ks[0], (N, F_IN), dtype=jnp.float32),
        "edge_index": jax.random.randint(ks[1], (2, E), 0, N),
        "edge_weight": jax.random.uniform(ks[2], (E,), dtype=jnp.float32, minval=0.1, maxval=1.0),
        "W_z": jax.random.normal(ks[3], (2, K, F_IN + HID, HID), dtype=jnp.float32) * s,
        "b_z": jnp.zeros((HID,), dtype=jnp.float32),
        "W_r": jax.random.normal(ks[4], (2, K, F_IN + HID, HID), dtype=jnp.float32) * s,
        "b_r": jnp.zeros((HID,), dtype=jnp.float32),
        "W_h": jax.random.normal(ks[5], (2, K, F_IN + HID, HID), dtype=jnp.float32) * s,
        "b_h": jnp.zeros((HID,), dtype=jnp.float32),
        "W_lin": jax.random.normal(ks[6], (HID, 1), dtype=jnp.float32) * s,
        "b_lin": jnp.zeros((1,), dtype=jnp.float32),
    }


def _dconv(X, row, col, norm_out, norm_in, W, b):
    # Diffusion convolution (Chebyshev-style recursion over both edge directions).
    def prop(x, src, dst, norm):
        msgs = norm[:, None] * x[src]  # gather + per-edge scale
        return jnp.zeros_like(x).at[dst].add(msgs)  # scatter-add

    Tx_0 = X
    H = X @ W[0, 0] + X @ W[1, 0]
    k_hops = W.shape[1]
    if k_hops > 1:
        Tx_1_o = prop(X, row, col, norm_out)
        Tx_1_i = prop(X, col, row, norm_in)
        H = H + Tx_1_o @ W[0, 1] + Tx_1_i @ W[1, 1]
    for k in range(2, k_hops):
        Tx_2_o = 2.0 * prop(Tx_1_o, row, col, norm_out) - Tx_0
        Tx_2_i = 2.0 * prop(Tx_1_i, col, row, norm_in) - Tx_0
        H = H + Tx_2_o @ W[0, k] + Tx_2_i @ W[1, k]
        Tx_0, Tx_1_o, Tx_1_i = X, Tx_2_o, Tx_2_i
    return H + b


def _model(x, edge_index, edge_weight, W_z, b_z, W_r, b_r, W_h, b_h, W_lin, b_lin):
    row, col = edge_index[0], edge_index[1]
    n = x.shape[0]
    # out/in weighted degrees via scatter-add of edge weights
    deg_out = jnp.zeros((n,), dtype=edge_weight.dtype).at[row].add(edge_weight)
    deg_in = jnp.zeros((n,), dtype=edge_weight.dtype).at[col].add(edge_weight)
    deg_out_safe = jnp.where(deg_out > 0, deg_out, 1.0)
    deg_in_safe = jnp.where(deg_in > 0, deg_in, 1.0)
    deg_out_inv = jnp.where(deg_out > 0, 1.0 / deg_out_safe, 0.0)
    deg_in_inv = jnp.where(deg_in > 0, 1.0 / deg_in_safe, 0.0)
    norm_out = deg_out_inv[row]
    norm_in = deg_in_inv[col]
    # DCRNN GRU cell with H0 = zeros
    H0 = jnp.zeros((n, W_z.shape[-1]), dtype=x.dtype)
    XH = jnp.concatenate([x, H0], axis=1)
    Z = jax.nn.sigmoid(_dconv(XH, row, col, norm_out, norm_in, W_z, b_z))
    R = jax.nn.sigmoid(_dconv(XH, row, col, norm_out, norm_in, W_r, b_r))
    XHR = jnp.concatenate([x, H0 * R], axis=1)
    H_tilde = jnp.tanh(_dconv(XHR, row, col, norm_out, norm_in, W_h, b_h))
    H = Z * H0 + (1.0 - Z) * H_tilde
    # outer module: ReLU + Linear(hidden_dim, 1)
    out = jax.nn.relu(H) @ W_lin + b_lin
    return out


def reference(x, edge_index, edge_weight, W_z, b_z, W_r, b_r, W_h, b_h, W_lin, b_lin):
    return _model(x, edge_index, edge_weight, W_z, b_z, W_r, b_r, W_h, b_h, W_lin, b_lin)

if __name__ == "__main__":
    import jax
    _d = setup_inputs()
    print(jax.jit(kernel)(*tuple(_d.values())))

</pallas_src>

<mosaic_0001>
#map = affine_map<(d0, d1) -> (0, 0)>
#map1 = affine_map<(d0, d1) -> (0)>
module attributes {stable_mosaic.version = 14 : i64} {
  func.func @_sc_prop_body(%arg0: i32, %arg1: i32, %arg2: memref<10000x128xf32, #tpu.memory_space<hbm>>, %arg3: memref<10000x128xf32, #tpu.memory_space<hbm>>, %arg4: memref<640000xi32, #tpu.memory_space<hbm>>, %arg5: memref<640000xi32, #tpu.memory_space<hbm>>, %arg6: memref<10240x128xf32, #tpu.memory_space<hbm>>, %arg7: memref<10240x128xf32, #tpu.memory_space<hbm>>, %arg8: memref<10240x128xf32, #tpu.memory_space<vmem_shared>>, %arg9: memref<640xi32, #tpu.memory_space<vmem>>, %arg10: memref<640xi32, #tpu.memory_space<vmem>>, %arg11: memref<80x128xf32, #tpu.memory_space<vmem>>, %arg12: memref<80x128xf32, #tpu.memory_space<vmem>>, %arg13: memref<80x128xf32, #tpu.memory_space<vmem>>, %arg14: memref<80x128xf32, #tpu.memory_space<vmem>>, %arg15: memref<!tpu.dma_semaphore, #tpu.memory_space<semaphore_mem>>, %arg16: memref<!tpu.dma_semaphore, #tpu.memory_space<semaphore_mem>>, %arg17: memref<!tpu.dma_semaphore, #tpu.memory_space<semaphore_mem>>, %arg18: memref<!tpu.dma_semaphore, #tpu.memory_space<semaphore_mem>>, %arg19: memref<!tpu.dma_semaphore, #tpu.memory_space<semaphore_mem>>, %arg20: memref<!tpu.dma_semaphore, #tpu.memory_space<semaphore_mem>>, %arg21: memref<!tpu.dma_semaphore, #tpu.memory_space<semaphore_mem>>, %arg22: memref<!tpu.dma_semaphore, #tpu.memory_space<semaphore_mem>>, %arg23: memref<!tpu.dma_semaphore, #tpu.memory_space<semaphore_mem>>) attributes {dimension_semantics = [#tpu.dimension_semantics<core_parallel>, #tpu.dimension_semantics<subcore_parallel>], iteration_bounds = array<i64: 2, 16>, scalar_prefetch = 0 : i64, scratch_operands = 16 : i64, tpu.core_type = #tpu.core_type<sc_vector_subcore>, window_params = [{transform_indices = #map}, {transform_indices = #map}, {transform_indices = #map1}, {transform_indices = #map1}, {transform_indices = #map}, {transform_indices = #map}]} {
    %mul3A = arith.constant 640 : i32
    %mul3A_0 = arith.muli %arg1, %mul3A : i32
    %mul3A_1 = arith.constant 40000 : i32
    %mul3A_2 = arith.muli %arg1, %mul3A_1 : i32
    %scan3A = arith.constant 0 : i32
    %scan3A_3 = arith.constant 0 : i32
    %scan3A_4 = arith.constant 80 : i32
    %scan3A_5 = arith.addi %scan3A_3, %scan3A_4 : i32
    %scan3A_6 = arith.constant 1 : i32
    %scan3A_7 = scf.for %scan3A_42 = %scan3A_3 to %scan3A_5 step %scan3A_6 iter_args(%scan3A_43 = %scan3A) -> (i32)  : i32 {
      %broadcast_in_dim3A = arith.constant 0.000000e+00 : f32
      %broadcast_in_dim3A_44 = vector.broadcast %broadcast_in_dim3A : f32 to vector<16xf32>
      %swap3A = arith.index_cast %scan3A_42 : i32 to index
      %swap3A_45 = arith.constant 0 : index
      %swap3A_46 = tpu.vector_load %arg11[%swap3A, %swap3A_45] {strides = array<i32>} : memref<80x128xf32, #tpu.memory_space<vmem>>, vector<1x16xf32>,
      %swap3A_47 = vector.shape_cast %swap3A_46 : vector<1x16xf32> to vector<16xf32>
      %swap3A_48 = vector.shape_cast %broadcast_in_dim3A_44 : vector<16xf32> to vector<1x16xf32>
      tpu.vector_store %arg11[%swap3A, %swap3A_45], %swap3A_48 {strides = array<i32>} : memref<80x128xf32, #tpu.memory_space<vmem>>, vector<1x16xf32>,
      %broadcast_in_dim3A_49 = arith.constant 0.000000e+00 : f32
      %broadcast_in_dim3A_50 = vector.broadcast %broadcast_in_dim3A_49 : f32 to vector<16xf32>
      %swap3A_51 = arith.index_cast %scan3A_42 : i32 to index
      %swap3A_52 = arith.constant 16 : index
      %swap3A_53 = tpu.vector_load %arg11[%swap3A_51, %swap3A_52] {strides = array<i32>} : memref<80x128xf32, #tpu.memory_space<vmem>>, vector<1x16xf32>,
      %swap3A_54 = vector.shape_cast %swap3A_53 : vector<1x16xf32> to vector<16xf32>
      %swap3A_55 = vector.shape_cast %broadcast_in_dim3A_50 : vector<16xf32> to vector<1x16xf32>
      tpu.vector_store %arg11[%swap3A_51, %swap3A_52], %swap3A_55 {strides = array<i32>} : memref<80x128xf32, #tpu.memory_space<vmem>>, vector<1x16xf32>,
      %broadcast_in_dim3A_56 = arith.constant 0.000000e+00 : f32
      %broadcast_in_dim3A_57 = vector.broadcast %broadcast_in_dim3A_56 : f32 to vector<16xf32>
      %swap3A_58 = arith.index_cast %scan3A_42 : i32 to index
      %swap3A_59 = arith.constant 32 : index
      %swap3A_60 = tpu.vector_load %arg11[%swap3A_58, %swap3A_59] {strides = array<i32>} : memref<80x128xf32, #tpu.memory_space<vmem>>, vector<1x16xf32>,
      %swap3A_61 = vector.shape_cast %swap3A_60 : vector<1x16xf32> to vector<16xf32>
      %swap3A_62 = vector.shape_cast %broadcast_in_dim3A_57 : vector<16xf32> to vector<1x16xf32>
      tpu.vector_store %arg11[%swap3A_58, %swap3A_59], %swap3A_62 {strides = array<i32>} : memref<80x128xf32, #tpu.memory_space<vmem>>, vector<1x16xf32>,
      %broadcast_in_dim3A_63 = arith.constant 0.000000e+00 : f32
      %broadcast_in_dim3A_64 = vector.broadcast %broadcast_in_dim3A_63 : f32 to vector<16xf32>
      %swap3A_65 = arith.index_cast %scan3A_42 : i32 to index
      %swap3A_66 = arith.constant 48 : index
      %swap3A_67 = tpu.vector_load %arg11[%swap3A_65, %swap3A_66] {strides = array<i32>} : memref<80x128xf32, #tpu.memory_space<vmem>>, vector<1x16xf32>,
      %swap3A_68 = vector.shape_cast %swap3A_67 : vector<1x16xf32> to vector<16xf32>
      %swap3A_69 = vector.shape_cast %broadcast_in_dim3A_64 : vector<16xf32> to vector<1x16xf32>
      tpu.vector_store %arg11[%swap3A_65, %swap3A_66], %swap3A_69 {strides = array<i32>} : memref<80x128xf32, #tpu.memory_space<vmem>>, vector<1x16xf32>,
      %broadcast_in_dim3A_70 = arith.constant 0.000000e+00 : f32
      %broadcast_in_dim3A_71 = vector.broadcast %broadcast_in_dim3A_70 : f32 to vector<16xf32>
      %swap3A_72 = arith.index_cast %scan3A_42 : i32 to index
      %swap3A_73 = arith.constant 64 : index
      %swap3A_74 = tpu.vector_load %arg11[%swap3A_72, %swap3A_73] {strides = array<i32>} : memref<80x128xf32, #tpu.memory_space<vmem>>, vector<1x16xf32>,
      %swap3A_75 = vector.shape_cast %swap3A_74 : vector<1x16xf32> to vector<16xf32>
      %swap3A_76 = vector.shape_cast %broadcast_in_dim3A_71 : vector<16xf32> to vector<1x16xf32>
      tpu.vector_store %arg11[%swap3A_72, %swap3A_73], %swap3A_76 {strides = array<i32>} : memref<80x128xf32, #tpu.memory_space<vmem>>, vector<1x16xf32>,
      %broadcast_in_dim3A_77 = arith.constant 0.000000e+00 : f32
      %broadcast_in_dim3A_78 = vector.broadcast %broadcast_in_dim3A_77 : f32 to vector<16xf32>
      %swap3A_79 = arith.index_cast %scan3A_42 : i32 to index
      %swap3A_80 = arith.constant 80 : index
      %swap3A_81 = tpu.vector_load %arg11[%swap3A_79, %swap3A_80] {strides = array<i32>} : memref<80x128xf32, #tpu.memory_space<vmem>>, vector<1x16xf32>,
      %swap3A_82 = vector.shape_cast %swap3A_81 : vector<1x16xf32> to vector<16xf32>
      %swap3A_83 = vector.shape_cast %broadcast_in_dim3A_78 : vector<16xf32> to vector<1x16xf32>
      tpu.vector_store %arg11[%swap3A_79, %swap3A_80], %swap3A_83 {strides = array<i32>} : memref<80x128xf32, #tpu.memory_space<vmem>>, vector<1x16xf32>,
      %broadcast_in_dim3A_84 = arith.constant 0.000000e+00 : f32
      %broadcast_in_dim3A_85 = vector.broadcast %broadcast_in_dim3A_84 : f32 to vector<16xf32>
      %swap3A_86 = arith.index_cast %scan3A_42 : i32 to index
      %swap3A_87 = arith.constant 96 : index
      %swap3A_88 = tpu.vector_load %arg11[%swap3A_86, %swap3A_87] {strides = array<i32>} : memref<80x128xf32, #tpu.memory_space<vmem>>, vector<1x16xf32>,
      %swap3A_89 = vector.shape_cast %swap3A_88 : vector<1x16xf32> to vector<16xf32>
      %swap3A_90 = vector.shape_cast %broadcast_in_dim3A_85 : vector<16xf32> to vector<1x16xf32>
      tpu.vector_store %arg11[%swap3A_86, %swap3A_87], %swap3A_90 {strides = array<i32>} : memref<80x128xf32, #tpu.memory_space<vmem>>, vector<1x16xf32>,
      %broadcast_in_dim3A_91 = arith.constant 0.000000e+00 : f32
      %broadcast_in_dim3A_92 = vector.broadcast %broadcast_in_dim3A_91 : f32 to vector<16xf32>
      %swap3A_93 = arith.index_cast %scan3A_42 : i32 to index
      %swap3A_94 = arith.constant 112 : index
      %swap3A_95 = tpu.vector_load %arg11[%swap3A_93, %swap3A_94] {strides = array<i32>} : memref<80x128xf32, #tpu.memory_space<vmem>>, vector<1x16xf32>,
      %swap3A_96 = vector.shape_cast %swap3A_95 : vector<1x16xf32> to vector<16xf32>
      %swap3A_97 = vector.shape_cast %broadcast_in_dim3A_92 : vector<16xf32> to vector<1x16xf32>
      tpu.vector_store %arg11[%swap3A_93, %swap3A_94], %swap3A_97 {strides = array<i32>} : memref<80x128xf32, #tpu.memory_space<vmem>>, vector<1x16xf32>,
      %scan3A_98 = arith.constant 0 : i32
      scf.yield %scan3A_98 : i32
    }
    %scan3A_8 = arith.constant 80 : i32
    %add3A = arith.constant 0 : i32
    %add3A_9 = arith.addi %mul3A_0, %add3A : i32
    "tpu.region"() ({
      %run_scoped3A = tpu.sem_alloc : memref<!tpu.dma_semaphore, #tpu.memory_space<semaphore_mem>>
      %dma_start3A = arith.constant 0 : i32
      %dma_start3A_42 = tpu.memref_slice %arg8[%add3A_9, %dma_start3A] : memref<10240x128xf32, #tpu.memory_space<vmem_shared>> -> memref<80x128xf32, #tpu.memory_space<vmem_shared>>
      %dma_start3A_43 = arith.constant 0 : i32
      %dma_start3A_44 = tpu.memref_slice %arg8[%add3A_9, %dma_start3A_43] : memref<10240x128xf32, #tpu.memory_space<vmem_shared>> -> memref<80x128xf32, #tpu.memory_space<vmem_shared>>
      tpu.enqueue_dma source(%arg11 : memref<80x128xf32, #tpu.memory_space<vmem>>) target(%dma_start3A_44 : memref<80x128xf32, #tpu.memory_space<vmem_shared>>) target_semaphore(%run_scoped3A : memref<!tpu.dma_semaphore, #tpu.memory_space<semaphore_mem>>)
      %dma_wait3A = arith.constant 0 : i32
      %dma_wait3A_45 = tpu.memref_slice %arg8[%add3A_9, %dma_wait3A] : memref<10240x128xf32, #tpu.memory_space<vmem_shared>> -> memref<80x128xf32, #tpu.memory_space<vmem_shared>>
      %dma_wait3A_46 = arith.constant 0 : i32
      %dma_wait3A_47 = tpu.memref_slice %arg8[%add3A_9, %dma_wait3A_46] : memref<10240x128xf32, #tpu.memory_space<vmem_shared>> -> memref<80x128xf32, #tpu.memory_space<vmem_shared>>
      tpu.wait_dma2 semaphore(%run_scoped3A : memref<!tpu.dma_semaphore, #tpu.memory_space<semaphore_mem>>) src(%arg11 : memref<80x128xf32, #tpu.memory_space<vmem>>) dst(%dma_wait3A_47 : memref<80x128xf32, #tpu.memory_space<vmem_shared>>)
      tpu.yield
    }) : () -> ()
    %add3A_10 = arith.constant 80 : i32
    %add3A_11 = arith.addi %mul3A_0, %add3A_10 : i32
    "tpu.region"() ({
      %run_scoped3A = tpu.sem_alloc : memref<!tpu.dma_semaphore, #tpu.memory_space<semaphore_mem>>
      %dma_start3A = arith.constant 0 : i32
      %dma_start3A_42 = tpu.memref_slice %arg8[%add3A_11, %dma_start3A] : memref<10240x128xf32, #tpu.memory_space<vmem_shared>> -> memref<80x128xf32, #tpu.memory_space<vmem_shared>>
      %dma_start3A_43 = arith.constant 0 : i32
      %dma_start3A_44 = tpu.memref_slice %arg8[%add3A_11, %dma_start3A_43] : memref<10240x128xf32, #tpu.memory_space<vmem_shared>> -> memref<80x128xf32, #tpu.memory_space<vmem_shared>>
      tpu.enqueue_dma source(%arg11 : memref<80x128xf32, #tpu.memory_space<vmem>>) target(%dma_start3A_44 : memref<80x128xf32, #tpu.memory_space<vmem_shared>>) target_semaphore(%run_scoped3A : memref<!tpu.dma_semaphore, #tpu.memory_space<semaphore_mem>>)
      %dma_wait3A = arith.constant 0 : i32
      %dma_wait3A_45 = tpu.memref_slice %arg8[%add3A_11, %dma_wait3A] : memref<10240x128xf32, #tpu.memory_space<vmem_shared>> -> memref<80x128xf32, #tpu.memory_space<vmem_shared>>
      %dma_wait3A_46 = arith.constant 0 : i32
      %dma_wait3A_47 = tpu.memref_slice %arg8[%add3A_11, %dma_wait3A_46] : memref<10240x128xf32, #tpu.memory_space<vmem_shared>> -> memref<80x128xf32, #tpu.memory_space<vmem_shared>>
      tpu.wait_dma2 semaphore(%run_scoped3A : memref<!tpu.dma_semaphore, #tpu.memory_space<semaphore_mem>>) src(%arg11 : memref<80x128xf32, #tpu.memory_space<vmem>>) dst(%dma_wait3A_47 : memref<80x128xf32, #tpu.memory_space<vmem_shared>>)
      tpu.yield
    }) : () -> ()
    %add3A_12 = arith.constant 160 : i32
    %add3A_13 = arith.addi %mul3A_0, %add3A_12 : i32
    "tpu.region"() ({
      %run_scoped3A = tpu.sem_alloc : memref<!tpu.dma_semaphore, #tpu.memory_space<semaphore_mem>>
      %dma_start3A = arith.constant 0 : i32
      %dma_start3A_42 = tpu.memref_slice %arg8[%add3A_13, %dma_start3A] : memref<10240x128xf32, #tpu.memory_space<vmem_shared>> -> memref<80x128xf32, #tpu.memory_space<vmem_shared>>
      %dma_start3A_43 = arith.constant 0 : i32
      %dma_start3A_44 = tpu.memref_slice %arg8[%add3A_13, %dma_start3A_43] : memref<10240x128xf32, #tpu.memory_space<vmem_shared>> -> memref<80x128xf32, #tpu.memory_space<vmem_shared>>
      tpu.enqueue_dma source(%arg11 : memref<80x128xf32, #tpu.memory_space<vmem>>) target(%dma_start3A_44 : memref<80x128xf32, #tpu.memory_space<vmem_shared>>) target_semaphore(%run_scoped3A : memref<!tpu.dma_semaphore, #tpu.memory_space<semaphore_mem>>)
      %dma_wait3A = arith.constant 0 : i32
      %dma_wait3A_45 = tpu.memref_slice %arg8[%add3A_13, %dma_wait3A] : memref<10240x128xf32, #tpu.memory_space<vmem_shared>> -> memref<80x128xf32, #tpu.memory_space<vmem_shared>>
      %dma_wait3A_46 = arith.constant 0 : i32
      %dma_wait3A_47 = tpu.memref_slice %arg8[%add3A_13, %dma_wait3A_46] : memref<10240x128xf32, #tpu.memory_space<vmem_shared>> -> memref<80x128xf32, #tpu.memory_space<vmem_shared>>
      tpu.wait_dma2 semaphore(%run_scoped3A : memref<!tpu.dma_semaphore, #tpu.memory_space<semaphore_mem>>) src(%arg11 : memref<80x128xf32, #tpu.memory_space<vmem>>) dst(%dma_wait3A_47 : memref<80x128xf32, #tpu.memory_space<vmem_shared>>)
      tpu.yield
    }) : () -> ()
    %add3A_14 = arith.constant 240 : i32
    %add3A_15 = arith.addi %mul3A_0, %add3A_14 : i32
    "tpu.region"() ({
      %run_scoped3A = tpu.sem_alloc : memref<!tpu.dma_semaphore, #tpu.memory_space<semaphore_mem>>
      %dma_start3A = arith.constant 0 : i32
      %dma_start3A_42 = tpu.memref_slice %arg8[%add3A_15, %dma_start3A] : memref<10240x128xf32, #tpu.memory_space<vmem_shared>> -> memref<80x128xf32, #tpu.memory_space<vmem_shared>>
      %dma_start3A_43 = arith.constant 0 : i32
      %dma_start3A_44 = tpu.memref_slice %arg8[%add3A_15, %dma_start3A_43] : memref<10240x128xf32, #tpu.memory_space<vmem_shared>> -> memref<80x128xf32, #tpu.memory_space<vmem_shared>>
      tpu.enqueue_dma source(%arg11 : memref<80x128xf32, #tpu.memory_space<vmem>>) target(%dma_start3A_44 : memref<80x128xf32, #tpu.memory_space<vmem_shared>>) target_semaphore(%run_scoped3A : memref<!tpu.dma_semaphore, #tpu.memory_space<semaphore_mem>>)
      %dma_wait3A = arith.constant 0 : i32
      %dma_wait3A_45 = tpu.memref_slice %arg8[%add3A_15, %dma_wait3A] : memref<10240x128xf32, #tpu.memory_space<vmem_shared>> -> memref<80x128xf32, #tpu.memory_space<vmem_shared>>
      %dma_wait3A_46 = arith.constant 0 : i32
      %dma_wait3A_47 = tpu.memref_slice %arg8[%add3A_15, %dma_wait3A_46] : memref<10240x128xf32, #tpu.memory_space<vmem_shared>> -> memref<80x128xf32, #tpu.memory_space<vmem_shared>>
      tpu.wait_dma2 semaphore(%run_scoped3A : memref<!tpu.dma_semaphore, #tpu.memory_space<semaphore_mem>>) src(%arg11 : memref<80x128xf32, #tpu.memory_space<vmem>>) dst(%dma_wait3A_47 : memref<80x128xf32, #tpu.memory_space<vmem_shared>>)
      tpu.yield
    }) : () -> ()
    %add3A_16 = arith.constant 320 : i32
    %add3A_17 = arith.addi %mul3A_0, %add3A_16 : i32
    "tpu.region"() ({
      %run_scoped3A = tpu.sem_alloc : memref<!tpu.dma_semaphore, #tpu.memory_space<semaphore_mem>>
      %dma_start3A = arith.constant 0 : i32
      %dma_start3A_42 = tpu.memref_slice %arg8[%add3A_17, %dma_start3A] : memref<10240x128xf32, #tpu.memory_space<vmem_shared>> -> memref<80x128xf32, #tpu.memory_space<vmem_shared>>
      %dma_start3A_43 = arith.constant 0 : i32
      %dma_start3A_44 = tpu.memref_slice %arg8[%add3A_17, %dma_start3A_43] : memref<10240x128xf32, #tpu.memory_space<vmem_shared>> -> memref<80x128xf32, #tpu.memory_space<vmem_shared>>
      tpu.enqueue_dma source(%arg11 : memref<80x128xf32, #tpu.memory_space<vmem>>) target(%dma_start3A_44 : memref<80x128xf32, #tpu.memory_space<vmem_shared>>) target_semaphore(%run_scoped3A : memref<!tpu.dma_semaphore, #tpu.memory_space<semaphore_mem>>)
      %dma_wait3A = arith.constant 0 : i32
      %dma_wait3A_45 = tpu.memref_slice %arg8[%add3A_17, %dma_wait3A] : memref<10240x128xf32, #tpu.memory_space<vmem_shared>> -> memref<80x128xf32, #tpu.memory_space<vmem_shared>>
      %dma_wait3A_46 = arith.constant 0 : i32
      %dma_wait3A_47 = tpu.memref_slice %arg8[%add3A_17, %dma_wait3A_46] : memref<10240x128xf32, #tpu.memory_space<vmem_shared>> -> memref<80x128xf32, #tpu.memory_space<vmem_shared>>
      tpu.wait_dma2 semaphore(%run_scoped3A : memref<!tpu.dma_semaphore, #tpu.memory_space<semaphore_mem>>) src(%arg11 : memref<80x128xf32, #tpu.memory_space<vmem>>) dst(%dma_wait3A_47 : memref<80x128xf32, #tpu.memory_space<vmem_shared>>)
      tpu.yield
    }) : () -> ()
    %add3A_18 = arith.constant 400 : i32
    %add3A_19 = arith.addi %mul3A_0, %add3A_18 : i32
    "tpu.region"() ({
      %run_scoped3A = tpu.sem_alloc : memref<!tpu.dma_semaphore, #tpu.memory_space<semaphore_mem>>
      %dma_start3A = arith.constant 0 : i32
      %dma_start3A_42 = tpu.memref_slice %arg8[%add3A_19, %dma_start3A] : memref<10240x128xf32, #tpu.memory_space<vmem_shared>> -> memref<80x128xf32, #tpu.memory_space<vmem_shared>>
      %dma_start3A_43 = arith.constant 0 : i32
      %dma_start3A_44 = tpu.memref_slice %arg8[%add3A_19, %dma_start3A_43] : memref<10240x128xf32, #tpu.memory_space<vmem_shared>> -> memref<80x128xf32, #tpu.memory_space<vmem_shared>>
      tpu.enqueue_dma source(%arg11 : memref<80x128xf32, #tpu.memory_space<vmem>>) target(%dma_start3A_44 : memref<80x128xf32, #tpu.memory_space<vmem_shared>>) target_semaphore(%run_scoped3A : memref<!tpu.dma_semaphore, #tpu.memory_space<semaphore_mem>>)
      %dma_wait3A = arith.constant 0 : i32
      %dma_wait3A_45 = tpu.memref_slice %arg8[%add3A_19, %dma_wait3A] : memref<10240x128xf32, #tpu.memory_space<vmem_shared>> -> memref<80x128xf32, #tpu.memory_space<vmem_shared>>
      %dma_wait3A_46 = arith.constant 0 : i32
      %dma_wait3A_47 = tpu.memref_slice %arg8[%add3A_19, %dma_wait3A_46] : memref<10240x128xf32, #tpu.memory_space<vmem_shared>> -> memref<80x128xf32, #tpu.memory_space<vmem_shared>>
      tpu.wait_dma2 semaphore(%run_scoped3A : memref<!tpu.dma_semaphore, #tpu.memory_space<semaphore_mem>>) src(%arg11 : memref<80x128xf32, #tpu.memory_space<vmem>>) dst(%dma_wait3A_47 : memref<80x128xf32, #tpu.memory_space<vmem_shared>>)
      tpu.yield
    }) : () -> ()
    %add3A_20 = arith.constant 480 : i32
    %add3A_21 = arith.addi %mul3A_0, %add3A_20 : i32
    "tpu.region"() ({
      %run_scoped3A = tpu.sem_alloc : memref<!tpu.dma_semaphore, #tpu.memory_space<semaphore_mem>>
      %dma_start3A = arith.constant 0 : i32
      %dma_start3A_42 = tpu.memref_slice %arg8[%add3A_21, %dma_start3A] : memref<10240x128xf32, #tpu.memory_space<vmem_shared>> -> memref<80x128xf32, #tpu.memory_space<vmem_shared>>
      %dma_start3A_43 = arith.constant 0 : i32
      %dma_start3A_44 = tpu.memref_slice %arg8[%add3A_21, %dma_start3A_43] : memref<10240x128xf32, #tpu.memory_space<vmem_shared>> -> memref<80x128xf32, #tpu.memory_space<vmem_shared>>
      tpu.enqueue_dma source(%arg11 : memref<80x128xf32, #tpu.memory_space<vmem>>) target(%dma_start3A_44 : memref<80x128xf32, #tpu.memory_space<vmem_shared>>) target_semaphore(%run_scoped3A : memref<!tpu.dma_semaphore, #tpu.memory_space<semaphore_mem>>)
      %dma_wait3A = arith.constant 0 : i32
      %dma_wait3A_45 = tpu.memref_slice %arg8[%add3A_21, %dma_wait3A] : memref<10240x128xf32, #tpu.memory_space<vmem_shared>> -> memref<80x128xf32, #tpu.memory_space<vmem_shared>>
      %dma_wait3A_46 = arith.constant 0 : i32
      %dma_wait3A_47 = tpu.memref_slice %arg8[%add3A_21, %dma_wait3A_46] : memref<10240x128xf32, #tpu.memory_space<vmem_shared>> -> memref<80x128xf32, #tpu.memory_space<vmem_shared>>
      tpu.wait_dma2 semaphore(%run_scoped3A : memref<!tpu.dma_semaphore, #tpu.memory_space<semaphore_mem>>) src(%arg11 : memref<80x128xf32, #tpu.memory_space<vmem>>) dst(%dma_wait3A_47 : memref<80x128xf32, #tpu.memory_space<vmem_shared>>)
      tpu.yield
    }) : () -> ()
    %add3A_22 = arith.constant 560 : i32
    %add3A_23 = arith.addi %mul3A_0, %add3A_22 : i32
    "tpu.region"() ({
      %run_scoped3A = tpu.sem_alloc : memref<!tpu.dma_semaphore, #tpu.memory_space<semaphore_mem>>
      %dma_start3A = arith.constant 0 : i32
      %dma_start3A_42 = tpu.memref_slice %arg8[%add3A_23, %dma_start3A] : memref<10240x128xf32, #tpu.memory_space<vmem_shared>> -> memref<80x128xf32, #tpu.memory_space<vmem_shared>>
      %dma_start3A_43 = arith.constant 0 : i32
      %dma_start3A_44 = tpu.memref_slice %arg8[%add3A_23, %dma_start3A_43] : memref<10240x128xf32, #tpu.memory_space<vmem_shared>> -> memref<80x128xf32, #tpu.memory_space<vmem_shared>>
      tpu.enqueue_dma source(%arg11 : memref<80x128xf32, #tpu.memory_space<vmem>>) target(%dma_start3A_44 : memref<80x128xf32, #tpu.memory_space<vmem_shared>>) target_semaphore(%run_scoped3A : memref<!tpu.dma_semaphore, #tpu.memory_space<semaphore_mem>>)
      %dma_wait3A = arith.constant 0 : i32
      %dma_wait3A_45 = tpu.memref_slice %arg8[%add3A_23, %dma_wait3A] : memref<10240x128xf32, #tpu.memory_space<vmem_shared>> -> memref<80x128xf32, #tpu.memory_space<vmem_shared>>
      %dma_wait3A_46 = arith.constant 0 : i32
      %dma_wait3A_47 = tpu.memref_slice %arg8[%add3A_23, %dma_wait3A_46] : memref<10240x128xf32, #tpu.memory_space<vmem_shared>> -> memref<80x128xf32, #tpu.memory_space<vmem_shared>>
      tpu.wait_dma2 semaphore(%run_scoped3A : memref<!tpu.dma_semaphore, #tpu.memory_space<semaphore_mem>>) src(%arg11 : memref<80x128xf32, #tpu.memory_space<vmem>>) dst(%dma_wait3A_47 : memref<80x128xf32, #tpu.memory_space<vmem_shared>>)
      tpu.yield
    }) : () -> ()
    %barrier3A = arith.constant 0 : index
    tpu.barrier barrier_id(%barrier3A)
    %eq3A = arith.constant 0 : i32
    %eq3A_24 = arith.cmpi eq, %arg0, %eq3A : i32
    %convert_element_type3A = arith.extui %eq3A_24 : i1 to i32
    %cond3A = arith.constant 0 : i32
    %cond3A_25 = arith.cmpi ne, %convert_element_type3A, %cond3A : i32
    scf.if %cond3A_25 {
      "tpu.region"() ({
        %run_scoped3A = tpu.sem_alloc : memref<!tpu.dma_semaphore, #tpu.memory_space<semaphore_mem>>
        %dma_start3A_127 = arith.constant 0 : i32
        %dma_start3A_128 = tpu.memref_slice %arg9[%dma_start3A_127] : memref<640xi32, #tpu.memory_space<vmem>> -> memref<320xi32, #tpu.memory_space<vmem>>
        %dma_start3A_129 = tpu.memref_slice %arg4[%mul3A_2] : memref<640000xi32, #tpu.memory_space<hbm>> -> memref<320xi32, #tpu.memory_space<hbm>>
        %dma_start3A_130 = arith.constant 0 : i32
        %dma_start3A_131 = tpu.memref_slice %arg9[%dma_start3A_130] : memref<640xi32, #tpu.memory_space<vmem>> -> memref<320xi32, #tpu.memory_space<vmem>>
        %dma_start3A_132 = tpu.memref_slice %arg4[%mul3A_2] : memref<640000xi32, #tpu.memory_space<hbm>> -> memref<320xi32, #tpu.memory_space<hbm>>
        tpu.enqueue_dma source(%dma_start3A_132 : memref<320xi32, #tpu.memory_space<hbm>>) target(%dma_start3A_131 : memref<320xi32, #tpu.memory_space<vmem>>) target_semaphore(%run_scoped3A : memref<!tpu.dma_semaphore, #tpu.memory_space<semaphore_mem>>)
        %dma_wait3A_133 = arith.constant 0 : i32
        %dma_wait3A_134 = tpu.memref_slice %arg9[%dma_wait3A_133] : memref<640xi32, #tpu.memory_space<vmem>> -> memref<320xi32, #tpu.memory_space<vmem>>
        %dma_wait3A_135 = tpu.memref_slice %arg4[%mul3A_2] : memref<640000xi32, #tpu.memory_space<hbm>> -> memref<320xi32, #tpu.memory_space<hbm>>
        %dma_wait3A_136 = arith.constant 0 : i32
        %dma_wait3A_137 = tpu.memref_slice %arg9[%dma_wait3A_136] : memref<640xi32, #tpu.memory_space<vmem>> -> memref<320xi32, #tpu.memory_space<vmem>>
        %dma_wait3A_138 = tpu.memref_slice %arg4[%mul3A_2] : memref<640000xi32, #tpu.memory_space<hbm>> -> memref<320xi32, #tpu.memory_space<hbm>>
        tpu.wait_dma2 semaphore(%run_scoped3A : memref<!tpu.dma_semaphore, #tpu.memory_space<semaphore_mem>>) src(%dma_wait3A_138 : memref<320xi32, #tpu.memory_space<hbm>>) dst(%dma_wait3A_137 : memref<320xi32, #tpu.memory_space<vmem>>)
        tpu.yield
      }) : () -> ()
      "tpu.region"() ({
        %run_scoped3A = tpu.sem_alloc : memref<!tpu.dma_semaphore, #tpu.memory_space<semaphore_mem>>
        %dma_start3A_127 = arith.constant 0 : i32
        %dma_start3A_128 = tpu.memref_slice %arg10[%dma_start3A_127] : memref<640xi32, #tpu.memory_space<vmem>> -> memref<320xi32, #tpu.memory_space<vmem>>
        %dma_start3A_129 = tpu.memref_slice %arg5[%mul3A_2] : memref<640000xi32, #tpu.memory_space<hbm>> -> memref<320xi32, #tpu.memory_space<hbm>>
        %dma_start3A_130 = arith.constant 0 : i32
        %dma_start3A_131 = tpu.memref_slice %arg10[%dma_start3A_130] : memref<640xi32, #tpu.memory_space<vmem>> -> memref<320xi32, #tpu.memory_space<vmem>>
        %dma_start3A_132 = tpu.memref_slice %arg5[%mul3A_2] : memref<640000xi32, #tpu.memory_space<hbm>> -> memref<320xi32, #tpu.memory_space<hbm>>
        tpu.enqueue_dma source(%dma_start3A_132 : memref<320xi32, #tpu.memory_space<hbm>>) target(%dma_start3A_131 : memref<320xi32, #tpu.memory_space<vmem>>) target_semaphore(%run_scoped3A : memref<!tpu.dma_semaphore, #tpu.memory_space<semaphore_mem>>)
        %dma_wait3A_133 = arith.constant 0 : i32
        %dma_wait3A_134 = tpu.memref_slice %arg10[%dma_wait3A_133] : memref<640xi32, #tpu.memory_space<vmem>> -> memref<320xi32, #tpu.memory_space<vmem>>
        %dma_wait3A_135 = tpu.memref_slice %arg5[%mul3A_2] : memref<640000xi32, #tpu.memory_space<hbm>> -> memref<320xi32, #tpu.memory_space<hbm>>
        %dma_wait3A_136 = arith.constant 0 : i32
        %dma_wait3A_137 = tpu.memref_slice %arg10[%dma_wait3A_136] : memref<640xi32, #tpu.memory_space<vmem>> -> memref<320xi32, #tpu.memory_space<vmem>>
        %dma_wait3A_138 = tpu.memref_slice %arg5[%mul3A_2] : memref<640000xi32, #tpu.memory_space<hbm>> -> memref<320xi32, #tpu.memory_space<hbm>>
        tpu.wait_dma2 semaphore(%run_scoped3A : memref<!tpu.dma_semaphore, #tpu.memory_space<semaphore_mem>>) src(%dma_wait3A_138 : memref<320xi32, #tpu.memory_space<hbm>>) dst(%dma_wait3A_137 : memref<320xi32, #tpu.memory_space<vmem>>)
        tpu.yield
      }) : () -> ()
      %dma_start3A = arith.constant 0 : i32
      %dma_start3A_42 = tpu.memref_slice %arg9[%dma_start3A] : memref<640xi32, #tpu.memory_space<vmem>> -> memref<80xi32, #tpu.memory_space<vmem>>
      %dma_start3A_43 = arith.constant 0 : i32
      %dma_start3A_44 = arith.constant 0 : i32
      %dma_start3A_45 = tpu.memref_slice %arg2[%dma_start3A_43, %dma_start3A_44] : memref<10000x128xf32, #tpu.memory_space<hbm>> -> memref<10000x128xf32, #tpu.memory_space<hbm>>
      tpu.enqueue_indirect_dma source(%dma_start3A_45 : memref<10000x128xf32, #tpu.memory_space<hbm>>) target(%arg11 : memref<80x128xf32, #tpu.memory_space<vmem>>) offsets(%dma_start3A_42 : memref<80xi32, #tpu.memory_space<vmem>>) semaphore(%arg16 : memref<!tpu.dma_semaphore, #tpu.memory_space<semaphore_mem>>)
      %dma_start3A_46 = arith.constant 80 : i32
      %dma_start3A_47 = tpu.memref_slice %arg9[%dma_start3A_46] : memref<640xi32, #tpu.memory_space<vmem>> -> memref<80xi32, #tpu.memory_space<vmem>>
      %dma_start3A_48 = arith.constant 0 : i32
      %dma_start3A_49 = arith.constant 0 : i32
      %dma_start3A_50 = tpu.memref_slice %arg2[%dma_start3A_48, %dma_start3A_49] : memref<10000x128xf32, #tpu.memory_space<hbm>> -> memref<10000x128xf32, #tpu.memory_space<hbm>>
      tpu.enqueue_indirect_dma source(%dma_start3A_50 : memref<10000x128xf32, #tpu.memory_space<hbm>>) target(%arg12 : memref<80x128xf32, #tpu.memory_space<vmem>>) offsets(%dma_start3A_47 : memref<80xi32, #tpu.memory_space<vmem>>) semaphore(%arg17 : memref<!tpu.dma_semaphore, #tpu.memory_space<semaphore_mem>>)
      %dma_start3A_51 = arith.constant 160 : i32
      %dma_start3A_52 = tpu.memref_slice %arg9[%dma_start3A_51] : memref<640xi32, #tpu.memory_space<vmem>> -> memref<80xi32, #tpu.memory_space<vmem>>
      %dma_start3A_53 = arith.constant 0 : i32
      %dma_start3A_54 = arith.constant 0 : i32
      %dma_start3A_55 = tpu.memref_slice %arg2[%dma_start3A_53, %dma_start3A_54] : memref<10000x128xf32, #tpu.memory_space<hbm>> -> memref<10000x128xf32, #tpu.memory_space<hbm>>
      tpu.enqueue_indirect_dma source(%dma_start3A_55 : memref<10000x128xf32, #tpu.memory_space<hbm>>) target(%arg13 : memref<80x128xf32, #tpu.memory_space<vmem>>) offsets(%dma_start3A_52 : memref<80xi32, #tpu.memory_space<vmem>>) semaphore(%arg18 : memref<!tpu.dma_semaphore, #tpu.memory_space<semaphore_mem>>)
      %dma_start3A_56 = arith.constant 240 : i32
      %dma_start3A_57 = tpu.memref_slice %arg9[%dma_start3A_56] : memref<640xi32, #tpu.memory_space<vmem>> -> memref<80xi32, #tpu.memory_space<vmem>>
      %dma_start3A_58 = arith.constant 0 : i32
      %dma_start3A_59 = arith.constant 0 : i32
      %dma_start3A_60 = tpu.memref_slice %arg2[%dma_start3A_58, %dma_start3A_59] : memref<10000x128xf32, #tpu.memory_space<hbm>> -> memref<10000x128xf32, #tpu.memory_space<hbm>>
      tpu.enqueue_indirect_dma source(%dma_start3A_60 : memref<10000x128xf32, #tpu.memory_space<hbm>>) target(%arg14 : memref<80x128xf32, #tpu.memory_space<vmem>>) offsets(%dma_start3A_57 : memref<80xi32, #tpu.memory_space<vmem>>) semaphore(%arg19 : memref<!tpu.dma_semaphore, #tpu.memory_space<semaphore_mem>>)
      %scan3A_61 = arith.constant 0 : i32
      %scan3A_62 = arith.constant 0 : i32
      %scan3A_63 = arith.constant 124 : i32
      %scan3A_64 = arith.addi %scan3A_62, %scan3A_63 : i32
      %scan3A_65 = arith.constant 1 : i32
      %scan3A_66 = scf.for %scan3A_127 = %scan3A_62 to %scan3A_64 step %scan3A_65 iter_args(%scan3A_128 = %scan3A_61) -> (i32)  : i32 {
        %rem3A = arith.constant 2 : i32
        %rem3A_129 = arith.remsi %scan3A_127, %rem3A : i32
        %mul3A_130 = arith.constant 320 : i32
        %mul3A_131 = arith.muli %rem3A_129, %mul3A_130 : i32
        %add3A_132 = arith.constant 1 : i32
        %add3A_133 = arith.addi %scan3A_127, %add3A_132 : i32
        %rem3A_134 = arith.constant 2 : i32
        %rem3A_135 = arith.remsi %add3A_133, %rem3A_134 : i32
        %mul3A_136 = arith.constant 320 : i32
        %mul3A_137 = arith.muli %rem3A_135, %mul3A_136 : i32
        %multiple_of3A = tpu.assume_multiple %mul3A_137, 8 : i32
        %add3A_138 = arith.constant 1 : i32
        %add3A_139 = arith.addi %scan3A_127, %add3A_138 : i32
        %mul3A_140 = arith.constant 320 : i32
        %mul3A_141 = arith.muli %add3A_139, %mul3A_140 : i32
        %add3A_142 = arith.addi %mul3A_2, %mul3A_141 : i32
        %dma_start3A_143 = tpu.memref_slice %arg9[%multiple_of3A] : memref<640xi32, #tpu.memory_space<vmem>> -> memref<320xi32, #tpu.memory_space<vmem>>
        %dma_start3A_144 = tpu.memref_slice %arg4[%add3A_142] : memref<640000xi32, #tpu.memory_space<hbm>> -> memref<320xi32, #tpu.memory_space<hbm>>
        %dma_start3A_145 = tpu.memref_slice %arg9[%multiple_of3A] : memref<640xi32, #tpu.memory_space<vmem>> -> memref<320xi32, #tpu.memory_space<vmem>>
        %dma_start3A_146 = tpu.memref_slice %arg4[%add3A_142] : memref<640000xi32, #tpu.memory_space<hbm>> -> memref<320xi32, #tpu.memory_space<hbm>>
        tpu.enqueue_dma source(%dma_start3A_146 : memref<320xi32, #tpu.memory_space<hbm>>) target(%dma_start3A_145 : memref<320xi32, #tpu.memory_space<vmem>>) target_semaphore(%arg15 : memref<!tpu.dma_semaphore, #tpu.memory_space<semaphore_mem>>)
        %dma_start3A_147 = tpu.memref_slice %arg10[%multiple_of3A] : memref<640xi32, #tpu.memory_space<vmem>> -> memref<320xi32, #tpu.memory_space<vmem>>
        %dma_start3A_148 = tpu.memref_slice %arg5[%add3A_142] : memref<640000xi32, #tpu.memory_space<hbm>> -> memref<320xi32, #tpu.memory_space<hbm>>
        %dma_start3A_149 = tpu.memref_slice %arg10[%multiple_of3A] : memref<640xi32, #tpu.memory_space<vmem>> -> memref<320xi32, #tpu.memory_space<vmem>>
        %dma_start3A_150 = tpu.memref_slice %arg5[%add3A_142] : memref<640000xi32, #tpu.memory_space<hbm>> -> memref<320xi32, #tpu.memory_space<hbm>>
        tpu.enqueue_dma source(%dma_start3A_150 : memref<320xi32, #tpu.memory_space<hbm>>) target(%dma_start3A_149 : memref<320xi32, #tpu.memory_space<vmem>>) target_semaphore(%arg15 : memref<!tpu.dma_semaphore, #tpu.memory_space<semaphore_mem>>)
        %add3A_151 = arith.constant 0 : i32
        %add3A_152 = arith.addi %mul3A_131, %add3A_151 : i32
        %multiple_of3A_153 = tpu.assume_multiple %add3A_152, 8 : i32
        %dma_wait3A_154 = tpu.memref_slice %arg9[%multiple_of3A_153] : memref<640xi32, #tpu.memory_space<vmem>> -> memref<80xi32, #tpu.memory_space<vmem>>
        %dma_wait3A_155 = arith.constant 0 : i32
        %dma_wait3A_156 = arith.constant 0 : i32
        %dma_wait3A_157 = tpu.memref_slice %arg2[%dma_wait3A_155, %dma_wait3A_156] : memref<10000x128xf32, #tpu.memory_space<hbm>> -> memref<10000x128xf32, #tpu.memory_space<hbm>>
        tpu.wait_indirect_dma semaphore(%arg16 : memref<!tpu.dma_semaphore, #tpu.memory_space<semaphore_mem>>) src(%dma_wait3A_157 : memref<10000x128xf32, #tpu.memory_space<hbm>>) dst(%arg11 : memref<80x128xf32, #tpu.memory_space<vmem>>)
        %dma_start3A_158 = tpu.memref_slice %arg10[%multiple_of3A_153] : memref<640xi32, #tpu.memory_space<vmem>> -> memref<80xi32, #tpu.memory_space<vmem>>
        %dma_start3A_159 = arith.constant 0 : i32
        %dma_start3A_160 = arith.constant 0 : i32
        %dma_start3A_161 = tpu.memref_slice %arg8[%dma_start3A_159, %dma_start3A_160] : memref<10240x128xf32, #tpu.memory_space<vmem_shared>> -> memref<10240x128xf32, #tpu.memory_space<vmem_shared>>
        tpu.enqueue_indirect_dma source(%arg11 : memref<80x128xf32, #tpu.memory_space<vmem>>) target(%dma_start3A_161 : memref<10240x128xf32, #tpu.memory_space<vmem_shared>>) offsets(%dma_start3A_158 : memref<80xi32, #tpu.memory_space<vmem>>) semaphore(%arg20 : memref<!tpu.dma_semaphore, #tpu.memory_space<semaphore_mem>>) {add = true}
        %add3A_162 = arith.constant 80 : i32
        %add3A_163 = arith.addi %mul3A_131, %add3A_162 : i32
        %multiple_of3A_164 = tpu.assume_multiple %add3A_163, 8 : i32
        %dma_wait3A_165 = tpu.memref_slice %arg9[%multiple_of3A_164] : memref<640xi32, #tpu.memory_space<vmem>> -> memref<80xi32, #tpu.memory_space<vmem>>
        %dma_wait3A_166 = arith.constant 0 : i32
        %dma_wait3A_167 = arith.constant 0 : i32
        %dma_wait3A_168 = tpu.memref_slice %arg2[%dma_wait3A_166, %dma_wait3A_167] : memref<10000x128xf32, #tpu.memory_space<hbm>> -> memref<10000x128xf32, #tpu.memory_space<hbm>>
        tpu.wait_indirect_dma semaphore(%arg17 : memref<!tpu.dma_semaphore, #tpu.memory_space<semaphore_mem>>) src(%dma_wait3A_168 : memref<10000x128xf32, #tpu.memory_space<hbm>>) dst(%arg12 : memref<80x128xf32, #tpu.memory_space<vmem>>)
        %dma_start3A_169 = tpu.memref_slice %arg10[%multiple_of3A_164] : memref<640xi32, #tpu.memory_space<vmem>> -> memref<80xi32, #tpu.memory_space<vmem>>
        %dma_start3A_170 = arith.constant 0 : i32
        %dma_start3A_171 = arith.constant 0 : i32
        %dma_start3A_172 = tpu.memref_slice %arg8[%dma_start3A_170, %dma_start3A_171] : memref<10240x128xf32, #tpu.memory_space<vmem_shared>> -> memref<10240x128xf32, #tpu.memory_space<vmem_shared>>
        tpu.enqueue_indirect_dma source(%arg12 : memref<80x128xf32, #tpu.memory_space<vmem>>) target(%dma_start3A_172 : memref<10240x128xf32, #tpu.memory_space<vmem_shared>>) offsets(%dma_start3A_169 : memref<80xi32, #tpu.memory_space<vmem>>) semaphore(%arg21 : memref<!tpu.dma_semaphore, #tpu.memory_space<semaphore_mem>>) {add = true}
        %add3A_173 = arith.constant 160 : i32
        %add3A_174 = arith.addi %mul3A_131, %add3A_173 : i32
        %multiple_of3A_175 = tpu.assume_multiple %add3A_174, 8 : i32
        %dma_wait3A_176 = tpu.memref_slice %arg9[%multiple_of3A_175] : memref<640xi32, #tpu.memory_space<vmem>> -> memref<80xi32, #tpu.memory_space<vmem>>
        %dma_wait3A_177 = arith.constant 0 : i32
        %dma_wait3A_178 = arith.constant 0 : i32
        %dma_wait3A_179 = tpu.memref_slice %arg2[%dma_wait3A_177, %dma_wait3A_178] : memref<10000x128xf32, #tpu.memory_space<hbm>> -> memref<10000x128xf32, #tpu.memory_space<hbm>>
        tpu.wait_indirect_dma semaphore(%arg18 : memref<!tpu.dma_semaphore, #tpu.memory_space<semaphore_mem>>) src(%dma_wait3A_179 : memref<10000x128xf32, #tpu.memory_space<hbm>>) dst(%arg13 : memref<80x128xf32, #tpu.memory_space<vmem>>)
        %dma_start3A_180 = tpu.memref_slice %arg10[%multiple_of3A_175] : memref<640xi32, #tpu.memory_space<vmem>> -> memref<80xi32, #tpu.memory_space<vmem>>
        %dma_start3A_181 = arith.constant 0 : i32
        %dma_start3A_182 = arith.constant 0 : i32
        %dma_start3A_183 = tpu.memref_slice %arg8[%dma_start3A_181, %dma_start3A_182] : memref<10240x128xf32, #tpu.memory_space<vmem_shared>> -> memref<10240x128xf32, #tpu.memory_space<vmem_shared>>
        tpu.enqueue_indirect_dma source(%arg13 : memref<80x128xf32, #tpu.memory_space<vmem>>) target(%dma_start3A_183 : memref<10240x128xf32, #tpu.memory_space<vmem_shared>>) offsets(%dma_start3A_180 : memref<80xi32, #tpu.memory_space<vmem>>) semaphore(%arg22 : memref<!tpu.dma_semaphore, #tpu.memory_space<semaphore_mem>>) {add = true}
        %add3A_184 = arith.constant 240 : i32
        %add3A_185 = arith.addi %mul3A_131, %add3A_184 : i32
        %multiple_of3A_186 = tpu.assume_multiple %add3A_185, 8 : i32
        %dma_wait3A_187 = tpu.memref_slice %arg9[%multiple_of3A_186] : memref<640xi32, #tpu.memory_space<vmem>> -> memref<80xi32, #tpu.memory_space<vmem>>
        %dma_wait3A_188 = arith.constant 0 : i32
        %dma_wait3A_189 = arith.constant 0 : i32
        %dma_wait3A_190 = tpu.memref_slice %arg2[%dma_wait3A_188, %dma_wait3A_189] : memref<10000x128xf32, #tpu.memory_space<hbm>> -> memref<10000x128xf32, #tpu.memory_space<hbm>>
        tpu.wait_indirect_dma semaphore(%arg19 : memref<!tpu.dma_semaphore, #tpu.memory_space<semaphore_mem>>) src(%dma_wait3A_190 : memref<10000x128xf32, #tpu.memory_space<hbm>>) dst(%arg14 : memref<80x128xf32, #tpu.memory_space<vmem>>)
        %dma_start3A_191 = tpu.memref_slice %arg10[%multiple_of3A_186] : memref<640xi32, #tpu.memory_space<vmem>> -> memref<80xi32, #tpu.memory_space<vmem>>
        %dma_start3A_192 = arith.constant 0 : i32
        %dma_start3A_193 = arith.constant 0 : i32
        %dma_start3A_194 = tpu.memref_slice %arg8[%dma_start3A_192, %dma_start3A_193] : memref<10240x128xf32, #tpu.memory_space<vmem_shared>> -> memref<10240x128xf32, #tpu.memory_space<vmem_shared>>
        tpu.enqueue_indirect_dma source(%arg14 : memref<80x128xf32, #tpu.memory_space<vmem>>) target(%dma_start3A_194 : memref<10240x128xf32, #tpu.memory_space<vmem_shared>>) offsets(%dma_start3A_191 : memref<80xi32, #tpu.memory_space<vmem>>) semaphore(%arg23 : memref<!tpu.dma_semaphore, #tpu.memory_space<semaphore_mem>>) {add = true}
        %dma_wait3A_195 = tpu.memref_slice %arg9[%multiple_of3A] : memref<640xi32, #tpu.memory_space<vmem>> -> memref<320xi32, #tpu.memory_space<vmem>>
        %dma_wait3A_196 = tpu.memref_slice %arg4[%add3A_142] : memref<640000xi32, #tpu.memory_space<hbm>> -> memref<320xi32, #tpu.memory_space<hbm>>
        %dma_wait3A_197 = tpu.memref_slice %arg9[%multiple_of3A] : memref<640xi32, #tpu.memory_space<vmem>> -> memref<320xi32, #tpu.memory_space<vmem>>
        %dma_wait3A_198 = tpu.memref_slice %arg4[%add3A_142] : memref<640000xi32, #tpu.memory_space<hbm>> -> memref<320xi32, #tpu.memory_space<hbm>>
        tpu.wait_dma2 semaphore(%arg15 : memref<!tpu.dma_semaphore, #tpu.memory_space<semaphore_mem>>) src(%dma_wait3A_198 : memref<320xi32, #tpu.memory_space<hbm>>) dst(%dma_wait3A_197 : memref<320xi32, #tpu.memory_space<vmem>>)
        %dma_wait3A_199 = tpu.memref_slice %arg10[%multiple_of3A] : memref<640xi32, #tpu.memory_space<vmem>> -> memref<320xi32, #tpu.memory_space<vmem>>
        %dma_wait3A_200 = tpu.memref_slice %arg5[%add3A_142] : memref<640000xi32, #tpu.memory_space<hbm>> -> memref<320xi32, #tpu.memory_space<hbm>>
        %dma_wait3A_201 = tpu.memref_slice %arg10[%multiple_of3A] : memref<640xi32, #tpu.memory_space<vmem>> -> memref<320xi32, #tpu.memory_space<vmem>>
        %dma_wait3A_202 = tpu.memref_slice %arg5[%add3A_142] : memref<640000xi32, #tpu.memory_space<hbm>> -> memref<320xi32, #tpu.memory_space<hbm>>
        tpu.wait_dma2 semaphore(%arg15 : memref<!tpu.dma_semaphore, #tpu.memory_space<semaphore_mem>>) src(%dma_wait3A_202 : memref<320xi32, #tpu.memory_space<hbm>>) dst(%dma_wait3A_201 : memref<320xi32, #tpu.memory_space<vmem>>)
        %add3A_203 = arith.constant 0 : i32
        %add3A_204 = arith.addi %mul3A_131, %add3A_203 : i32
        %multiple_of3A_205 = tpu.assume_multiple %add3A_204, 8 : i32
        %add3A_206 = arith.constant 0 : i32
        %add3A_207 = arith.addi %multiple_of3A, %add3A_206 : i32
        %multiple_of3A_208 = tpu.assume_multiple %add3A_207, 8 : i32
        %dma_wait3A_209 = tpu.memref_slice %arg10[%multiple_of3A_205] : memref<640xi32, #tpu.memory_space<vmem>> -> memref<80xi32, #tpu.memory_space<vmem>>
        %dma_wait3A_210 = arith.constant 0 : i32
        %dma_wait3A_211 = arith.constant 0 : i32
        %dma_wait3A_212 = tpu.memref_slice %arg8[%dma_wait3A_210, %dma_wait3A_211] : memref<10240x128xf32, #tpu.memory_space<vmem_shared>> -> memref<10240x128xf32, #tpu.memory_space<vmem_shared>>
        tpu.wait_indirect_dma semaphore(%arg20 : memref<!tpu.dma_semaphore, #tpu.memory_space<semaphore_mem>>) src(%arg11 : memref<80x128xf32, #tpu.memory_space<vmem>>) dst(%dma_wait3A_212 : memref<10240x128xf32, #tpu.memory_space<vmem_shared>>)
        %dma_start3A_213 = tpu.memref_slice %arg9[%multiple_of3A_208] : memref<640xi32, #tpu.memory_space<vmem>> -> memref<80xi32, #tpu.memory_space<vmem>>
        %dma_start3A_214 = arith.constant 0 : i32
        %dma_start3A_215 = arith.constant 0 : i32
        %dma_start3A_216 = tpu.memref_slice %arg2[%dma_start3A_214, %dma_start3A_215] : memref<10000x128xf32, #tpu.memory_space<hbm>> -> memref<10000x128xf32, #tpu.memory_space<hbm>>
        tpu.enqueue_indirect_dma source(%dma_start3A_216 : memref<10000x128xf32, #tpu.memory_space<hbm>>) target(%arg11 : memref<80x128xf32, #tpu.memory_space<vmem>>) offsets(%dma_start3A_213 : memref<80xi32, #tpu.memory_space<vmem>>) semaphore(%arg16 : memref<!tpu.dma_semaphore, #tpu.memory_space<semaphore_mem>>)
        %add3A_217 = arith.constant 80 : i32
        %add3A_218 = arith.addi %mul3A_131, %add3A_217 : i32
        %multiple_of3A_219 = tpu.assume_multiple %add3A_218, 8 : i32
        %add3A_220 = arith.constant 80 : i32
        %add3A_221 = arith.addi %multiple_of3A, %add3A_220 : i32
        %multiple_of3A_222 = tpu.assume_multiple %add3A_221, 8 : i32
        %dma_wait3A_223 = tpu.memref_slice %arg10[%multiple_of3A_219] : memref<640xi32, #tpu.memory_space<vmem>> -> memref<80xi32, #tpu.memory_space<vmem>>
        %dma_wait3A_224 = arith.constant 0 : i32
        %dma_wait3A_225 = arith.constant 0 : i32
        %dma_wait3A_226 = tpu.memref_slice %arg8[%dma_wait3A_224, %dma_wait3A_225] : memref<10240x128xf32, #tpu.memory_space<vmem_shared>> -> memref<10240x128xf32, #tpu.memory_space<vmem_shared>>
        tpu.wait_indirect_dma semaphore(%arg21 : memref<!tpu.dma_semaphore, #tpu.memory_space<semaphore_mem>>) src(%arg12 : memref<80x128xf32, #tpu.memory_space<vmem>>) dst(%dma_wait3A_226 : memref<10240x128xf32, #tpu.memory_space<vmem_shared>>)
        %dma_start3A_227 = tpu.memref_slice %arg9[%multiple_of3A_222] : memref<640xi32, #tpu.memory_space<vmem>> -> memref<80xi32, #tpu.memory_space<vmem>>
        %dma_start3A_228 = arith.constant 0 : i32
        %dma_start3A_229 = arith.constant 0 : i32
        %dma_start3A_230 = tpu.memref_slice %arg2[%dma_start3A_228, %dma_start3A_229] : memref<10000x128xf32, #tpu.memory_space<hbm>> -> memref<10000x128xf32, #tpu.memory_space<hbm>>
        tpu.enqueue_indirect_dma source(%dma_start3A_230 : memref<10000x128xf32, #tpu.memory_space<hbm>>) target(%arg12 : memref<80x128xf32, #tpu.memory_space<vmem>>) offsets(%dma_start3A_227 : memref<80xi32, #tpu.memory_space<vmem>>) semaphore(%arg17 : memref<!tpu.dma_semaphore, #tpu.memory_space<semaphore_mem>>)
        %add3A_231 = arith.constant 160 : i32
        %add3A_232 = arith.addi %mul3A_131, %add3A_231 : i32
        %multiple_of3A_233 = tpu.assume_multiple %add3A_232, 8 : i32
        %add3A_234 = arith.constant 160 : i32
        %add3A_235 = arith.addi %multiple_of3A, %add3A_234 : i32
        %multiple_of3A_236 = tpu.assume_multiple %add3A_235, 8 : i32
        %dma_wait3A_237 = tpu.memref_slice %arg10[%multiple_of3A_233] : memref<640xi32, #tpu.memory_space<vmem>> -> memref<80xi32, #tpu.memory_space<vmem>>
        %dma_wait3A_238 = arith.constant 0 : i32
        %dma_wait3A_239 = arith.constant 0 : i32
        %dma_wait3A_240 = tpu.memref_slice %arg8[%dma_wait3A_238, %dma_wait3A_239] : memref<10240x128xf32, #tpu.memory_space<vmem_shared>> -> memref<10240x128xf32, #tpu.memory_space<vmem_shared>>
        tpu.wait_indirect_dma semaphore(%arg22 : memref<!tpu.dma_semaphore, #tpu.memory_space<semaphore_mem>>) src(%arg13 : memref<80x128xf32, #tpu.memory_space<vmem>>) dst(%dma_wait3A_240 : memref<10240x128xf32, #tpu.memory_space<vmem_shared>>)
        %dma_start3A_241 = tpu.memref_slice %arg9[%multiple_of3A_236] : memref<640xi32, #tpu.memory_space<vmem>> -> memref<80xi32, #tpu.memory_space<vmem>>
        %dma_start3A_242 = arith.constant 0 : i32
        %dma_start3A_243 = arith.constant 0 : i32
        %dma_start3A_244 = tpu.memref_slice %arg2[%dma_start3A_242, %dma_start3A_243] : memref<10000x128xf32, #tpu.memory_space<hbm>> -> memref<10000x128xf32, #tpu.memory_space<hbm>>
        tpu.enqueue_indirect_dma source(%dma_start3A_244 : memref<10000x128xf32, #tpu.memory_space<hbm>>) target(%arg13 : memref<80x128xf32, #tpu.memory_space<vmem>>) offsets(%dma_start3A_241 : memref<80xi32, #tpu.memory_space<vmem>>) semaphore(%arg18 : memref<!tpu.dma_semaphore, #tpu.memory_space<semaphore_mem>>)
        %add3A_245 = arith.constant 240 : i32
        %add3A_246 = arith.addi %mul3A_131, %add3A_245 : i32
        %multiple_of3A_247 = tpu.assume_multiple %add3A_246, 8 : i32
        %add3A_248 = arith.constant 240 : i32
        %add3A_249 = arith.addi %multiple_of3A, %add3A_248 : i32
        %multiple_of3A_250 = tpu.assume_multiple %add3A_249, 8 : i32
        %dma_wait3A_251 = tpu.memref_slice %arg10[%multiple_of3A_247] : memref<640xi32, #tpu.memory_space<vmem>> -> memref<80xi32, #tpu.memory_space<vmem>>
        %dma_wait3A_252 = arith.constant 0 : i32
        %dma_wait3A_253 = arith.constant 0 : i32
        %dma_wait3A_254 = tpu.memref_slice %arg8[%dma_wait3A_252, %dma_wait3A_253] : memref<10240x128xf32, #tpu.memory_space<vmem_shared>> -> memref<10240x128xf32, #tpu.memory_space<vmem_shared>>
        tpu.wait_indirect_dma semaphore(%arg23 : memref<!tpu.dma_semaphore, #tpu.memory_space<semaphore_mem>>) src(%arg14 : memref<80x128xf32, #tpu.memory_space<vmem>>) dst(%dma_wait3A_254 : memref<10240x128xf32, #tpu.memory_space<vmem_shared>>)
        %dma_start3A_255 = tpu.memref_slice %arg9[%multiple_of3A_250] : memref<640xi32, #tpu.memory_space<vmem>> -> memref<80xi32, #tpu.memory_space<vmem>>
        %dma_start3A_256 = arith.constant 0 : i32
        %dma_start3A_257 = arith.constant 0 : i32
        %dma_start3A_258 = tpu.memref_slice %arg2[%dma_start3A_256, %dma_start3A_257] : memref<10000x128xf32, #tpu.memory_space<hbm>> -> memref<10000x128xf32, #tpu.memory_space<hbm>>
        tpu.enqueue_indirect_dma source(%dma_start3A_258 : memref<10000x128xf32, #tpu.memory_space<hbm>>) target(%arg14 : memref<80x128xf32, #tpu.memory_space<vmem>>) offsets(%dma_start3A_255 : memref<80xi32, #tpu.memory_space<vmem>>) semaphore(%arg19 : memref<!tpu.dma_semaphore, #tpu.memory_space<semaphore_mem>>)
        %scan3A_259 = arith.constant 0 : i32
        scf.yield %scan3A_259 : i32
      }
      %scan3A_67 = arith.constant 124 : i32
      %dma_wait3A = arith.constant 0 : i32
      %dma_wait3A_68 = tpu.memref_slice %arg9[%dma_wait3A] : memref<640xi32, #tpu.memory_space<vmem>> -> memref<80xi32, #tpu.memory_space<vmem>>
      %dma_wait3A_69 = arith.constant 0 : i32
      %dma_wait3A_70 = arith.constant 0 : i32
      %dma_wait3A_71 = tpu.memref_slice %arg2[%dma_wait3A_69, %dma_wait3A_70] : memref<10000x128xf32, #tpu.memory_space<hbm>> -> memref<10000x128xf32, #tpu.memory_space<hbm>>
      tpu.wait_indirect_dma semaphore(%arg16 : memref<!tpu.dma_semaphore, #tpu.memory_space<semaphore_mem>>) src(%dma_wait3A_71 : memref<10000x128xf32, #tpu.memory_space<hbm>>) dst(%arg11 : memref<80x128xf32, #tpu.memory_space<vmem>>)
      %dma_start3A_72 = arith.constant 0 : i32
      %dma_start3A_73 = tpu.memref_slice %arg10[%dma_start3A_72] : memref<640xi32, #tpu.memory_space<vmem>> -> memref<80xi32, #tpu.memory_space<vmem>>
      %dma_start3A_74 = arith.constant 0 : i32
      %dma_start3A_75 = arith.constant 0 : i32
      %dma_start3A_76 = tpu.memref_slice %arg8[%dma_start3A_74, %dma_start3A_75] : memref<10240x128xf32, #tpu.memory_space<vmem_shared>> -> memref<10240x128xf32, #tpu.memory_space<vmem_shared>>
      tpu.enqueue_indirect_dma source(%arg11 : memref<80x128xf32, #tpu.memory_space<vmem>>) target(%dma_start3A_76 : memref<10240x128xf32, #tpu.memory_space<vmem_shared>>) offsets(%dma_start3A_73 : memref<80xi32, #tpu.memory_space<vmem>>) semaphore(%arg20 : memref<!tpu.dma_semaphore, #tpu.memory_space<semaphore_mem>>) {add = true}
      %dma_wait3A_77 = arith.constant 80 : i32
      %dma_wait3A_78 = tpu.memref_slice %arg9[%dma_wait3A_77] : memref<640xi32, #tpu.memory_space<vmem>> -> memref<80xi32, #tpu.memory_space<vmem>>
      %dma_wait3A_79 = arith.constant 0 : i32
      %dma_wait3A_80 = arith.constant 0 : i32
      %dma_wait3A_81 = tpu.memref_slice %arg2[%dma_wait3A_79, %dma_wait3A_80] : memref<10000x128xf32, #tpu.memory_space<hbm>> -> memref<10000x128xf32, #tpu.memory_space<hbm>>
      tpu.wait_indirect_dma semaphore(%arg17 : memref<!tpu.dma_semaphore, #tpu.memory_space<semaphore_mem>>) src(%dma_wait3A_81 : memref<10000x128xf32, #tpu.memory_space<hbm>>) dst(%arg12 : memref<80x128xf32, #tpu.memory_space<vmem>>)
      %dma_start3A_82 = arith.constant 80 : i32
      %dma_start3A_83 = tpu.memref_slice %arg10[%dma_start3A_82] : memref<640xi32, #tpu.memory_space<vmem>> -> memref<80xi32, #tpu.memory_space<vmem>>
      %dma_start3A_84 = arith.constant 0 : i32
      %dma_start3A_85 = arith.constant 0 : i32
      %dma_start3A_86 = tpu.memref_slice %arg8[%dma_start3A_84, %dma_start3A_85] : memref<10240x128xf32, #tpu.memory_space<vmem_shared>> -> memref<10240x128xf32, #tpu.memory_space<vmem_shared>>
      tpu.enqueue_indirect_dma source(%arg12 : memref<80x128xf32, #tpu.memory_space<vmem>>) target(%dma_start3A_86 : memref<10240x128xf32, #tpu.memory_space<vmem_shared>>) offsets(%dma_start3A_83 : memref<80xi32, #tpu.memory_space<vmem>>) semaphore(%arg21 : memref<!tpu.dma_semaphore, #tpu.memory_space<semaphore_mem>>) {add = true}
      %dma_wait3A_87 = arith.constant 160 : i32
      %dma_wait3A_88 = tpu.memref_slice %arg9[%dma_wait3A_87] : memref<640xi32, #tpu.memory_space<vmem>> -> memref<80xi32, #tpu.memory_space<vmem>>
      %dma_wait3A_89 = arith.constant 0 : i32
      %dma_wait3A_90 = arith.constant 0 : i32
      %dma_wait3A_91 = tpu.memref_slice %arg2[%dma_wait3A_89, %dma_wait3A_90] : memref<10000x128xf32, #tpu.memory_space<hbm>> -> memref<10000x128xf32, #tpu.memory_space<hbm>>
      tpu.wait_indirect_dma semaphore(%arg18 : memref<!tpu.dma_semaphore, #tpu.memory_space<semaphore_mem>>) src(%dma_wait3A_91 : memref<10000x128xf32, #tpu.memory_space<hbm>>) dst(%arg13 : memref<80x128xf32, #tpu.memory_space<vmem>>)
      %dma_start3A_92 = arith.constant 160 : i32
      %dma_start3A_93 = tpu.memref_slice %arg10[%dma_start3A_92] : memref<640xi32, #tpu.memory_space<vmem>> -> memref<80xi32, #tpu.memory_space<vmem>>
      %dma_start3A_94 = arith.constant 0 : i32
      %dma_start3A_95 = arith.constant 0 : i32
      %dma_start3A_96 = tpu.memref_slice %arg8[%dma_start3A_94, %dma_start3A_95] : memref<10240x128xf32, #tpu.memory_space<vmem_shared>> -> memref<10240x128xf32, #tpu.memory_space<vmem_shared>>
      tpu.enqueue_indirect_dma source(%arg13 : memref<80x128xf32, #tpu.memory_space<vmem>>) target(%dma_start3A_96 : memref<10240x128xf32, #tpu.memory_space<vmem_shared>>) offsets(%dma_start3A_93 : memref<80xi32, #tpu.memory_space<vmem>>) semaphore(%arg22 : memref<!tpu.dma_semaphore, #tpu.memory_space<semaphore_mem>>) {add = true}
      %dma_wait3A_97 = arith.constant 240 : i32
      %dma_wait3A_98 = tpu.memref_slice %arg9[%dma_wait3A_97] : memref<640xi32, #tpu.memory_space<vmem>> -> memref<80xi32, #tpu.memory_space<vmem>>
      %dma_wait3A_99 = arith.constant 0 : i32
      %dma_wait3A_100 = arith.constant 0 : i32
      %dma_wait3A_101 = tpu.memref_slice %arg2[%dma_wait3A_99, %dma_wait3A_100] : memref<10000x128xf32, #tpu.memory_space<hbm>> -> memref<10000x128xf32, #tpu.memory_space<hbm>>
      tpu.wait_indirect_dma semaphore(%arg19 : memref<!tpu.dma_semaphore, #tpu.memory_space<semaphore_mem>>) src(%dma_wait3A_101 : memref<10000x128xf32, #tpu.memory_space<hbm>>) dst(%arg14 : memref<80x128xf32, #tpu.memory_space<vmem>>)
      %dma_start3A_102 = arith.constant 240 : i32
      %dma_start3A_103 = tpu.memref_slice %arg10[%dma_start3A_102] : memref<640xi32, #tpu.memory_space<vmem>> -> memref<80xi32, #tpu.memory_space<vmem>>
      %dma_start3A_104 = arith.constant 0 : i32
      %dma_start3A_105 = arith.constant 0 : i32
      %dma_start3A_106 = tpu.memref_slice %arg8[%dma_start3A_104, %dma_start3A_105] : memref<10240x128xf32, #tpu.memory_space<vmem_shared>> -> memref<10240x128xf32, #tpu.memory_space<vmem_shared>>
      tpu.enqueue_indirect_dma source(%arg14 : memref<80x128xf32, #tpu.memory_space<vmem>>) target(%dma_start3A_106 : memref<10240x128xf32, #tpu.memory_space<vmem_shared>>) offsets(%dma_start3A_103 : memref<80xi32, #tpu.memory_space<vmem>>) semaphore(%arg23 : memref<!tpu.dma_semaphore, #tpu.memory_space<semaphore_mem>>) {add = true}
      %dma_wait3A_107 = arith.constant 0 : i32
      %dma_wait3A_108 = tpu.memref_slice %arg10[%dma_wait3A_107] : memref<640xi32, #tpu.memory_space<vmem>> -> memref<80xi32, #tpu.memory_space<vmem>>
      %dma_wait3A_109 = arith.constant 0 : i32
      %dma_wait3A_110 = arith.constant 0 : i32
      %dma_wait3A_111 = tpu.memref_slice %arg8[%dma_wait3A_109, %dma_wait3A_110] : memref<10240x128xf32, #tpu.memory_space<vmem_shared>> -> memref<10240x128xf32, #tpu.memory_space<vmem_shared>>
      tpu.wait_indirect_dma semaphore(%arg20 : memref<!tpu.dma_semaphore, #tpu.memory_space<semaphore_mem>>) src(%arg11 : memref<80x128xf32, #tpu.memory_space<vmem>>) dst(%dma_wait3A_111 : memref<10240x128xf32, #tpu.memory_space<vmem_shared>>)
      %dma_wait3A_112 = arith.constant 80 : i32
      %dma_wait3A_113 = tpu.memref_slice %arg10[%dma_wait3A_112] : memref<640xi32, #tpu.memory_space<vmem>> -> memref<80xi32, #tpu.memory_space<vmem>>
      %dma_wait3A_114 = arith.constant 0 : i32
      %dma_wait3A_115 = arith.constant 0 : i32
      %dma_wait3A_116 = tpu.memref_slice %arg8[%dma_wait3A_114, %dma_wait3A_115] : memref<10240x128xf32, #tpu.memory_space<vmem_shared>> -> memref<10240x128xf32, #tpu.memory_space<vmem_shared>>
      tpu.wait_indirect_dma semaphore(%arg21 : memref<!tpu.dma_semaphore, #tpu.memory_space<semaphore_mem>>) src(%arg12 : memref<80x128xf32, #tpu.memory_space<vmem>>) dst(%dma_wait3A_116 : memref<10240x128xf32, #tpu.memory_space<vmem_shared>>)
      %dma_wait3A_117 = arith.constant 160 : i32
      %dma_wait3A_118 = tpu.memref_slice %arg10[%dma_wait3A_117] : memref<640xi32, #tpu.memory_space<vmem>> -> memref<80xi32, #tpu.memory_space<vmem>>
      %dma_wait3A_119 = arith.constant 0 : i32
      %dma_wait3A_120 = arith.constant 0 : i32
      %dma_wait3A_121 = tpu.memref_slice %arg8[%dma_wait3A_119, %dma_wait3A_120] : memref<10240x128xf32, #tpu.memory_space<vmem_shared>> -> memref<10240x128xf32, #tpu.memory_space<vmem_shared>>
      tpu.wait_indirect_dma semaphore(%arg22 : memref<!tpu.dma_semaphore, #tpu.memory_space<semaphore_mem>>) src(%arg13 : memref<80x128xf32, #tpu.memory_space<vmem>>) dst(%dma_wait3A_121 : memref<10240x128xf32, #tpu.memory_space<vmem_shared>>)
      %dma_wait3A_122 = arith.constant 240 : i32
      %dma_wait3A_123 = tpu.memref_slice %arg10[%dma_wait3A_122] : memref<640xi32, #tpu.memory_space<vmem>> -> memref<80xi32, #tpu.memory_space<vmem>>
      %dma_wait3A_124 = arith.constant 0 : i32
      %dma_wait3A_125 = arith.constant 0 : i32
      %dma_wait3A_126 = tpu.memref_slice %arg8[%dma_wait3A_124, %dma_wait3A_125] : memref<10240x128xf32, #tpu.memory_space<vmem_shared>> -> memref<10240x128xf32, #tpu.memory_space<vmem_shared>>
      tpu.wait_indirect_dma semaphore(%arg23 : memref<!tpu.dma_semaphore, #tpu.memory_space<semaphore_mem>>) src(%arg14 : memref<80x128xf32, #tpu.memory_space<vmem>>) dst(%dma_wait3A_126 : memref<10240x128xf32, #tpu.memory_space<vmem_shared>>)
    } else {
    }
    %eq3A_26 = arith.constant 1 : i32
    %eq3A_27 = arith.cmpi eq, %arg0, %eq3A_26 : i32
    %convert_element_type3A_28 = arith.extui %eq3A_27 : i1 to i32
    %cond3A_29 = arith.constant 0 : i32
    %cond3A_30 = arith.cmpi ne, %convert_element_type3A_28, %cond3A_29 : i32
    scf.if %cond3A_30 {
      "tpu.region"() ({
        %run_scoped3A = tpu.sem_alloc : memref<!tpu.dma_semaphore, #tpu.memory_space<semaphore_mem>>
        %dma_start3A_127 = arith.constant 0 : i32
        %dma_start3A_128 = tpu.memref_slice %arg9[%dma_start3A_127] : memref<640xi32, #tpu.memory_space<vmem>> -> memref<320xi32, #tpu.memory_space<vmem>>
        %dma_start3A_129 = tpu.memref_slice %arg5[%mul3A_2] : memref<640000xi32, #tpu.memory_space<hbm>> -> memref<320xi32, #tpu.memory_space<hbm>>
        %dma_start3A_130 = arith.constant 0 : i32
        %dma_start3A_131 = tpu.memref_slice %arg9[%dma_start3A_130] : memref<640xi32, #tpu.memory_space<vmem>> -> memref<320xi32, #tpu.memory_space<vmem>>
        %dma_start3A_132 = tpu.memref_slice %arg5[%mul3A_2] : memref<640000xi32, #tpu.memory_space<hbm>> -> memref<320xi32, #tpu.memory_space<hbm>>
        tpu.enqueue_dma source(%dma_start3A_132 : memref<320xi32, #tpu.memory_space<hbm>>) target(%dma_start3A_131 : memref<320xi32, #tpu.memory_space<vmem>>) target_semaphore(%run_scoped3A : memref<!tpu.dma_semaphore, #tpu.memory_space<semaphore_mem>>)
        %dma_wait3A_133 = arith.constant 0 : i32
        %dma_wait3A_134 = tpu.memref_slice %arg9[%dma_wait3A_133] : memref<640xi32, #tpu.memory_space<vmem>> -> memref<320xi32, #tpu.memory_space<vmem>>
        %dma_wait3A_135 = tpu.memref_slice %arg5[%mul3A_2] : memref<640000xi32, #tpu.memory_space<hbm>> -> memref<320xi32, #tpu.memory_space<hbm>>
        %dma_wait3A_136 = arith.constant 0 : i32
        %dma_wait3A_137 = tpu.memref_slice %arg9[%dma_wait3A_136] : memref<640xi32, #tpu.memory_space<vmem>> -> memref<320xi32, #tpu.memory_space<vmem>>
        %dma_wait3A_138 = tpu.memref_slice %arg5[%mul3A_2] : memref<640000xi32, #tpu.memory_space<hbm>> -> memref<320xi32, #tpu.memory_space<hbm>>
        tpu.wait_dma2 semaphore(%run_scoped3A : memref<!tpu.dma_semaphore, #tpu.memory_space<semaphore_mem>>) src(%dma_wait3A_138 : memref<320xi32, #tpu.memory_space<hbm>>) dst(%dma_wait3A_137 : memref<320xi32, #tpu.memory_space<vmem>>)
        tpu.yield
      }) : () -> ()
      "tpu.region"() ({
        %run_scoped3A = tpu.sem_alloc : memref<!tpu.dma_semaphore, #tpu.memory_space<semaphore_mem>>
        %dma_start3A_127 = arith.constant 0 : i32
        %dma_start3A_128 = tpu.memref_slice %arg10[%dma_start3A_127] : memref<640xi32, #tpu.memory_space<vmem>> -> memref<320xi32, #tpu.memory_space<vmem>>
        %dma_start3A_129 = tpu.memref_slice %arg4[%mul3A_2] : memref<640000xi32, #tpu.memory_space<hbm>> -> memref<320xi32, #tpu.memory_space<hbm>>
        %dma_start3A_130 = arith.constant 0 : i32
        %dma_start3A_131 = tpu.memref_slice %arg10[%dma_start3A_130] : memref<640xi32, #tpu.memory_space<vmem>> -> memref<320xi32, #tpu.memory_space<vmem>>
        %dma_start3A_132 = tpu.memref_slice %arg4[%mul3A_2] : memref<640000xi32, #tpu.memory_space<hbm>> -> memref<320xi32, #tpu.memory_space<hbm>>
        tpu.enqueue_dma source(%dma_start3A_132 : memref<320xi32, #tpu.memory_space<hbm>>) target(%dma_start3A_131 : memref<320xi32, #tpu.memory_space<vmem>>) target_semaphore(%run_scoped3A : memref<!tpu.dma_semaphore, #tpu.memory_space<semaphore_mem>>)
        %dma_wait3A_133 = arith.constant 0 : i32
        %dma_wait3A_134 = tpu.memref_slice %arg10[%dma_wait3A_133] : memref<640xi32, #tpu.memory_space<vmem>> -> memref<320xi32, #tpu.memory_space<vmem>>
        %dma_wait3A_135 = tpu.memref_slice %arg4[%mul3A_2] : memref<640000xi32, #tpu.memory_space<hbm>> -> memref<320xi32, #tpu.memory_space<hbm>>
        %dma_wait3A_136 = arith.constant 0 : i32
        %dma_wait3A_137 = tpu.memref_slice %arg10[%dma_wait3A_136] : memref<640xi32, #tpu.memory_space<vmem>> -> memref<320xi32, #tpu.memory_space<vmem>>
        %dma_wait3A_138 = tpu.memref_slice %arg4[%mul3A_2] : memref<640000xi32, #tpu.memory_space<hbm>> -> memref<320xi32, #tpu.memory_space<hbm>>
        tpu.wait_dma2 semaphore(%run_scoped3A : memref<!tpu.dma_semaphore, #tpu.memory_space<semaphore_mem>>) src(%dma_wait3A_138 : memref<320xi32, #tpu.memory_space<hbm>>) dst(%dma_wait3A_137 : memref<320xi32, #tpu.memory_space<vmem>>)
        tpu.yield
      }) : () -> ()
      %dma_start3A = arith.constant 0 : i32
      %dma_start3A_42 = tpu.memref_slice %arg9[%dma_start3A] : memref<640xi32, #tpu.memory_space<vmem>> -> memref<80xi32, #tpu.memory_space<vmem>>
      %dma_start3A_43 = arith.constant 0 : i32
      %dma_start3A_44 = arith.constant 0 : i32
      %dma_start3A_45 = tpu.memref_slice %arg3[%dma_start3A_43, %dma_start3A_44] : memref<10000x128xf32, #tpu.memory_space<hbm>> -> memref<10000x128xf32, #tpu.memory_space<hbm>>
      tpu.enqueue_indirect_dma source(%dma_start3A_45 : memref<10000x128xf32, #tpu.memory_space<hbm>>) target(%arg11 : memref<80x128xf32, #tpu.memory_space<vmem>>) offsets(%dma_start3A_42 : memref<80xi32, #tpu.memory_space<vmem>>) semaphore(%arg16 : memref<!tpu.dma_semaphore, #tpu.memory_space<semaphore_mem>>)
      %dma_start3A_46 = arith.constant 80 : i32
      %dma_start3A_47 = tpu.memref_slice %arg9[%dma_start3A_46] : memref<640xi32, #tpu.memory_space<vmem>> -> memref<80xi32, #tpu.memory_space<vmem>>
      %dma_start3A_48 = arith.constant 0 : i32
      %dma_start3A_49 = arith.constant 0 : i32
      %dma_start3A_50 = tpu.memref_slice %arg3[%dma_start3A_48, %dma_start3A_49] : memref<10000x128xf32, #tpu.memory_space<hbm>> -> memref<10000x128xf32, #tpu.memory_space<hbm>>
      tpu.enqueue_indirect_dma source(%dma_start3A_50 : memref<10000x128xf32, #tpu.memory_space<hbm>>) target(%arg12 : memref<80x128xf32, #tpu.memory_space<vmem>>) offsets(%dma_start3A_47 : memref<80xi32, #tpu.memory_space<vmem>>) semaphore(%arg17 : memref<!tpu.dma_semaphore, #tpu.memory_space<semaphore_mem>>)
      %dma_start3A_51 = arith.constant 160 : i32
      %dma_start3A_52 = tpu.memref_slice %arg9[%dma_start3A_51] : memref<640xi32, #tpu.memory_space<vmem>> -> memref<80xi32, #tpu.memory_space<vmem>>
      %dma_start3A_53 = arith.constant 0 : i32
      %dma_start3A_54 = arith.constant 0 : i32
      %dma_start3A_55 = tpu.memref_slice %arg3[%dma_start3A_53, %dma_start3A_54] : memref<10000x128xf32, #tpu.memory_space<hbm>> -> memref<10000x128xf32, #tpu.memory_space<hbm>>
      tpu.enqueue_indirect_dma source(%dma_start3A_55 : memref<10000x128xf32, #tpu.memory_space<hbm>>) target(%arg13 : memref<80x128xf32, #tpu.memory_space<vmem>>) offsets(%dma_start3A_52 : memref<80xi32, #tpu.memory_space<vmem>>) semaphore(%arg18 : memref<!tpu.dma_semaphore, #tpu.memory_space<semaphore_mem>>)
      %dma_start3A_56 = arith.constant 240 : i32
      %dma_start3A_57 = tpu.memref_slice %arg9[%dma_start3A_56] : memref<640xi32, #tpu.memory_space<vmem>> -> memref<80xi32, #tpu.memory_space<vmem>>
      %dma_start3A_58 = arith.constant 0 : i32
      %dma_start3A_59 = arith.constant 0 : i32
      %dma_start3A_60 = tpu.memref_slice %arg3[%dma_start3A_58, %dma_start3A_59] : memref<10000x128xf32, #tpu.memory_space<hbm>> -> memref<10000x128xf32, #tpu.memory_space<hbm>>
      tpu.enqueue_indirect_dma source(%dma_start3A_60 : memref<10000x128xf32, #tpu.memory_space<hbm>>) target(%arg14 : memref<80x128xf32, #tpu.memory_space<vmem>>) offsets(%dma_start3A_57 : memref<80xi32, #tpu.memory_space<vmem>>) semaphore(%arg19 : memref<!tpu.dma_semaphore, #tpu.memory_space<semaphore_mem>>)
      %scan3A_61 = arith.constant 0 : i32
      %scan3A_62 = arith.constant 0 : i32
      %scan3A_63 = arith.constant 124 : i32
      %scan3A_64 = arith.addi %scan3A_62, %scan3A_63 : i32
      %scan3A_65 = arith.constant 1 : i32
      %scan3A_66 = scf.for %scan3A_127 = %scan3A_62 to %scan3A_64 step %scan3A_65 iter_args(%scan3A_128 = %scan3A_61) -> (i32)  : i32 {
        %rem3A = arith.constant 2 : i32
        %rem3A_129 = arith.remsi %scan3A_127, %rem3A : i32
        %mul3A_130 = arith.constant 320 : i32
        %mul3A_131 = arith.muli %rem3A_129, %mul3A_130 : i32
        %add3A_132 = arith.constant 1 : i32
        %add3A_133 = arith.addi %scan3A_127, %add3A_132 : i32
        %rem3A_134 = arith.constant 2 : i32
        %rem3A_135 = arith.remsi %add3A_133, %rem3A_134 : i32
        %mul3A_136 = arith.constant 320 : i32
        %mul3A_137 = arith.muli %rem3A_135, %mul3A_136 : i32
        %multiple_of3A = tpu.assume_multiple %mul3A_137, 8 : i32
        %add3A_138 = arith.constant 1 : i32
        %add3A_139 = arith.addi %scan3A_127, %add3A_138 : i32
        %mul3A_140 = arith.constant 320 : i32
        %mul3A_141 = arith.muli %add3A_139, %mul3A_140 : i32
        %add3A_142 = arith.addi %mul3A_2, %mul3A_141 : i32
        %dma_start3A_143 = tpu.memref_slice %arg9[%multiple_of3A] : memref<640xi32, #tpu.memory_space<vmem>> -> memref<320xi32, #tpu.memory_space<vmem>>
        %dma_start3A_144 = tpu.memref_slice %arg5[%add3A_142] : memref<640000xi32, #tpu.memory_space<hbm>> -> memref<320xi32, #tpu.memory_space<hbm>>
        %dma_start3A_145 = tpu.memref_slice %arg9[%multiple_of3A] : memref<640xi32, #tpu.memory_space<vmem>> -> memref<320xi32, #tpu.memory_space<vmem>>
        %dma_start3A_146 = tpu.memref_slice %arg5[%add3A_142] : memref<640000xi32, #tpu.memory_space<hbm>> -> memref<320xi32, #tpu.memory_space<hbm>>
        tpu.enqueue_dma source(%dma_start3A_146 : memref<320xi32, #tpu.memory_space<hbm>>) target(%dma_start3A_145 : memref<320xi32, #tpu.memory_space<vmem>>) target_semaphore(%arg15 : memref<!tpu.dma_semaphore, #tpu.memory_space<semaphore_mem>>)
        %dma_start3A_147 = tpu.memref_slice %arg10[%multiple_of3A] : memref<640xi32, #tpu.memory_space<vmem>> -> memref<320xi32, #tpu.memory_space<vmem>>
        %dma_start3A_148 = tpu.memref_slice %arg4[%add3A_142] : memref<640000xi32, #tpu.memory_space<hbm>> -> memref<320xi32, #tpu.memory_space<hbm>>
        %dma_start3A_149 = tpu.memref_slice %arg10[%multiple_of3A] : memref<640xi32, #tpu.memory_space<vmem>> -> memref<320xi32, #tpu.memory_space<vmem>>
        %dma_start3A_150 = tpu.memref_slice %arg4[%add3A_142] : memref<640000xi32, #tpu.memory_space<hbm>> -> memref<320xi32, #tpu.memory_space<hbm>>
        tpu.enqueue_dma source(%dma_start3A_150 : memref<320xi32, #tpu.memory_space<hbm>>) target(%dma_start3A_149 : memref<320xi32, #tpu.memory_space<vmem>>) target_semaphore(%arg15 : memref<!tpu.dma_semaphore, #tpu.memory_space<semaphore_mem>>)
        %add3A_151 = arith.constant 0 : i32
        %add3A_152 = arith.addi %mul3A_131, %add3A_151 : i32
        %multiple_of3A_153 = tpu.assume_multiple %add3A_152, 8 : i32
        %dma_wait3A_154 = tpu.memref_slice %arg9[%multiple_of3A_153] : memref<640xi32, #tpu.memory_space<vmem>> -> memref<80xi32, #tpu.memory_space<vmem>>
        %dma_wait3A_155 = arith.constant 0 : i32
        %dma_wait3A_156 = arith.constant 0 : i32
        %dma_wait3A_157 = tpu.memref_slice %arg3[%dma_wait3A_155, %dma_wait3A_156] : memref<10000x128xf32, #tpu.memory_space<hbm>> -> memref<10000x128xf32, #tpu.memory_space<hbm>>
        tpu.wait_indirect_dma semaphore(%arg16 : memref<!tpu.dma_semaphore, #tpu.memory_space<semaphore_mem>>) src(%dma_wait3A_157 : memref<10000x128xf32, #tpu.memory_space<hbm>>) dst(%arg11 : memref<80x128xf32, #tpu.memory_space<vmem>>)
        %dma_start3A_158 = tpu.memref_slice %arg10[%multiple_of3A_153] : memref<640xi32, #tpu.memory_space<vmem>> -> memref<80xi32, #tpu.memory_space<vmem>>
        %dma_start3A_159 = arith.constant 0 : i32
        %dma_start3A_160 = arith.constant 0 : i32
        %dma_start3A_161 = tpu.memref_slice %arg8[%dma_start3A_159, %dma_start3A_160] : memref<10240x128xf32, #tpu.memory_space<vmem_shared>> -> memref<10240x128xf32, #tpu.memory_space<vmem_shared>>
        tpu.enqueue_indirect_dma source(%arg11 : memref<80x128xf32, #tpu.memory_space<vmem>>) target(%dma_start3A_161 : memref<10240x128xf32, #tpu.memory_space<vmem_shared>>) offsets(%dma_start3A_158 : memref<80xi32, #tpu.memory_space<vmem>>) semaphore(%arg20 : memref<!tpu.dma_semaphore, #tpu.memory_space<semaphore_mem>>) {add = true}
        %add3A_162 = arith.constant 80 : i32
        %add3A_163 = arith.addi %mul3A_131, %add3A_162 : i32
        %multiple_of3A_164 = tpu.assume_multiple %add3A_163, 8 : i32
        %dma_wait3A_165 = tpu.memref_slice %arg9[%multiple_of3A_164] : memref<640xi32, #tpu.memory_space<vmem>> -> memref<80xi32, #tpu.memory_space<vmem>>
        %dma_wait3A_166 = arith.constant 0 : i32
        %dma_wait3A_167 = arith.constant 0 : i32
        %dma_wait3A_168 = tpu.memref_slice %arg3[%dma_wait3A_166, %dma_wait3A_167] : memref<10000x128xf32, #tpu.memory_space<hbm>> -> memref<10000x128xf32, #tpu.memory_space<hbm>>
        tpu.wait_indirect_dma semaphore(%arg17 : memref<!tpu.dma_semaphore, #tpu.memory_space<semaphore_mem>>) src(%dma_wait3A_168 : memref<10000x128xf32, #tpu.memory_space<hbm>>) dst(%arg12 : memref<80x128xf32, #tpu.memory_space<vmem>>)
        %dma_start3A_169 = tpu.memref_slice %arg10[%multiple_of3A_164] : memref<640xi32, #tpu.memory_space<vmem>> -> memref<80xi32, #tpu.memory_space<vmem>>
        %dma_start3A_170 = arith.constant 0 : i32
        %dma_start3A_171 = arith.constant 0 : i32
        %dma_start3A_172 = tpu.memref_slice %arg8[%dma_start3A_170, %dma_start3A_171] : memref<10240x128xf32, #tpu.memory_space<vmem_shared>> -> memref<10240x128xf32, #tpu.memory_space<vmem_shared>>
        tpu.enqueue_indirect_dma source(%arg12 : memref<80x128xf32, #tpu.memory_space<vmem>>) target(%dma_start3A_172 : memref<10240x128xf32, #tpu.memory_space<vmem_shared>>) offsets(%dma_start3A_169 : memref<80xi32, #tpu.memory_space<vmem>>) semaphore(%arg21 : memref<!tpu.dma_semaphore, #tpu.memory_space<semaphore_mem>>) {add = true}
        %add3A_173 = arith.constant 160 : i32
        %add3A_174 = arith.addi %mul3A_131, %add3A_173 : i32
        %multiple_of3A_175 = tpu.assume_multiple %add3A_174, 8 : i32
        %dma_wait3A_176 = tpu.memref_slice %arg9[%multiple_of3A_175] : memref<640xi32, #tpu.memory_space<vmem>> -> memref<80xi32, #tpu.memory_space<vmem>>
        %dma_wait3A_177 = arith.constant 0 : i32
        %dma_wait3A_178 = arith.constant 0 : i32
        %dma_wait3A_179 = tpu.memref_slice %arg3[%dma_wait3A_177, %dma_wait3A_178] : memref<10000x128xf32, #tpu.memory_space<hbm>> -> memref<10000x128xf32, #tpu.memory_space<hbm>>
        tpu.wait_indirect_dma semaphore(%arg18 : memref<!tpu.dma_semaphore, #tpu.memory_space<semaphore_mem>>) src(%dma_wait3A_179 : memref<10000x128xf32, #tpu.memory_space<hbm>>) dst(%arg13 : memref<80x128xf32, #tpu.memory_space<vmem>>)
        %dma_start3A_180 = tpu.memref_slice %arg10[%multiple_of3A_175] : memref<640xi32, #tpu.memory_space<vmem>> -> memref<80xi32, #tpu.memory_space<vmem>>
        %dma_start3A_181 = arith.constant 0 : i32
        %dma_start3A_182 = arith.constant 0 : i32
        %dma_start3A_183 = tpu.memref_slice %arg8[%dma_start3A_181, %dma_start3A_182] : memref<10240x128xf32, #tpu.memory_space<vmem_shared>> -> memref<10240x128xf32, #tpu.memory_space<vmem_shared>>
        tpu.enqueue_indirect_dma source(%arg13 : memref<80x128xf32, #tpu.memory_space<vmem>>) target(%dma_start3A_183 : memref<10240x128xf32, #tpu.memory_space<vmem_shared>>) offsets(%dma_start3A_180 : memref<80xi32, #tpu.memory_space<vmem>>) semaphore(%arg22 : memref<!tpu.dma_semaphore, #tpu.memory_space<semaphore_mem>>) {add = true}
        %add3A_184 = arith.constant 240 : i32
        %add3A_185 = arith.addi %mul3A_131, %add3A_184 : i32
        %multiple_of3A_186 = tpu.assume_multiple %add3A_185, 8 : i32
        %dma_wait3A_187 = tpu.memref_slice %arg9[%multiple_of3A_186] : memref<640xi32, #tpu.memory_space<vmem>> -> memref<80xi32, #tpu.memory_space<vmem>>
        %dma_wait3A_188 = arith.constant 0 : i32
        %dma_wait3A_189 = arith.constant 0 : i32
        %dma_wait3A_190 = tpu.memref_slice %arg3[%dma_wait3A_188, %dma_wait3A_189] : memref<10000x128xf32, #tpu.memory_space<hbm>> -> memref<10000x128xf32, #tpu.memory_space<hbm>>
        tpu.wait_indirect_dma semaphore(%arg19 : memref<!tpu.dma_semaphore, #tpu.memory_space<semaphore_mem>>) src(%dma_wait3A_190 : memref<10000x128xf32, #tpu.memory_space<hbm>>) dst(%arg14 : memref<80x128xf32, #tpu.memory_space<vmem>>)
        %dma_start3A_191 = tpu.memref_slice %arg10[%multiple_of3A_186] : memref<640xi32, #tpu.memory_space<vmem>> -> memref<80xi32, #tpu.memory_space<vmem>>
        %dma_start3A_192 = arith.constant 0 : i32
        %dma_start3A_193 = arith.constant 0 : i32
        %dma_start3A_194 = tpu.memref_slice %arg8[%dma_start3A_192, %dma_start3A_193] : memref<10240x128xf32, #tpu.memory_space<vmem_shared>> -> memref<10240x128xf32, #tpu.memory_space<vmem_shared>>
        tpu.enqueue_indirect_dma source(%arg14 : memref<80x128xf32, #tpu.memory_space<vmem>>) target(%dma_start3A_194 : memref<10240x128xf32, #tpu.memory_space<vmem_shared>>) offsets(%dma_start3A_191 : memref<80xi32, #tpu.memory_space<vmem>>) semaphore(%arg23 : memref<!tpu.dma_semaphore, #tpu.memory_space<semaphore_mem>>) {add = true}
        %dma_wait3A_195 = tpu.memref_slice %arg9[%multiple_of3A] : memref<640xi32, #tpu.memory_space<vmem>> -> memref<320xi32, #tpu.memory_space<vmem>>
        %dma_wait3A_196 = tpu.memref_slice %arg5[%add3A_142] : memref<640000xi32, #tpu.memory_space<hbm>> -> memref<320xi32, #tpu.memory_space<hbm>>
        %dma_wait3A_197 = tpu.memref_slice %arg9[%multiple_of3A] : memref<640xi32, #tpu.memory_space<vmem>> -> memref<320xi32, #tpu.memory_space<vmem>>
        %dma_wait3A_198 = tpu.memref_slice %arg5[%add3A_142] : memref<640000xi32, #tpu.memory_space<hbm>> -> memref<320xi32, #tpu.memory_space<hbm>>
        tpu.wait_dma2 semaphore(%arg15 : memref<!tpu.dma_semaphore, #tpu.memory_space<semaphore_mem>>) src(%dma_wait3A_198 : memref<320xi32, #tpu.memory_space<hbm>>) dst(%dma_wait3A_197 : memref<320xi32, #tpu.memory_space<vmem>>)
        %dma_wait3A_199 = tpu.memref_slice %arg10[%multiple_of3A] : memref<640xi32, #tpu.memory_space<vmem>> -> memref<320xi32, #tpu.memory_space<vmem>>
        %dma_wait3A_200 = tpu.memref_slice %arg4[%add3A_142] : memref<640000xi32, #tpu.memory_space<hbm>> -> memref<320xi32, #tpu.memory_space<hbm>>
        %dma_wait3A_201 = tpu.memref_slice %arg10[%multiple_of3A] : memref<640xi32, #tpu.memory_space<vmem>> -> memref<320xi32, #tpu.memory_space<vmem>>
        %dma_wait3A_202 = tpu.memref_slice %arg4[%add3A_142] : memref<640000xi32, #tpu.memory_space<hbm>> -> memref<320xi32, #tpu.memory_space<hbm>>
        tpu.wait_dma2 semaphore(%arg15 : memref<!tpu.dma_semaphore, #tpu.memory_space<semaphore_mem>>) src(%dma_wait3A_202 : memref<320xi32, #tpu.memory_space<hbm>>) dst(%dma_wait3A_201 : memref<320xi32, #tpu.memory_space<vmem>>)
        %add3A_203 = arith.constant 0 : i32
        %add3A_204 = arith.addi %mul3A_131, %add3A_203 : i32
        %multiple_of3A_205 = tpu.assume_multiple %add3A_204, 8 : i32
        %add3A_206 = arith.constant 0 : i32
        %add3A_207 = arith.addi %multiple_of3A, %add3A_206 : i32
        %multiple_of3A_208 = tpu.assume_multiple %add3A_207, 8 : i32
        %dma_wait3A_209 = tpu.memref_slice %arg10[%multiple_of3A_205] : memref<640xi32, #tpu.memory_space<vmem>> -> memref<80xi32, #tpu.memory_space<vmem>>
        %dma_wait3A_210 = arith.constant 0 : i32
        %dma_wait3A_211 = arith.constant 0 : i32
        %dma_wait3A_212 = tpu.memref_slice %arg8[%dma_wait3A_210, %dma_wait3A_211] : memref<10240x128xf32, #tpu.memory_space<vmem_shared>> -> memref<10240x128xf32, #tpu.memory_space<vmem_shared>>
        tpu.wait_indirect_dma semaphore(%arg20 : memref<!tpu.dma_semaphore, #tpu.memory_space<semaphore_mem>>) src(%arg11 : memref<80x128xf32, #tpu.memory_space<vmem>>) dst(%dma_wait3A_212 : memref<10240x128xf32, #tpu.memory_space<vmem_shared>>)
        %dma_start3A_213 = tpu.memref_slice %arg9[%multiple_of3A_208] : memref<640xi32, #tpu.memory_space<vmem>> -> memref<80xi32, #tpu.memory_space<vmem>>
        %dma_start3A_214 = arith.constant 0 : i32
        %dma_start3A_215 = arith.constant 0 : i32
        %dma_start3A_216 = tpu.memref_slice %arg3[%dma_start3A_214, %dma_start3A_215] : memref<10000x128xf32, #tpu.memory_space<hbm>> -> memref<10000x128xf32, #tpu.memory_space<hbm>>
        tpu.enqueue_indirect_dma source(%dma_start3A_216 : memref<10000x128xf32, #tpu.memory_space<hbm>>) target(%arg11 : memref<80x128xf32, #tpu.memory_space<vmem>>) offsets(%dma_start3A_213 : memref<80xi32, #tpu.memory_space<vmem>>) semaphore(%arg16 : memref<!tpu.dma_semaphore, #tpu.memory_space<semaphore_mem>>)
        %add3A_217 = arith.constant 80 : i32
        %add3A_218 = arith.addi %mul3A_131, %add3A_217 : i32
        %multiple_of3A_219 = tpu.assume_multiple %add3A_218, 8 : i32
        %add3A_220 = arith.constant 80 : i32
        %add3A_221 = arith.addi %multiple_of3A, %add3A_220 : i32
        %multiple_of3A_222 = tpu.assume_multiple %add3A_221, 8 : i32
        %dma_wait3A_223 = tpu.memref_slice %arg10[%multiple_of3A_219] : memref<640xi32, #tpu.memory_space<vmem>> -> memref<80xi32, #tpu.memory_space<vmem>>
        %dma_wait3A_224 = arith.constant 0 : i32
        %dma_wait3A_225 = arith.constant 0 : i32
        %dma_wait3A_226 = tpu.memref_slice %arg8[%dma_wait3A_224, %dma_wait3A_225] : memref<10240x128xf32, #tpu.memory_space<vmem_shared>> -> memref<10240x128xf32, #tpu.memory_space<vmem_shared>>
        tpu.wait_indirect_dma semaphore(%arg21 : memref<!tpu.dma_semaphore, #tpu.memory_space<semaphore_mem>>) src(%arg12 : memref<80x128xf32, #tpu.memory_space<vmem>>) dst(%dma_wait3A_226 : memref<10240x128xf32, #tpu.memory_space<vmem_shared>>)
        %dma_start3A_227 = tpu.memref_slice %arg9[%multiple_of3A_222] : memref<640xi32, #tpu.memory_space<vmem>> -> memref<80xi32, #tpu.memory_space<vmem>>
        %dma_start3A_228 = arith.constant 0 : i32
        %dma_start3A_229 = arith.constant 0 : i32
        %dma_start3A_230 = tpu.memref_slice %arg3[%dma_start3A_228, %dma_start3A_229] : memref<10000x128xf32, #tpu.memory_space<hbm>> -> memref<10000x128xf32, #tpu.memory_space<hbm>>
        tpu.enqueue_indirect_dma source(%dma_start3A_230 : memref<10000x128xf32, #tpu.memory_space<hbm>>) target(%arg12 : memref<80x128xf32, #tpu.memory_space<vmem>>) offsets(%dma_start3A_227 : memref<80xi32, #tpu.memory_space<vmem>>) semaphore(%arg17 : memref<!tpu.dma_semaphore, #tpu.memory_space<semaphore_mem>>)
        %add3A_231 = arith.constant 160 : i32
        %add3A_232 = arith.addi %mul3A_131, %add3A_231 : i32
        %multiple_of3A_233 = tpu.assume_multiple %add3A_232, 8 : i32
        %add3A_234 = arith.constant 160 : i32
        %add3A_235 = arith.addi %multiple_of3A, %add3A_234 : i32
        %multiple_of3A_236 = tpu.assume_multiple %add3A_235, 8 : i32
        %dma_wait3A_237 = tpu.memref_slice %arg10[%multiple_of3A_233] : memref<640xi32, #tpu.memory_space<vmem>> -> memref<80xi32, #tpu.memory_space<vmem>>
        %dma_wait3A_238 = arith.constant 0 : i32
        %dma_wait3A_239 = arith.constant 0 : i32
        %dma_wait3A_240 = tpu.memref_slice %arg8[%dma_wait3A_238, %dma_wait3A_239] : memref<10240x128xf32, #tpu.memory_space<vmem_shared>> -> memref<10240x128xf32, #tpu.memory_space<vmem_shared>>
        tpu.wait_indirect_dma semaphore(%arg22 : memref<!tpu.dma_semaphore, #tpu.memory_space<semaphore_mem>>) src(%arg13 : memref<80x128xf32, #tpu.memory_space<vmem>>) dst(%dma_wait3A_240 : memref<10240x128xf32, #tpu.memory_space<vmem_shared>>)
        %dma_start3A_241 = tpu.memref_slice %arg9[%multiple_of3A_236] : memref<640xi32, #tpu.memory_space<vmem>> -> memref<80xi32, #tpu.memory_space<vmem>>
        %dma_start3A_242 = arith.constant 0 : i32
        %dma_start3A_243 = arith.constant 0 : i32
        %dma_start3A_244 = tpu.memref_slice %arg3[%dma_start3A_242, %dma_start3A_243] : memref<10000x128xf32, #tpu.memory_space<hbm>> -> memref<10000x128xf32, #tpu.memory_space<hbm>>
        tpu.enqueue_indirect_dma source(%dma_start3A_244 : memref<10000x128xf32, #tpu.memory_space<hbm>>) target(%arg13 : memref<80x128xf32, #tpu.memory_space<vmem>>) offsets(%dma_start3A_241 : memref<80xi32, #tpu.memory_space<vmem>>) semaphore(%arg18 : memref<!tpu.dma_semaphore, #tpu.memory_space<semaphore_mem>>)
        %add3A_245 = arith.constant 240 : i32
        %add3A_246 = arith.addi %mul3A_131, %add3A_245 : i32
        %multiple_of3A_247 = tpu.assume_multiple %add3A_246, 8 : i32
        %add3A_248 = arith.constant 240 : i32
        %add3A_249 = arith.addi %multiple_of3A, %add3A_248 : i32
        %multiple_of3A_250 = tpu.assume_multiple %add3A_249, 8 : i32
        %dma_wait3A_251 = tpu.memref_slice %arg10[%multiple_of3A_247] : memref<640xi32, #tpu.memory_space<vmem>> -> memref<80xi32, #tpu.memory_space<vmem>>
        %dma_wait3A_252 = arith.constant 0 : i32
        %dma_wait3A_253 = arith.constant 0 : i32
        %dma_wait3A_254 = tpu.memref_slice %arg8[%dma_wait3A_252, %dma_wait3A_253] : memref<10240x128xf32, #tpu.memory_space<vmem_shared>> -> memref<10240x128xf32, #tpu.memory_space<vmem_shared>>
        tpu.wait_indirect_dma semaphore(%arg23 : memref<!tpu.dma_semaphore, #tpu.memory_space<semaphore_mem>>) src(%arg14 : memref<80x128xf32, #tpu.memory_space<vmem>>) dst(%dma_wait3A_254 : memref<10240x128xf32, #tpu.memory_space<vmem_shared>>)
        %dma_start3A_255 = tpu.memref_slice %arg9[%multiple_of3A_250] : memref<640xi32, #tpu.memory_space<vmem>> -> memref<80xi32, #tpu.memory_space<vmem>>
        %dma_start3A_256 = arith.constant 0 : i32
        %dma_start3A_257 = arith.constant 0 : i32
        %dma_start3A_258 = tpu.memref_slice %arg3[%dma_start3A_256, %dma_start3A_257] : memref<10000x128xf32, #tpu.memory_space<hbm>> -> memref<10000x128xf32, #tpu.memory_space<hbm>>
        tpu.enqueue_indirect_dma source(%dma_start3A_258 : memref<10000x128xf32, #tpu.memory_space<hbm>>) target(%arg14 : memref<80x128xf32, #tpu.memory_space<vmem>>) offsets(%dma_start3A_255 : memref<80xi32, #tpu.memory_space<vmem>>) semaphore(%arg19 : memref<!tpu.dma_semaphore, #tpu.memory_space<semaphore_mem>>)
        %scan3A_259 = arith.constant 0 : i32
        scf.yield %scan3A_259 : i32
      }
      %scan3A_67 = arith.constant 124 : i32
      %dma_wait3A = arith.constant 0 : i32
      %dma_wait3A_68 = tpu.memref_slice %arg9[%dma_wait3A] : memref<640xi32, #tpu.memory_space<vmem>> -> memref<80xi32, #tpu.memory_space<vmem>>
      %dma_wait3A_69 = arith.constant 0 : i32
      %dma_wait3A_70 = arith.constant 0 : i32
      %dma_wait3A_71 = tpu.memref_slice %arg3[%dma_wait3A_69, %dma_wait3A_70] : memref<10000x128xf32, #tpu.memory_space<hbm>> -> memref<10000x128xf32, #tpu.memory_space<hbm>>
      tpu.wait_indirect_dma semaphore(%arg16 : memref<!tpu.dma_semaphore, #tpu.memory_space<semaphore_mem>>) src(%dma_wait3A_71 : memref<10000x128xf32, #tpu.memory_space<hbm>>) dst(%arg11 : memref<80x128xf32, #tpu.memory_space<vmem>>)
      %dma_start3A_72 = arith.constant 0 : i32
      %dma_start3A_73 = tpu.memref_slice %arg10[%dma_start3A_72] : memref<640xi32, #tpu.memory_space<vmem>> -> memref<80xi32, #tpu.memory_space<vmem>>
      %dma_start3A_74 = arith.constant 0 : i32
      %dma_start3A_75 = arith.constant 0 : i32
      %dma_start3A_76 = tpu.memref_slice %arg8[%dma_start3A_74, %dma_start3A_75] : memref<10240x128xf32, #tpu.memory_space<vmem_shared>> -> memref<10240x128xf32, #tpu.memory_space<vmem_shared>>
      tpu.enqueue_indirect_dma source(%arg11 : memref<80x128xf32, #tpu.memory_space<vmem>>) target(%dma_start3A_76 : memref<10240x128xf32, #tpu.memory_space<vmem_shared>>) offsets(%dma_start3A_73 : memref<80xi32, #tpu.memory_space<vmem>>) semaphore(%arg20 : memref<!tpu.dma_semaphore, #tpu.memory_space<semaphore_mem>>) {add = true}
      %dma_wait3A_77 = arith.constant 80 : i32
      %dma_wait3A_78 = tpu.memref_slice %arg9[%dma_wait3A_77] : memref<640xi32, #tpu.memory_space<vmem>> -> memref<80xi32, #tpu.memory_space<vmem>>
      %dma_wait3A_79 = arith.constant 0 : i32
      %dma_wait3A_80 = arith.constant 0 : i32
      %dma_wait3A_81 = tpu.memref_slice %arg3[%dma_wait3A_79, %dma_wait3A_80] : memref<10000x128xf32, #tpu.memory_space<hbm>> -> memref<10000x128xf32, #tpu.memory_space<hbm>>
      tpu.wait_indirect_dma semaphore(%arg17 : memref<!tpu.dma_semaphore, #tpu.memory_space<semaphore_mem>>) src(%dma_wait3A_81 : memref<10000x128xf32, #tpu.memory_space<hbm>>) dst(%arg12 : memref<80x128xf32, #tpu.memory_space<vmem>>)
      %dma_start3A_82 = arith.constant 80 : i32
      %dma_start3A_83 = tpu.memref_slice %arg10[%dma_start3A_82] : memref<640xi32, #tpu.memory_space<vmem>> -> memref<80xi32, #tpu.memory_space<vmem>>
      %dma_start3A_84 = arith.constant 0 : i32
      %dma_start3A_85 = arith.constant 0 : i32
      %dma_start3A_86 = tpu.memref_slice %arg8[%dma_start3A_84, %dma_start3A_85] : memref<10240x128xf32, #tpu.memory_space<vmem_shared>> -> memref<10240x128xf32, #tpu.memory_space<vmem_shared>>
      tpu.enqueue_indirect_dma source(%arg12 : memref<80x128xf32, #tpu.memory_space<vmem>>) target(%dma_start3A_86 : memref<10240x128xf32, #tpu.memory_space<vmem_shared>>) offsets(%dma_start3A_83 : memref<80xi32, #tpu.memory_space<vmem>>) semaphore(%arg21 : memref<!tpu.dma_semaphore, #tpu.memory_space<semaphore_mem>>) {add = true}
      %dma_wait3A_87 = arith.constant 160 : i32
      %dma_wait3A_88 = tpu.memref_slice %arg9[%dma_wait3A_87] : memref<640xi32, #tpu.memory_space<vmem>> -> memref<80xi32, #tpu.memory_space<vmem>>
      %dma_wait3A_89 = arith.constant 0 : i32
      %dma_wait3A_90 = arith.constant 0 : i32
      %dma_wait3A_91 = tpu.memref_slice %arg3[%dma_wait3A_89, %dma_wait3A_90] : memref<10000x128xf32, #tpu.memory_space<hbm>> -> memref<10000x128xf32, #tpu.memory_space<hbm>>
      tpu.wait_indirect_dma semaphore(%arg18 : memref<!tpu.dma_semaphore, #tpu.memory_space<semaphore_mem>>) src(%dma_wait3A_91 : memref<10000x128xf32, #tpu.memory_space<hbm>>) dst(%arg13 : memref<80x128xf32, #tpu.memory_space<vmem>>)
      %dma_start3A_92 = arith.constant 160 : i32
      %dma_start3A_93 = tpu.memref_slice %arg10[%dma_start3A_92] : memref<640xi32, #tpu.memory_space<vmem>> -> memref<80xi32, #tpu.memory_space<vmem>>
      %dma_start3A_94 = arith.constant 0 : i32
      %dma_start3A_95 = arith.constant 0 : i32
      %dma_start3A_96 = tpu.memref_slice %arg8[%dma_start3A_94, %dma_start3A_95] : memref<10240x128xf32, #tpu.memory_space<vmem_shared>> -> memref<10240x128xf32, #tpu.memory_space<vmem_shared>>
      tpu.enqueue_indirect_dma source(%arg13 : memref<80x128xf32, #tpu.memory_space<vmem>>) target(%dma_start3A_96 : memref<10240x128xf32, #tpu.memory_space<vmem_shared>>) offsets(%dma_start3A_93 : memref<80xi32, #tpu.memory_space<vmem>>) semaphore(%arg22 : memref<!tpu.dma_semaphore, #tpu.memory_space<semaphore_mem>>) {add = true}
      %dma_wait3A_97 = arith.constant 240 : i32
      %dma_wait3A_98 = tpu.memref_slice %arg9[%dma_wait3A_97] : memref<640xi32, #tpu.memory_space<vmem>> -> memref<80xi32, #tpu.memory_space<vmem>>
      %dma_wait3A_99 = arith.constant 0 : i32
      %dma_wait3A_100 = arith.constant 0 : i32
      %dma_wait3A_101 = tpu.memref_slice %arg3[%dma_wait3A_99, %dma_wait3A_100] : memref<10000x128xf32, #tpu.memory_space<hbm>> -> memref<10000x128xf32, #tpu.memory_space<hbm>>
      tpu.wait_indirect_dma semaphore(%arg19 : memref<!tpu.dma_semaphore, #tpu.memory_space<semaphore_mem>>) src(%dma_wait3A_101 : memref<10000x128xf32, #tpu.memory_space<hbm>>) dst(%arg14 : memref<80x128xf32, #tpu.memory_space<vmem>>)
      %dma_start3A_102 = arith.constant 240 : i32
      %dma_start3A_103 = tpu.memref_slice %arg10[%dma_start3A_102] : memref<640xi32, #tpu.memory_space<vmem>> -> memref<80xi32, #tpu.memory_space<vmem>>
      %dma_start3A_104 = arith.constant 0 : i32
      %dma_start3A_105 = arith.constant 0 : i32
      %dma_start3A_106 = tpu.memref_slice %arg8[%dma_start3A_104, %dma_start3A_105] : memref<10240x128xf32, #tpu.memory_space<vmem_shared>> -> memref<10240x128xf32, #tpu.memory_space<vmem_shared>>
      tpu.enqueue_indirect_dma source(%arg14 : memref<80x128xf32, #tpu.memory_space<vmem>>) target(%dma_start3A_106 : memref<10240x128xf32, #tpu.memory_space<vmem_shared>>) offsets(%dma_start3A_103 : memref<80xi32, #tpu.memory_space<vmem>>) semaphore(%arg23 : memref<!tpu.dma_semaphore, #tpu.memory_space<semaphore_mem>>) {add = true}
      %dma_wait3A_107 = arith.constant 0 : i32
      %dma_wait3A_108 = tpu.memref_slice %arg10[%dma_wait3A_107] : memref<640xi32, #tpu.memory_space<vmem>> -> memref<80xi32, #tpu.memory_space<vmem>>
      %dma_wait3A_109 = arith.constant 0 : i32
      %dma_wait3A_110 = arith.constant 0 : i32
      %dma_wait3A_111 = tpu.memref_slice %arg8[%dma_wait3A_109, %dma_wait3A_110] : memref<10240x128xf32, #tpu.memory_space<vmem_shared>> -> memref<10240x128xf32, #tpu.memory_space<vmem_shared>>
      tpu.wait_indirect_dma semaphore(%arg20 : memref<!tpu.dma_semaphore, #tpu.memory_space<semaphore_mem>>) src(%arg11 : memref<80x128xf32, #tpu.memory_space<vmem>>) dst(%dma_wait3A_111 : memref<10240x128xf32, #tpu.memory_space<vmem_shared>>)
      %dma_wait3A_112 = arith.constant 80 : i32
      %dma_wait3A_113 = tpu.memref_slice %arg10[%dma_wait3A_112] : memref<640xi32, #tpu.memory_space<vmem>> -> memref<80xi32, #tpu.memory_space<vmem>>
      %dma_wait3A_114 = arith.constant 0 : i32
      %dma_wait3A_115 = arith.constant 0 : i32
      %dma_wait3A_116 = tpu.memref_slice %arg8[%dma_wait3A_114, %dma_wait3A_115] : memref<10240x128xf32, #tpu.memory_space<vmem_shared>> -> memref<10240x128xf32, #tpu.memory_space<vmem_shared>>
      tpu.wait_indirect_dma semaphore(%arg21 : memref<!tpu.dma_semaphore, #tpu.memory_space<semaphore_mem>>) src(%arg12 : memref<80x128xf32, #tpu.memory_space<vmem>>) dst(%dma_wait3A_116 : memref<10240x128xf32, #tpu.memory_space<vmem_shared>>)
      %dma_wait3A_117 = arith.constant 160 : i32
      %dma_wait3A_118 = tpu.memref_slice %arg10[%dma_wait3A_117] : memref<640xi32, #tpu.memory_space<vmem>> -> memref<80xi32, #tpu.memory_space<vmem>>
      %dma_wait3A_119 = arith.constant 0 : i32
      %dma_wait3A_120 = arith.constant 0 : i32
      %dma_wait3A_121 = tpu.memref_slice %arg8[%dma_wait3A_119, %dma_wait3A_120] : memref<10240x128xf32, #tpu.memory_space<vmem_shared>> -> memref<10240x128xf32, #tpu.memory_space<vmem_shared>>
      tpu.wait_indirect_dma semaphore(%arg22 : memref<!tpu.dma_semaphore, #tpu.memory_space<semaphore_mem>>) src(%arg13 : memref<80x128xf32, #tpu.memory_space<vmem>>) dst(%dma_wait3A_121 : memref<10240x128xf32, #tpu.memory_space<vmem_shared>>)
      %dma_wait3A_122 = arith.constant 240 : i32
      %dma_wait3A_123 = tpu.memref_slice %arg10[%dma_wait3A_122] : memref<640xi32, #tpu.memory_space<vmem>> -> memref<80xi32, #tpu.memory_space<vmem>>
      %dma_wait3A_124 = arith.constant 0 : i32
      %dma_wait3A_125 = arith.constant 0 : i32
      %dma_wait3A_126 = tpu.memref_slice %arg8[%dma_wait3A_124, %dma_wait3A_125] : memref<10240x128xf32, #tpu.memory_space<vmem_shared>> -> memref<10240x128xf32, #tpu.memory_space<vmem_shared>>
      tpu.wait_indirect_dma semaphore(%arg23 : memref<!tpu.dma_semaphore, #tpu.memory_space<semaphore_mem>>) src(%arg14 : memref<80x128xf32, #tpu.memory_space<vmem>>) dst(%dma_wait3A_126 : memref<10240x128xf32, #tpu.memory_space<vmem_shared>>)
    } else {
    }
    %barrier3A_31 = arith.constant 0 : index
    tpu.barrier barrier_id(%barrier3A_31)
    %eq3A_32 = arith.constant 0 : i32
    %eq3A_33 = arith.cmpi eq, %arg0, %eq3A_32 : i32
    %convert_element_type3A_34 = arith.extui %eq3A_33 : i1 to i32
    %cond3A_35 = arith.constant 0 : i32
    %cond3A_36 = arith.cmpi ne, %convert_element_type3A_34, %cond3A_35 : i32
    scf.if %cond3A_36 {
      "tpu.region"() ({
        %run_scoped3A = tpu.sem_alloc : memref<!tpu.dma_semaphore, #tpu.memory_space<semaphore_mem>>
        %dma_start3A = arith.constant 0 : i32
        %dma_start3A_42 = tpu.memref_slice %arg6[%mul3A_0, %dma_start3A] : memref<10240x128xf32, #tpu.memory_space<hbm>> -> memref<640x128xf32, #tpu.memory_space<hbm>>
        %dma_start3A_43 = arith.constant 0 : i32
        %dma_start3A_44 = tpu.memref_slice %arg8[%mul3A_0, %dma_start3A_43] : memref<10240x128xf32, #tpu.memory_space<vmem_shared>> -> memref<640x128xf32, #tpu.memory_space<vmem_shared>>
        tpu.enqueue_dma source(%dma_start3A_44 : memref<640x128xf32, #tpu.memory_space<vmem_shared>>) target(%dma_start3A_42 : memref<640x128xf32, #tpu.memory_space<hbm>>) target_semaphore(%run_scoped3A : memref<!tpu.dma_semaphore, #tpu.memory_space<semaphore_mem>>)
        %dma_wait3A = arith.constant 0 : i32
        %dma_wait3A_45 = tpu.memref_slice %arg6[%mul3A_0, %dma_wait3A] : memref<10240x128xf32, #tpu.memory_space<hbm>> -> memref<640x128xf32, #tpu.memory_space<hbm>>
        %dma_wait3A_46 = arith.constant 0 : i32
        %dma_wait3A_47 = tpu.memref_slice %arg8[%mul3A_0, %dma_wait3A_46] : memref<10240x128xf32, #tpu.memory_space<vmem_shared>> -> memref<640x128xf32, #tpu.memory_space<vmem_shared>>
        tpu.wait_dma2 semaphore(%run_scoped3A : memref<!tpu.dma_semaphore, #tpu.memory_space<semaphore_mem>>) src(%dma_wait3A_47 : memref<640x128xf32, #tpu.memory_space<vmem_shared>>) dst(%dma_wait3A_45 : memref<640x128xf32, #tpu.memory_space<hbm>>)
        tpu.yield
      }) : () -> ()
    } else {
    }
    %eq3A_37 = arith.constant 1 : i32
    %eq3A_38 = arith.cmpi eq, %arg0, %eq3A_37 : i32
    %convert_element_type3A_39 = arith.extui %eq3A_38 : i1 to i32
    %cond3A_40 = arith.constant 0 : i32
    %cond3A_41 = arith.cmpi ne, %convert_element_type3A_39, %cond3A_40 : i32
    scf.if %cond3A_41 {
      "tpu.region"() ({
        %run_scoped3A = tpu.sem_alloc : memref<!tpu.dma_semaphore, #tpu.memory_space<semaphore_mem>>
        %dma_start3A = arith.constant 0 : i32
        %dma_start3A_42 = tpu.memref_slice %arg7[%mul3A_0, %dma_start3A] : memref<10240x128xf32, #tpu.memory_space<hbm>> -> memref<640x128xf32, #tpu.memory_space<hbm>>
        %dma_start3A_43 = arith.constant 0 : i32
        %dma_start3A_44 = tpu.memref_slice %arg8[%mul3A_0, %dma_start3A_43] : memref<10240x128xf32, #tpu.memory_space<vmem_shared>> -> memref<640x128xf32, #tpu.memory_space<vmem_shared>>
        tpu.enqueue_dma source(%dma_start3A_44 : memref<640x128xf32, #tpu.memory_space<vmem_shared>>) target(%dma_start3A_42 : memref<640x128xf32, #tpu.memory_space<hbm>>) target_semaphore(%run_scoped3A : memref<!tpu.dma_semaphore, #tpu.memory_space<semaphore_mem>>)
        %dma_wait3A = arith.constant 0 : i32
        %dma_wait3A_45 = tpu.memref_slice %arg7[%mul3A_0, %dma_wait3A] : memref<10240x128xf32, #tpu.memory_space<hbm>> -> memref<640x128xf32, #tpu.memory_space<hbm>>
        %dma_wait3A_46 = arith.constant 0 : i32
        %dma_wait3A_47 = tpu.memref_slice %arg8[%mul3A_0, %dma_wait3A_46] : memref<10240x128xf32, #tpu.memory_space<vmem_shared>> -> memref<640x128xf32, #tpu.memory_space<vmem_shared>>
        tpu.wait_dma2 semaphore(%run_scoped3A : memref<!tpu.dma_semaphore, #tpu.memory_space<semaphore_mem>>) src(%dma_wait3A_47 : memref<640x128xf32, #tpu.memory_space<vmem_shared>>) dst(%dma_wait3A_45 : memref<640x128xf32, #tpu.memory_space<hbm>>)
        tpu.yield
      }) : () -> ()
    } else {
    }
    return
  }
}

#map = affine_map<(d0, d1) -> (0)>
module attributes {stable_mosaic.version = 14 : i64} {
  func.func @_sc_deg_body(%arg0: i32, %arg1: i32, %arg2: memref<640000xi32, #tpu.memory_space<hbm>>, %arg3: memref<640000xi32, #tpu.memory_space<hbm>>, %arg4: memref<640000xf32, #tpu.memory_space<hbm>>, %arg5: memref<10240xf32, #tpu.memory_space<hbm>>, %arg6: memref<10240xf32, #tpu.memory_space<hbm>>, %arg7: memref<10240xf32, #tpu.memory_space<vmem_shared>>, %arg8: memref<640xf32, #tpu.memory_space<vmem>>, %arg9: memref<40000xi32, #tpu.memory_space<vmem>>, %arg10: memref<40000xf32, #tpu.memory_space<vmem>>, %arg11: memref<!tpu.dma_semaphore, #tpu.memory_space<semaphore_mem>>, %arg12: memref<!tpu.dma_semaphore, #tpu.memory_space<semaphore_mem>>) attributes {dimension_semantics = [#tpu.dimension_semantics<core_parallel>, #tpu.dimension_semantics<subcore_parallel>], iteration_bounds = array<i64: 2, 16>, scalar_prefetch = 0 : i64, scratch_operands = 6 : i64, tpu.core_type = #tpu.core_type<sc_vector_subcore>, window_params = [{transform_indices = #map}, {transform_indices = #map}, {transform_indices = #map}, {transform_indices = #map}, {transform_indices = #map}]} {
    %mul3A = arith.constant 640 : i32
    %mul3A_0 = arith.muli %arg1, %mul3A : i32
    %mul3A_1 = arith.constant 40000 : i32
    %mul3A_2 = arith.muli %arg1, %mul3A_1 : i32
    %scan3A = arith.constant 0 : i32
    %scan3A_3 = arith.constant 0 : i32
    %scan3A_4 = arith.constant 40 : i32
    %scan3A_5 = arith.addi %scan3A_3, %scan3A_4 : i32
    %scan3A_6 = arith.constant 1 : i32
    %scan3A_7 = scf.for %scan3A_38 = %scan3A_3 to %scan3A_5 step %scan3A_6 iter_args(%scan3A_39 = %scan3A) -> (i32)  : i32 {
      %broadcast_in_dim3A = arith.constant 0.000000e+00 : f32
      %broadcast_in_dim3A_40 = vector.broadcast %broadcast_in_dim3A : f32 to vector<16xf32>
      %mul3A_41 = arith.constant 16 : i32
      %mul3A_42 = arith.muli %mul3A_41, %scan3A_38 : i32
      %swap3A = arith.index_cast %mul3A_42 : i32 to index
      %swap3A_43 = tpu.vector_load %arg8[%swap3A] {strides = array<i32>} : memref<640xf32, #tpu.memory_space<vmem>>, vector<16xf32>,
      %swap3A_44 = vector.shape_cast %swap3A_43 : vector<16xf32> to vector<16xf32>
      %swap3A_45 = vector.shape_cast %broadcast_in_dim3A_40 : vector<16xf32> to vector<16xf32>
      tpu.vector_store %arg8[%swap3A], %swap3A_45 {strides = array<i32>} : memref<640xf32, #tpu.memory_space<vmem>>, vector<16xf32>,
      %scan3A_46 = arith.constant 0 : i32
      scf.yield %scan3A_46 : i32
    }
    %scan3A_8 = arith.constant 40 : i32
    "tpu.region"() ({
      %run_scoped3A = tpu.sem_alloc : memref<!tpu.dma_semaphore, #tpu.memory_space<semaphore_mem>>
      %dma_start3A_38 = tpu.memref_slice %arg7[%mul3A_0] : memref<10240xf32, #tpu.memory_space<vmem_shared>> -> memref<640xf32, #tpu.memory_space<vmem_shared>>
      %dma_start3A_39 = tpu.memref_slice %arg7[%mul3A_0] : memref<10240xf32, #tpu.memory_space<vmem_shared>> -> memref<640xf32, #tpu.memory_space<vmem_shared>>
      tpu.enqueue_dma source(%arg8 : memref<640xf32, #tpu.memory_space<vmem>>) target(%dma_start3A_39 : memref<640xf32, #tpu.memory_space<vmem_shared>>) target_semaphore(%run_scoped3A : memref<!tpu.dma_semaphore, #tpu.memory_space<semaphore_mem>>)
      %dma_wait3A_40 = tpu.memref_slice %arg7[%mul3A_0] : memref<10240xf32, #tpu.memory_space<vmem_shared>> -> memref<640xf32, #tpu.memory_space<vmem_shared>>
      %dma_wait3A_41 = tpu.memref_slice %arg7[%mul3A_0] : memref<10240xf32, #tpu.memory_space<vmem_shared>> -> memref<640xf32, #tpu.memory_space<vmem_shared>>
      tpu.wait_dma2 semaphore(%run_scoped3A : memref<!tpu.dma_semaphore, #tpu.memory_space<semaphore_mem>>) src(%arg8 : memref<640xf32, #tpu.memory_space<vmem>>) dst(%dma_wait3A_41 : memref<640xf32, #tpu.memory_space<vmem_shared>>)
      tpu.yield
    }) : () -> ()
    %eq3A = arith.constant 0 : i32
    %eq3A_9 = arith.cmpi eq, %arg0, %eq3A : i32
    %convert_element_type3A = arith.extui %eq3A_9 : i1 to i32
    %cond3A = arith.constant 0 : i32
    %cond3A_10 = arith.cmpi ne, %convert_element_type3A, %cond3A : i32
    scf.if %cond3A_10 {
      %dma_start3A_38 = tpu.memref_slice %arg2[%mul3A_2] : memref<640000xi32, #tpu.memory_space<hbm>> -> memref<40000xi32, #tpu.memory_space<hbm>>
      %dma_start3A_39 = tpu.memref_slice %arg2[%mul3A_2] : memref<640000xi32, #tpu.memory_space<hbm>> -> memref<40000xi32, #tpu.memory_space<hbm>>
      tpu.enqueue_dma source(%dma_start3A_39 : memref<40000xi32, #tpu.memory_space<hbm>>) target(%arg9 : memref<40000xi32, #tpu.memory_space<vmem>>) target_semaphore(%arg11 : memref<!tpu.dma_semaphore, #tpu.memory_space<semaphore_mem>>)
    } else {
    }
    %eq3A_11 = arith.constant 1 : i32
    %eq3A_12 = arith.cmpi eq, %arg0, %eq3A_11 : i32
    %convert_element_type3A_13 = arith.extui %eq3A_12 : i1 to i32
    %cond3A_14 = arith.constant 0 : i32
    %cond3A_15 = arith.cmpi ne, %convert_element_type3A_13, %cond3A_14 : i32
    scf.if %cond3A_15 {
      %dma_start3A_38 = tpu.memref_slice %arg3[%mul3A_2] : memref<640000xi32, #tpu.memory_space<hbm>> -> memref<40000xi32, #tpu.memory_space<hbm>>
      %dma_start3A_39 = tpu.memref_slice %arg3[%mul3A_2] : memref<640000xi32, #tpu.memory_space<hbm>> -> memref<40000xi32, #tpu.memory_space<hbm>>
      tpu.enqueue_dma source(%dma_start3A_39 : memref<40000xi32, #tpu.memory_space<hbm>>) target(%arg9 : memref<40000xi32, #tpu.memory_space<vmem>>) target_semaphore(%arg11 : memref<!tpu.dma_semaphore, #tpu.memory_space<semaphore_mem>>)
    } else {
    }
    %dma_start3A = tpu.memref_slice %arg4[%mul3A_2] : memref<640000xf32, #tpu.memory_space<hbm>> -> memref<40000xf32, #tpu.memory_space<hbm>>
    %dma_start3A_16 = tpu.memref_slice %arg4[%mul3A_2] : memref<640000xf32, #tpu.memory_space<hbm>> -> memref<40000xf32, #tpu.memory_space<hbm>>
    tpu.enqueue_dma source(%dma_start3A_16 : memref<40000xf32, #tpu.memory_space<hbm>>) target(%arg10 : memref<40000xf32, #tpu.memory_space<vmem>>) target_semaphore(%arg11 : memref<!tpu.dma_semaphore, #tpu.memory_space<semaphore_mem>>)
    %dma_wait3A = tpu.memref_slice %arg2[%mul3A_2] : memref<640000xi32, #tpu.memory_space<hbm>> -> memref<40000xi32, #tpu.memory_space<hbm>>
    %dma_wait3A_17 = tpu.memref_slice %arg2[%mul3A_2] : memref<640000xi32, #tpu.memory_space<hbm>> -> memref<40000xi32, #tpu.memory_space<hbm>>
    tpu.wait_dma2 semaphore(%arg11 : memref<!tpu.dma_semaphore, #tpu.memory_space<semaphore_mem>>) src(%dma_wait3A_17 : memref<40000xi32, #tpu.memory_space<hbm>>) dst(%arg9 : memref<40000xi32, #tpu.memory_space<vmem>>)
    %dma_wait3A_18 = tpu.memref_slice %arg4[%mul3A_2] : memref<640000xf32, #tpu.memory_space<hbm>> -> memref<40000xf32, #tpu.memory_space<hbm>>
    %dma_wait3A_19 = tpu.memref_slice %arg4[%mul3A_2] : memref<640000xf32, #tpu.memory_space<hbm>> -> memref<40000xf32, #tpu.memory_space<hbm>>
    tpu.wait_dma2 semaphore(%arg11 : memref<!tpu.dma_semaphore, #tpu.memory_space<semaphore_mem>>) src(%dma_wait3A_19 : memref<40000xf32, #tpu.memory_space<hbm>>) dst(%arg10 : memref<40000xf32, #tpu.memory_space<vmem>>)
    %barrier3A = arith.constant 0 : index
    tpu.barrier barrier_id(%barrier3A)
    %scan3A_20 = arith.constant 0 : i32
    %scan3A_21 = arith.constant 0 : i32
    %scan3A_22 = arith.constant 50 : i32
    %scan3A_23 = arith.addi %scan3A_21, %scan3A_22 : i32
    %scan3A_24 = arith.constant 1 : i32
    %scan3A_25 = scf.for %scan3A_38 = %scan3A_21 to %scan3A_23 step %scan3A_24 iter_args(%scan3A_39 = %scan3A_20) -> (i32)  : i32 {
      %mul3A_40 = arith.constant 10 : i32
      %mul3A_41 = arith.muli %scan3A_38, %mul3A_40 : i32
      %add3A = arith.constant 0 : i32
      %add3A_42 = arith.addi %mul3A_41, %add3A : i32
      %mul3A_43 = arith.constant 80 : i32
      %mul3A_44 = arith.muli %add3A_42, %mul3A_43 : i32
      %multiple_of3A = tpu.assume_multiple %mul3A_44, 8 : i32
      %dma_start3A_45 = tpu.memref_slice %arg10[%multiple_of3A] : memref<40000xf32, #tpu.memory_space<vmem>> -> memref<80xf32, #tpu.memory_space<vmem>>
      %dma_start3A_46 = tpu.memref_slice %arg9[%multiple_of3A] : memref<40000xi32, #tpu.memory_space<vmem>> -> memref<80xi32, #tpu.memory_space<vmem>>
      %dma_start3A_47 = arith.constant 0 : i32
      %dma_start3A_48 = tpu.memref_slice %arg7[%dma_start3A_47] : memref<10240xf32, #tpu.memory_space<vmem_shared>> -> memref<10240xf32, #tpu.memory_space<vmem_shared>>
      tpu.enqueue_indirect_dma source(%dma_start3A_45 : memref<80xf32, #tpu.memory_space<vmem>>) target(%dma_start3A_48 : memref<10240xf32, #tpu.memory_space<vmem_shared>>) offsets(%dma_start3A_46 : memref<80xi32, #tpu.memory_space<vmem>>) semaphore(%arg12 : memref<!tpu.dma_semaphore, #tpu.memory_space<semaphore_mem>>) {add = true}
      %mul3A_49 = arith.constant 10 : i32
      %mul3A_50 = arith.muli %scan3A_38, %mul3A_49 : i32
      %add3A_51 = arith.constant 1 : i32
      %add3A_52 = arith.addi %mul3A_50, %add3A_51 : i32
      %mul3A_53 = arith.constant 80 : i32
      %mul3A_54 = arith.muli %add3A_52, %mul3A_53 : i32
      %multiple_of3A_55 = tpu.assume_multiple %mul3A_54, 8 : i32
      %dma_start3A_56 = tpu.memref_slice %arg10[%multiple_of3A_55] : memref<40000xf32, #tpu.memory_space<vmem>> -> memref<80xf32, #tpu.memory_space<vmem>>
      %dma_start3A_57 = tpu.memref_slice %arg9[%multiple_of3A_55] : memref<40000xi32, #tpu.memory_space<vmem>> -> memref<80xi32, #tpu.memory_space<vmem>>
      %dma_start3A_58 = arith.constant 0 : i32
      %dma_start3A_59 = tpu.memref_slice %arg7[%dma_start3A_58] : memref<10240xf32, #tpu.memory_space<vmem_shared>> -> memref<10240xf32, #tpu.memory_space<vmem_shared>>
      tpu.enqueue_indirect_dma source(%dma_start3A_56 : memref<80xf32, #tpu.memory_space<vmem>>) target(%dma_start3A_59 : memref<10240xf32, #tpu.memory_space<vmem_shared>>) offsets(%dma_start3A_57 : memref<80xi32, #tpu.memory_space<vmem>>) semaphore(%arg12 : memref<!tpu.dma_semaphore, #tpu.memory_space<semaphore_mem>>) {add = true}
      %mul3A_60 = arith.constant 10 : i32
      %mul3A_61 = arith.muli %scan3A_38, %mul3A_60 : i32
      %add3A_62 = arith.constant 2 : i32
      %add3A_63 = arith.addi %mul3A_61, %add3A_62 : i32
      %mul3A_64 = arith.constant 80 : i32
      %mul3A_65 = arith.muli %add3A_63, %mul3A_64 : i32
      %multiple_of3A_66 = tpu.assume_multiple %mul3A_65, 8 : i32
      %dma_start3A_67 = tpu.memref_slice %arg10[%multiple_of3A_66] : memref<40000xf32, #tpu.memory_space<vmem>> -> memref<80xf32, #tpu.memory_space<vmem>>
      %dma_start3A_68 = tpu.memref_slice %arg9[%multiple_of3A_66] : memref<40000xi32, #tpu.memory_space<vmem>> -> memref<80xi32, #tpu.memory_space<vmem>>
      %dma_start3A_69 = arith.constant 0 : i32
      %dma_start3A_70 = tpu.memref_slice %arg7[%dma_start3A_69] : memref<10240xf32, #tpu.memory_space<vmem_shared>> -> memref<10240xf32, #tpu.memory_space<vmem_shared>>
      tpu.enqueue_indirect_dma source(%dma_start3A_67 : memref<80xf32, #tpu.memory_space<vmem>>) target(%dma_start3A_70 : memref<10240xf32, #tpu.memory_space<vmem_shared>>) offsets(%dma_start3A_68 : memref<80xi32, #tpu.memory_space<vmem>>) semaphore(%arg12 : memref<!tpu.dma_semaphore, #tpu.memory_space<semaphore_mem>>) {add = true}
      %mul3A_71 = arith.constant 10 : i32
      %mul3A_72 = arith.muli %scan3A_38, %mul3A_71 : i32
      %add3A_73 = arith.constant 3 : i32
      %add3A_74 = arith.addi %mul3A_72, %add3A_73 : i32
      %mul3A_75 = arith.constant 80 : i32
      %mul3A_76 = arith.muli %add3A_74, %mul3A_75 : i32
      %multiple_of3A_77 = tpu.assume_multiple %mul3A_76, 8 : i32
      %dma_start3A_78 = tpu.memref_slice %arg10[%multiple_of3A_77] : memref<40000xf32, #tpu.memory_space<vmem>> -> memref<80xf32, #tpu.memory_space<vmem>>
      %dma_start3A_79 = tpu.memref_slice %arg9[%multiple_of3A_77] : memref<40000xi32, #tpu.memory_space<vmem>> -> memref<80xi32, #tpu.memory_space<vmem>>
      %dma_start3A_80 = arith.constant 0 : i32
      %dma_start3A_81 = tpu.memref_slice %arg7[%dma_start3A_80] : memref<10240xf32, #tpu.memory_space<vmem_shared>> -> memref<10240xf32, #tpu.memory_space<vmem_shared>>
      tpu.enqueue_indirect_dma source(%dma_start3A_78 : memref<80xf32, #tpu.memory_space<vmem>>) target(%dma_start3A_81 : memref<10240xf32, #tpu.memory_space<vmem_shared>>) offsets(%dma_start3A_79 : memref<80xi32, #tpu.memory_space<vmem>>) semaphore(%arg12 : memref<!tpu.dma_semaphore, #tpu.memory_space<semaphore_mem>>) {add = true}
      %mul3A_82 = arith.constant 10 : i32
      %mul3A_83 = arith.muli %scan3A_38, %mul3A_82 : i32
      %add3A_84 = arith.constant 4 : i32
      %add3A_85 = arith.addi %mul3A_83, %add3A_84 : i32
      %mul3A_86 = arith.constant 80 : i32
      %mul3A_87 = arith.muli %add3A_85, %mul3A_86 : i32
      %multiple_of3A_88 = tpu.assume_multiple %mul3A_87, 8 : i32
      %dma_start3A_89 = tpu.memref_slice %arg10[%multiple_of3A_88] : memref<40000xf32, #tpu.memory_space<vmem>> -> memref<80xf32, #tpu.memory_space<vmem>>
      %dma_start3A_90 = tpu.memref_slice %arg9[%multiple_of3A_88] : memref<40000xi32, #tpu.memory_space<vmem>> -> memref<80xi32, #tpu.memory_space<vmem>>
      %dma_start3A_91 = arith.constant 0 : i32
      %dma_start3A_92 = tpu.memref_slice %arg7[%dma_start3A_91] : memref<10240xf32, #tpu.memory_space<vmem_shared>> -> memref<10240xf32, #tpu.memory_space<vmem_shared>>
      tpu.enqueue_indirect_dma source(%dma_start3A_89 : memref<80xf32, #tpu.memory_space<vmem>>) target(%dma_start3A_92 : memref<10240xf32, #tpu.memory_space<vmem_shared>>) offsets(%dma_start3A_90 : memref<80xi32, #tpu.memory_space<vmem>>) semaphore(%arg12 : memref<!tpu.dma_semaphore, #tpu.memory_space<semaphore_mem>>) {add = true}
      %mul3A_93 = arith.constant 10 : i32
      %mul3A_94 = arith.muli %scan3A_38, %mul3A_93 : i32
      %add3A_95 = arith.constant 5 : i32
      %add3A_96 = arith.addi %mul3A_94, %add3A_95 : i32
      %mul3A_97 = arith.constant 80 : i32
      %mul3A_98 = arith.muli %add3A_96, %mul3A_97 : i32
      %multiple_of3A_99 = tpu.assume_multiple %mul3A_98, 8 : i32
      %dma_start3A_100 = tpu.memref_slice %arg10[%multiple_of3A_99] : memref<40000xf32, #tpu.memory_space<vmem>> -> memref<80xf32, #tpu.memory_space<vmem>>
      %dma_start3A_101 = tpu.memref_slice %arg9[%multiple_of3A_99] : memref<40000xi32, #tpu.memory_space<vmem>> -> memref<80xi32, #tpu.memory_space<vmem>>
      %dma_start3A_102 = arith.constant 0 : i32
      %dma_start3A_103 = tpu.memref_slice %arg7[%dma_start3A_102] : memref<10240xf32, #tpu.memory_space<vmem_shared>> -> memref<10240xf32, #tpu.memory_space<vmem_shared>>
      tpu.enqueue_indirect_dma source(%dma_start3A_100 : memref<80xf32, #tpu.memory_space<vmem>>) target(%dma_start3A_103 : memref<10240xf32, #tpu.memory_space<vmem_shared>>) offsets(%dma_start3A_101 : memref<80xi32, #tpu.memory_space<vmem>>) semaphore(%arg12 : memref<!tpu.dma_semaphore, #tpu.memory_space<semaphore_mem>>) {add = true}
      %mul3A_104 = arith.constant 10 : i32
      %mul3A_105 = arith.muli %scan3A_38, %mul3A_104 : i32
      %add3A_106 = arith.constant 6 : i32
      %add3A_107 = arith.addi %mul3A_105, %add3A_106 : i32
      %mul3A_108 = arith.constant 80 : i32
      %mul3A_109 = arith.muli %add3A_107, %mul3A_108 : i32
      %multiple_of3A_110 = tpu.assume_multiple %mul3A_109, 8 : i32
      %dma_start3A_111 = tpu.memref_slice %arg10[%multiple_of3A_110] : memref<40000xf32, #tpu.memory_space<vmem>> -> memref<80xf32, #tpu.memory_space<vmem>>
      %dma_start3A_112 = tpu.memref_slice %arg9[%multiple_of3A_110] : memref<40000xi32, #tpu.memory_space<vmem>> -> memref<80xi32, #tpu.memory_space<vmem>>
      %dma_start3A_113 = arith.constant 0 : i32
      %dma_start3A_114 = tpu.memref_slice %arg7[%dma_start3A_113] : memref<10240xf32, #tpu.memory_space<vmem_shared>> -> memref<10240xf32, #tpu.memory_space<vmem_shared>>
      tpu.enqueue_indirect_dma source(%dma_start3A_111 : memref<80xf32, #tpu.memory_space<vmem>>) target(%dma_start3A_114 : memref<10240xf32, #tpu.memory_space<vmem_shared>>) offsets(%dma_start3A_112 : memref<80xi32, #tpu.memory_space<vmem>>) semaphore(%arg12 : memref<!tpu.dma_semaphore, #tpu.memory_space<semaphore_mem>>) {add = true}
      %mul3A_115 = arith.constant 10 : i32
      %mul3A_116 = arith.muli %scan3A_38, %mul3A_115 : i32
      %add3A_117 = arith.constant 7 : i32
      %add3A_118 = arith.addi %mul3A_116, %add3A_117 : i32
      %mul3A_119 = arith.constant 80 : i32
      %mul3A_120 = arith.muli %add3A_118, %mul3A_119 : i32
      %multiple_of3A_121 = tpu.assume_multiple %mul3A_120, 8 : i32
      %dma_start3A_122 = tpu.memref_slice %arg10[%multiple_of3A_121] : memref<40000xf32, #tpu.memory_space<vmem>> -> memref<80xf32, #tpu.memory_space<vmem>>
      %dma_start3A_123 = tpu.memref_slice %arg9[%multiple_of3A_121] : memref<40000xi32, #tpu.memory_space<vmem>> -> memref<80xi32, #tpu.memory_space<vmem>>
      %dma_start3A_124 = arith.constant 0 : i32
      %dma_start3A_125 = tpu.memref_slice %arg7[%dma_start3A_124] : memref<10240xf32, #tpu.memory_space<vmem_shared>> -> memref<10240xf32, #tpu.memory_space<vmem_shared>>
      tpu.enqueue_indirect_dma source(%dma_start3A_122 : memref<80xf32, #tpu.memory_space<vmem>>) target(%dma_start3A_125 : memref<10240xf32, #tpu.memory_space<vmem_shared>>) offsets(%dma_start3A_123 : memref<80xi32, #tpu.memory_space<vmem>>) semaphore(%arg12 : memref<!tpu.dma_semaphore, #tpu.memory_space<semaphore_mem>>) {add = true}
      %mul3A_126 = arith.constant 10 : i32
      %mul3A_127 = arith.muli %scan3A_38, %mul3A_126 : i32
      %add3A_128 = arith.constant 8 : i32
      %add3A_129 = arith.addi %mul3A_127, %add3A_128 : i32
      %mul3A_130 = arith.constant 80 : i32
      %mul3A_131 = arith.muli %add3A_129, %mul3A_130 : i32
      %multiple_of3A_132 = tpu.assume_multiple %mul3A_131, 8 : i32
      %dma_start3A_133 = tpu.memref_slice %arg10[%multiple_of3A_132] : memref<40000xf32, #tpu.memory_space<vmem>> -> memref<80xf32, #tpu.memory_space<vmem>>
      %dma_start3A_134 = tpu.memref_slice %arg9[%multiple_of3A_132] : memref<40000xi32, #tpu.memory_space<vmem>> -> memref<80xi32, #tpu.memory_space<vmem>>
      %dma_start3A_135 = arith.constant 0 : i32
      %dma_start3A_136 = tpu.memref_slice %arg7[%dma_start3A_135] : memref<10240xf32, #tpu.memory_space<vmem_shared>> -> memref<10240xf32, #tpu.memory_space<vmem_shared>>
      tpu.enqueue_indirect_dma source(%dma_start3A_133 : memref<80xf32, #tpu.memory_space<vmem>>) target(%dma_start3A_136 : memref<10240xf32, #tpu.memory_space<vmem_shared>>) offsets(%dma_start3A_134 : memref<80xi32, #tpu.memory_space<vmem>>) semaphore(%arg12 : memref<!tpu.dma_semaphore, #tpu.memory_space<semaphore_mem>>) {add = true}
      %mul3A_137 = arith.constant 10 : i32
      %mul3A_138 = arith.muli %scan3A_38, %mul3A_137 : i32
      %add3A_139 = arith.constant 9 : i32
      %add3A_140 = arith.addi %mul3A_138, %add3A_139 : i32
      %mul3A_141 = arith.constant 80 : i32
      %mul3A_142 = arith.muli %add3A_140, %mul3A_141 : i32
      %multiple_of3A_143 = tpu.assume_multiple %mul3A_142, 8 : i32
      %dma_start3A_144 = tpu.memref_slice %arg10[%multiple_of3A_143] : memref<40000xf32, #tpu.memory_space<vmem>> -> memref<80xf32, #tpu.memory_space<vmem>>
      %dma_start3A_145 = tpu.memref_slice %arg9[%multiple_of3A_143] : memref<40000xi32, #tpu.memory_space<vmem>> -> memref<80xi32, #tpu.memory_space<vmem>>
      %dma_start3A_146 = arith.constant 0 : i32
      %dma_start3A_147 = tpu.memref_slice %arg7[%dma_start3A_146] : memref<10240xf32, #tpu.memory_space<vmem_shared>> -> memref<10240xf32, #tpu.memory_space<vmem_shared>>
      tpu.enqueue_indirect_dma source(%dma_start3A_144 : memref<80xf32, #tpu.memory_space<vmem>>) target(%dma_start3A_147 : memref<10240xf32, #tpu.memory_space<vmem_shared>>) offsets(%dma_start3A_145 : memref<80xi32, #tpu.memory_space<vmem>>) semaphore(%arg12 : memref<!tpu.dma_semaphore, #tpu.memory_space<semaphore_mem>>) {add = true}
      %mul3A_148 = arith.constant 10 : i32
      %mul3A_149 = arith.muli %scan3A_38, %mul3A_148 : i32
      %add3A_150 = arith.constant 0 : i32
      %add3A_151 = arith.addi %mul3A_149, %add3A_150 : i32
      %mul3A_152 = arith.constant 80 : i32
      %mul3A_153 = arith.muli %add3A_151, %mul3A_152 : i32
      %multiple_of3A_154 = tpu.assume_multiple %mul3A_153, 8 : i32
      %dma_wait3A_155 = tpu.memref_slice %arg10[%multiple_of3A_154] : memref<40000xf32, #tpu.memory_space<vmem>> -> memref<80xf32, #tpu.memory_space<vmem>>
      %dma_wait3A_156 = tpu.memref_slice %arg9[%multiple_of3A_154] : memref<40000xi32, #tpu.memory_space<vmem>> -> memref<80xi32, #tpu.memory_space<vmem>>
      %dma_wait3A_157 = arith.constant 0 : i32
      %dma_wait3A_158 = tpu.memref_slice %arg7[%dma_wait3A_157] : memref<10240xf32, #tpu.memory_space<vmem_shared>> -> memref<10240xf32, #tpu.memory_space<vmem_shared>>
      tpu.wait_indirect_dma semaphore(%arg12 : memref<!tpu.dma_semaphore, #tpu.memory_space<semaphore_mem>>) src(%dma_wait3A_155 : memref<80xf32, #tpu.memory_space<vmem>>) dst(%dma_wait3A_158 : memref<10240xf32, #tpu.memory_space<vmem_shared>>)
      %mul3A_159 = arith.constant 10 : i32
      %mul3A_160 = arith.muli %scan3A_38, %mul3A_159 : i32
      %add3A_161 = arith.constant 1 : i32
      %add3A_162 = arith.addi %mul3A_160, %add3A_161 : i32
      %mul3A_163 = arith.constant 80 : i32
      %mul3A_164 = arith.muli %add3A_162, %mul3A_163 : i32
      %multiple_of3A_165 = tpu.assume_multiple %mul3A_164, 8 : i32
      %dma_wait3A_166 = tpu.memref_slice %arg10[%multiple_of3A_165] : memref<40000xf32, #tpu.memory_space<vmem>> -> memref<80xf32, #tpu.memory_space<vmem>>
      %dma_wait3A_167 = tpu.memref_slice %arg9[%multiple_of3A_165] : memref<40000xi32, #tpu.memory_space<vmem>> -> memref<80xi32, #tpu.memory_space<vmem>>
      %dma_wait3A_168 = arith.constant 0 : i32
      %dma_wait3A_169 = tpu.memref_slice %arg7[%dma_wait3A_168] : memref<10240xf32, #tpu.memory_space<vmem_shared>> -> memref<10240xf32, #tpu.memory_space<vmem_shared>>
      tpu.wait_indirect_dma semaphore(%arg12 : memref<!tpu.dma_semaphore, #tpu.memory_space<semaphore_mem>>) src(%dma_wait3A_166 : memref<80xf32, #tpu.memory_space<vmem>>) dst(%dma_wait3A_169 : memref<10240xf32, #tpu.memory_space<vmem_shared>>)
      %mul3A_170 = arith.constant 10 : i32
      %mul3A_171 = arith.muli %scan3A_38, %mul3A_170 : i32
      %add3A_172 = arith.constant 2 : i32
      %add3A_173 = arith.addi %mul3A_171, %add3A_172 : i32
      %mul3A_174 = arith.constant 80 : i32
      %mul3A_175 = arith.muli %add3A_173, %mul3A_174 : i32
      %multiple_of3A_176 = tpu.assume_multiple %mul3A_175, 8 : i32
      %dma_wait3A_177 = tpu.memref_slice %arg10[%multiple_of3A_176] : memref<40000xf32, #tpu.memory_space<vmem>> -> memref<80xf32, #tpu.memory_space<vmem>>
      %dma_wait3A_178 = tpu.memref_slice %arg9[%multiple_of3A_176] : memref<40000xi32, #tpu.memory_space<vmem>> -> memref<80xi32, #tpu.memory_space<vmem>>
      %dma_wait3A_179 = arith.constant 0 : i32
      %dma_wait3A_180 = tpu.memref_slice %arg7[%dma_wait3A_179] : memref<10240xf32, #tpu.memory_space<vmem_shared>> -> memref<10240xf32, #tpu.memory_space<vmem_shared>>
      tpu.wait_indirect_dma semaphore(%arg12 : memref<!tpu.dma_semaphore, #tpu.memory_space<semaphore_mem>>) src(%dma_wait3A_177 : memref<80xf32, #tpu.memory_space<vmem>>) dst(%dma_wait3A_180 : memref<10240xf32, #tpu.memory_space<vmem_shared>>)
      %mul3A_181 = arith.constant 10 : i32
      %mul3A_182 = arith.muli %scan3A_38, %mul3A_181 : i32
      %add3A_183 = arith.constant 3 : i32
      %add3A_184 = arith.addi %mul3A_182, %add3A_183 : i32
      %mul3A_185 = arith.constant 80 : i32
      %mul3A_186 = arith.muli %add3A_184, %mul3A_185 : i32
      %multiple_of3A_187 = tpu.assume_multiple %mul3A_186, 8 : i32
      %dma_wait3A_188 = tpu.memref_slice %arg10[%multiple_of3A_187] : memref<40000xf32, #tpu.memory_space<vmem>> -> memref<80xf32, #tpu.memory_space<vmem>>
      %dma_wait3A_189 = tpu.memref_slice %arg9[%multiple_of3A_187] : memref<40000xi32, #tpu.memory_space<vmem>> -> memref<80xi32, #tpu.memory_space<vmem>>
      %dma_wait3A_190 = arith.constant 0 : i32
      %dma_wait3A_191 = tpu.memref_slice %arg7[%dma_wait3A_190] : memref<10240xf32, #tpu.memory_space<vmem_shared>> -> memref<10240xf32, #tpu.memory_space<vmem_shared>>
      tpu.wait_indirect_dma semaphore(%arg12 : memref<!tpu.dma_semaphore, #tpu.memory_space<semaphore_mem>>) src(%dma_wait3A_188 : memref<80xf32, #tpu.memory_space<vmem>>) dst(%dma_wait3A_191 : memref<10240xf32, #tpu.memory_space<vmem_shared>>)
      %mul3A_192 = arith.constant 10 : i32
      %mul3A_193 = arith.muli %scan3A_38, %mul3A_192 : i32
      %add3A_194 = arith.constant 4 : i32
      %add3A_195 = arith.addi %mul3A_193, %add3A_194 : i32
      %mul3A_196 = arith.constant 80 : i32
      %mul3A_197 = arith.muli %add3A_195, %mul3A_196 : i32
      %multiple_of3A_198 = tpu.assume_multiple %mul3A_197, 8 : i32
      %dma_wait3A_199 = tpu.memref_slice %arg10[%multiple_of3A_198] : memref<40000xf32, #tpu.memory_space<vmem>> -> memref<80xf32, #tpu.memory_space<vmem>>
      %dma_wait3A_200 = tpu.memref_slice %arg9[%multiple_of3A_198] : memref<40000xi32, #tpu.memory_space<vmem>> -> memref<80xi32, #tpu.memory_space<vmem>>
      %dma_wait3A_201 = arith.constant 0 : i32
      %dma_wait3A_202 = tpu.memref_slice %arg7[%dma_wait3A_201] : memref<10240xf32, #tpu.memory_space<vmem_shared>> -> memref<10240xf32, #tpu.memory_space<vmem_shared>>
      tpu.wait_indirect_dma semaphore(%arg12 : memref<!tpu.dma_semaphore, #tpu.memory_space<semaphore_mem>>) src(%dma_wait3A_199 : memref<80xf32, #tpu.memory_space<vmem>>) dst(%dma_wait3A_202 : memref<10240xf32, #tpu.memory_space<vmem_shared>>)
      %mul3A_203 = arith.constant 10 : i32
      %mul3A_204 = arith.muli %scan3A_38, %mul3A_203 : i32
      %add3A_205 = arith.constant 5 : i32
      %add3A_206 = arith.addi %mul3A_204, %add3A_205 : i32
      %mul3A_207 = arith.constant 80 : i32
      %mul3A_208 = arith.muli %add3A_206, %mul3A_207 : i32
      %multiple_of3A_209 = tpu.assume_multiple %mul3A_208, 8 : i32
      %dma_wait3A_210 = tpu.memref_slice %arg10[%multiple_of3A_209] : memref<40000xf32, #tpu.memory_space<vmem>> -> memref<80xf32, #tpu.memory_space<vmem>>
      %dma_wait3A_211 = tpu.memref_slice %arg9[%multiple_of3A_209] : memref<40000xi32, #tpu.memory_space<vmem>> -> memref<80xi32, #tpu.memory_space<vmem>>
      %dma_wait3A_212 = arith.constant 0 : i32
      %dma_wait3A_213 = tpu.memref_slice %arg7[%dma_wait3A_212] : memref<10240xf32, #tpu.memory_space<vmem_shared>> -> memref<10240xf32, #tpu.memory_space<vmem_shared>>
      tpu.wait_indirect_dma semaphore(%arg12 : memref<!tpu.dma_semaphore, #tpu.memory_space<semaphore_mem>>) src(%dma_wait3A_210 : memref<80xf32, #tpu.memory_space<vmem>>) dst(%dma_wait3A_213 : memref<10240xf32, #tpu.memory_space<vmem_shared>>)
      %mul3A_214 = arith.constant 10 : i32
      %mul3A_215 = arith.muli %scan3A_38, %mul3A_214 : i32
      %add3A_216 = arith.constant 6 : i32
      %add3A_217 = arith.addi %mul3A_215, %add3A_216 : i32
      %mul3A_218 = arith.constant 80 : i32
      %mul3A_219 = arith.muli %add3A_217, %mul3A_218 : i32
      %multiple_of3A_220 = tpu.assume_multiple %mul3A_219, 8 : i32
      %dma_wait3A_221 = tpu.memref_slice %arg10[%multiple_of3A_220] : memref<40000xf32, #tpu.memory_space<vmem>> -> memref<80xf32, #tpu.memory_space<vmem>>
      %dma_wait3A_222 = tpu.memref_slice %arg9[%multiple_of3A_220] : memref<40000xi32, #tpu.memory_space<vmem>> -> memref<80xi32, #tpu.memory_space<vmem>>
      %dma_wait3A_223 = arith.constant 0 : i32
      %dma_wait3A_224 = tpu.memref_slice %arg7[%dma_wait3A_223] : memref<10240xf32, #tpu.memory_space<vmem_shared>> -> memref<10240xf32, #tpu.memory_space<vmem_shared>>
      tpu.wait_indirect_dma semaphore(%arg12 : memref<!tpu.dma_semaphore, #tpu.memory_space<semaphore_mem>>) src(%dma_wait3A_221 : memref<80xf32, #tpu.memory_space<vmem>>) dst(%dma_wait3A_224 : memref<10240xf32, #tpu.memory_space<vmem_shared>>)
      %mul3A_225 = arith.constant 10 : i32
      %mul3A_226 = arith.muli %scan3A_38, %mul3A_225 : i32
      %add3A_227 = arith.constant 7 : i32
      %add3A_228 = arith.addi %mul3A_226, %add3A_227 : i32
      %mul3A_229 = arith.constant 80 : i32
      %mul3A_230 = arith.muli %add3A_228, %mul3A_229 : i32
      %multiple_of3A_231 = tpu.assume_multiple %mul3A_230, 8 : i32
      %dma_wait3A_232 = tpu.memref_slice %arg10[%multiple_of3A_231] : memref<40000xf32, #tpu.memory_space<vmem>> -> memref<80xf32, #tpu.memory_space<vmem>>
      %dma_wait3A_233 = tpu.memref_slice %arg9[%multiple_of3A_231] : memref<40000xi32, #tpu.memory_space<vmem>> -> memref<80xi32, #tpu.memory_space<vmem>>
      %dma_wait3A_234 = arith.constant 0 : i32
      %dma_wait3A_235 = tpu.memref_slice %arg7[%dma_wait3A_234] : memref<10240xf32, #tpu.memory_space<vmem_shared>> -> memref<10240xf32, #tpu.memory_space<vmem_shared>>
      tpu.wait_indirect_dma semaphore(%arg12 : memref<!tpu.dma_semaphore, #tpu.memory_space<semaphore_mem>>) src(%dma_wait3A_232 : memref<80xf32, #tpu.memory_space<vmem>>) dst(%dma_wait3A_235 : memref<10240xf32, #tpu.memory_space<vmem_shared>>)
      %mul3A_236 = arith.constant 10 : i32
      %mul3A_237 = arith.muli %scan3A_38, %mul3A_236 : i32
      %add3A_238 = arith.constant 8 : i32
      %add3A_239 = arith.addi %mul3A_237, %add3A_238 : i32
      %mul3A_240 = arith.constant 80 : i32
      %mul3A_241 = arith.muli %add3A_239, %mul3A_240 : i32
      %multiple_of3A_242 = tpu.assume_multiple %mul3A_241, 8 : i32
      %dma_wait3A_243 = tpu.memref_slice %arg10[%multiple_of3A_242] : memref<40000xf32, #tpu.memory_space<vmem>> -> memref<80xf32, #tpu.memory_space<vmem>>
      %dma_wait3A_244 = tpu.memref_slice %arg9[%multiple_of3A_242] : memref<40000xi32, #tpu.memory_space<vmem>> -> memref<80xi32, #tpu.memory_space<vmem>>
      %dma_wait3A_245 = arith.constant 0 : i32
      %dma_wait3A_246 = tpu.memref_slice %arg7[%dma_wait3A_245] : memref<10240xf32, #tpu.memory_space<vmem_shared>> -> memref<10240xf32, #tpu.memory_space<vmem_shared>>
      tpu.wait_indirect_dma semaphore(%arg12 : memref<!tpu.dma_semaphore, #tpu.memory_space<semaphore_mem>>) src(%dma_wait3A_243 : memref<80xf32, #tpu.memory_space<vmem>>) dst(%dma_wait3A_246 : memref<10240xf32, #tpu.memory_space<vmem_shared>>)
      %mul3A_247 = arith.constant 10 : i32
      %mul3A_248 = arith.muli %scan3A_38, %mul3A_247 : i32
      %add3A_249 = arith.constant 9 : i32
      %add3A_250 = arith.addi %mul3A_248, %add3A_249 : i32
      %mul3A_251 = arith.constant 80 : i32
      %mul3A_252 = arith.muli %add3A_250, %mul3A_251 : i32
      %multiple_of3A_253 = tpu.assume_multiple %mul3A_252, 8 : i32
      %dma_wait3A_254 = tpu.memref_slice %arg10[%multiple_of3A_253] : memref<40000xf32, #tpu.memory_space<vmem>> -> memref<80xf32, #tpu.memory_space<vmem>>
      %dma_wait3A_255 = tpu.memref_slice %arg9[%multiple_of3A_253] : memref<40000xi32, #tpu.memory_space<vmem>> -> memref<80xi32, #tpu.memory_space<vmem>>
      %dma_wait3A_256 = arith.constant 0 : i32
      %dma_wait3A_257 = tpu.memref_slice %arg7[%dma_wait3A_256] : memref<10240xf32, #tpu.memory_space<vmem_shared>> -> memref<10240xf32, #tpu.memory_space<vmem_shared>>
      tpu.wait_indirect_dma semaphore(%arg12 : memref<!tpu.dma_semaphore, #tpu.memory_space<semaphore_mem>>) src(%dma_wait3A_254 : memref<80xf32, #tpu.memory_space<vmem>>) dst(%dma_wait3A_257 : memref<10240xf32, #tpu.memory_space<vmem_shared>>)
      %scan3A_258 = arith.constant 0 : i32
      scf.yield %scan3A_258 : i32
    }
    %scan3A_26 = arith.constant 50 : i32
    %barrier3A_27 = arith.constant 0 : index
    tpu.barrier barrier_id(%barrier3A_27)
    %eq3A_28 = arith.constant 0 : i32
    %eq3A_29 = arith.cmpi eq, %arg0, %eq3A_28 : i32
    %convert_element_type3A_30 = arith.extui %eq3A_29 : i1 to i32
    %cond3A_31 = arith.constant 0 : i32
    %cond3A_32 = arith.cmpi ne, %convert_element_type3A_30, %cond3A_31 : i32
    scf.if %cond3A_32 {
      "tpu.region"() ({
        %run_scoped3A = tpu.sem_alloc : memref<!tpu.dma_semaphore, #tpu.memory_space<semaphore_mem>>
        %dma_start3A_38 = tpu.memref_slice %arg5[%mul3A_0] : memref<10240xf32, #tpu.memory_space<hbm>> -> memref<640xf32, #tpu.memory_space<hbm>>
        %dma_start3A_39 = tpu.memref_slice %arg7[%mul3A_0] : memref<10240xf32, #tpu.memory_space<vmem_shared>> -> memref<640xf32, #tpu.memory_space<vmem_shared>>
        tpu.enqueue_dma source(%dma_start3A_39 : memref<640xf32, #tpu.memory_space<vmem_shared>>) target(%dma_start3A_38 : memref<640xf32, #tpu.memory_space<hbm>>) target_semaphore(%run_scoped3A : memref<!tpu.dma_semaphore, #tpu.memory_space<semaphore_mem>>)
        %dma_wait3A_40 = tpu.memref_slice %arg5[%mul3A_0] : memref<10240xf32, #tpu.memory_space<hbm>> -> memref<640xf32, #tpu.memory_space<hbm>>
        %dma_wait3A_41 = tpu.memref_slice %arg7[%mul3A_0] : memref<10240xf32, #tpu.memory_space<vmem_shared>> -> memref<640xf32, #tpu.memory_space<vmem_shared>>
        tpu.wait_dma2 semaphore(%run_scoped3A : memref<!tpu.dma_semaphore, #tpu.memory_space<semaphore_mem>>) src(%dma_wait3A_41 : memref<640xf32, #tpu.memory_space<vmem_shared>>) dst(%dma_wait3A_40 : memref<640xf32, #tpu.memory_space<hbm>>)
        tpu.yield
      }) : () -> ()
    } else {
    }
    %eq3A_33 = arith.constant 1 : i32
    %eq3A_34 = arith.cmpi eq, %arg0, %eq3A_33 : i32
    %convert_element_type3A_35 = arith.extui %eq3A_34 : i1 to i32
    %cond3A_36 = arith.constant 0 : i32
    %cond3A_37 = arith.cmpi ne, %convert_element_type3A_35, %cond3A_36 : i32
    scf.if %cond3A_37 {
      "tpu.region"() ({
        %run_scoped3A = tpu.sem_alloc : memref<!tpu.dma_semaphore, #tpu.memory_space<semaphore_mem>>
        %dma_start3A_38 = tpu.memref_slice %arg6[%mul3A_0] : memref<10240xf32, #tpu.memory_space<hbm>> -> memref<640xf32, #tpu.memory_space<hbm>>
        %dma_start3A_39 = tpu.memref_slice %arg7[%mul3A_0] : memref<10240xf32, #tpu.memory_space<vmem_shared>> -> memref<640xf32, #tpu.memory_space<vmem_shared>>
        tpu.enqueue_dma source(%dma_start3A_39 : memref<640xf32, #tpu.memory_space<vmem_shared>>) target(%dma_start3A_38 : memref<640xf32, #tpu.memory_space<hbm>>) target_semaphore(%run_scoped3A : memref<!tpu.dma_semaphore, #tpu.memory_space<semaphore_mem>>)
        %dma_wait3A_40 = tpu.memref_slice %arg6[%mul3A_0] : memref<10240xf32, #tpu.memory_space<hbm>> -> memref<640xf32, #tpu.memory_space<hbm>>
        %dma_wait3A_41 = tpu.memref_slice %arg7[%mul3A_0] : memref<10240xf32, #tpu.memory_space<vmem_shared>> -> memref<640xf32, #tpu.memory_space<vmem_shared>>
        tpu.wait_dma2 semaphore(%run_scoped3A : memref<!tpu.dma_semaphore, #tpu.memory_space<semaphore_mem>>) src(%dma_wait3A_41 : memref<640xf32, #tpu.memory_space<vmem_shared>>) dst(%dma_wait3A_40 : memref<640xf32, #tpu.memory_space<hbm>>)
        tpu.yield
      }) : () -> ()
    } else {
    }
    return
  }
}

module attributes {stable_mosaic.version = 14 : i64} {
  func.func @_tc_scale_body(%arg0: i32, %arg1: memref<2000x128xf32, #tpu.memory_space<vmem>>, %arg2: memref<2000x1xf32, #tpu.memory_space<vmem>>, %arg3: memref<2000x1xf32, #tpu.memory_space<vmem>>, %arg4: memref<2000x128xf32, #tpu.memory_space<vmem>>, %arg5: memref<2000x128xf32, #tpu.memory_space<vmem>>) attributes {dimension_semantics = [#tpu.dimension_semantics<arbitrary>], iteration_bounds = array<i64: 5>, scalar_prefetch = 0 : i64, scratch_operands = 0 : i64, tpu.core_type = #tpu.core_type<tc>, window_params = [{transform_indices = @transform_0, window_bounds = array<i64: 2000, 128>}, {transform_indices = @transform_1, window_bounds = array<i64: 2000, 1>}, {transform_indices = @transform_2, window_bounds = array<i64: 2000, 1>}, {transform_indices = @transform_3, window_bounds = array<i64: 2000, 128>}, {transform_indices = @transform_4, window_bounds = array<i64: 2000, 128>}]} {
    %get3A = arith.constant 0 : index
    %get3A_0 = arith.constant 0 : index
    %get3A_1 = vector.load %arg1[%get3A, %get3A_0] : memref<2000x128xf32, #tpu.memory_space<vmem>>, vector<2000x128xf32>
    %get3A_2 = arith.constant 0 : index
    %get3A_3 = arith.constant 0 : index
    %get3A_4 = vector.load %arg2[%get3A_2, %get3A_3] : memref<2000x1xf32, #tpu.memory_space<vmem>>, vector<2000x1xf32>
    %get3A_5 = arith.constant 0 : index
    %get3A_6 = arith.constant 0 : index
    %get3A_7 = vector.load %arg3[%get3A_5, %get3A_6] : memref<2000x1xf32, #tpu.memory_space<vmem>>, vector<2000x1xf32>
    %gt3A = arith.constant 0.000000e+00 : f32
    %gt3A_8 = vector.broadcast %gt3A : f32 to vector<2000x1xf32>
    %gt3A_9 = arith.cmpf ogt, %get3A_4, %gt3A_8 : vector<2000x1xf32>
    %gt3A_10 = arith.constant 0.000000e+00 : f32
    %gt3A_11 = vector.broadcast %gt3A_10 : f32 to vector<2000x1xf32>
    %gt3A_12 = arith.cmpf ogt, %get3A_4, %gt3A_11 : vector<2000x1xf32>
    %jit3A = arith.constant 1.000000e+00 : f32
    %broadcast_in_dim3A = vector.broadcast %jit3A : f32 to vector<2000x1xf32>
    %select_n3A = arith.select %gt3A_12, %get3A_4, %broadcast_in_dim3A : vector<2000x1xi1>, vector<2000x1xf32>
    %div3A = arith.constant 1.000000e+00 : f32
    %div3A_13 = vector.broadcast %div3A : f32 to vector<2000x1xf32>
    %div3A_14 = arith.divf %div3A_13, %select_n3A : vector<2000x1xf32>
    %jit3A_15 = arith.constant 0.000000e+00 : f32
    %broadcast_in_dim3A_16 = vector.broadcast %jit3A_15 : f32 to vector<2000x1xf32>
    %select_n3A_17 = arith.select %gt3A_9, %div3A_14, %broadcast_in_dim3A_16 : vector<2000x1xi1>, vector<2000x1xf32>
    %gt3A_18 = arith.constant 0.000000e+00 : f32
    %gt3A_19 = vector.broadcast %gt3A_18 : f32 to vector<2000x1xf32>
    %gt3A_20 = arith.cmpf ogt, %get3A_7, %gt3A_19 : vector<2000x1xf32>
    %gt3A_21 = arith.constant 0.000000e+00 : f32
    %gt3A_22 = vector.broadcast %gt3A_21 : f32 to vector<2000x1xf32>
    %gt3A_23 = arith.cmpf ogt, %get3A_7, %gt3A_22 : vector<2000x1xf32>
    %jit3A_24 = arith.constant 1.000000e+00 : f32
    %broadcast_in_dim3A_25 = vector.broadcast %jit3A_24 : f32 to vector<2000x1xf32>
    %select_n3A_26 = arith.select %gt3A_23, %get3A_7, %broadcast_in_dim3A_25 : vector<2000x1xi1>, vector<2000x1xf32>
    %div3A_27 = arith.constant 1.000000e+00 : f32
    %div3A_28 = vector.broadcast %div3A_27 : f32 to vector<2000x1xf32>
    %div3A_29 = arith.divf %div3A_28, %select_n3A_26 : vector<2000x1xf32>
    %jit3A_30 = arith.constant 0.000000e+00 : f32
    %broadcast_in_dim3A_31 = vector.broadcast %jit3A_30 : f32 to vector<2000x1xf32>
    %select_n3A_32 = arith.select %gt3A_20, %div3A_29, %broadcast_in_dim3A_31 : vector<2000x1xi1>, vector<2000x1xf32>
    %mul3A = vector.broadcast %select_n3A_17 : vector<2000x1xf32> to vector<2000x128xf32>
    %mul3A_33 = arith.mulf %get3A_1, %mul3A : vector<2000x128xf32>
    %swap3A = arith.constant 0 : index
    %swap3A_34 = arith.constant 0 : index
    %swap3A_35 = vector.load %arg4[%swap3A, %swap3A_34] : memref<2000x128xf32, #tpu.memory_space<vmem>>, vector<2000x128xf32>
    tpu.vector_store %arg4[%swap3A, %swap3A_34], %mul3A_33 {strides = array<i32>} : memref<2000x128xf32, #tpu.memory_space<vmem>>, vector<2000x128xf32>,
    %mul3A_36 = vector.broadcast %select_n3A_32 : vector<2000x1xf32> to vector<2000x128xf32>
    %mul3A_37 = arith.mulf %get3A_1, %mul3A_36 : vector<2000x128xf32>
    %swap3A_38 = arith.constant 0 : index
    %swap3A_39 = arith.constant 0 : index
    %swap3A_40 = vector.load %arg5[%swap3A_38, %swap3A_39] : memref<2000x128xf32, #tpu.memory_space<vmem>>, vector<2000x128xf32>
    tpu.vector_store %arg5[%swap3A_38, %swap3A_39], %mul3A_37 {strides = array<i32>} : memref<2000x128xf32, #tpu.memory_space<vmem>>, vector<2000x128xf32>,
    return
  }
  func.func @transform_0(%arg0: i32) -> (i32, i32) {
    %c0_i32 = arith.constant 0 : i32
    %c0_i32_0 = arith.constant 0 : i32
    return %arg0, %c0_i32 : i32, i32
  }
  func.func @transform_1(%arg0: i32) -> (i32, i32) {
    %c0_i32 = arith.constant 0 : i32
    %c0_i32_0 = arith.constant 0 : i32
    return %arg0, %c0_i32 : i32, i32
  }
  func.func @transform_2(%arg0: i32) -> (i32, i32) {
    %c0_i32 = arith.constant 0 : i32
    %c0_i32_0 = arith.constant 0 : i32
    return %arg0, %c0_i32 : i32, i32
  }
  func.func @transform_3(%arg0: i32) -> (i32, i32) {
    %c0_i32 = arith.constant 0 : i32
    %c0_i32_0 = arith.constant 0 : i32
    return %arg0, %c0_i32 : i32, i32
  }
  func.func @transform_4(%arg0: i32) -> (i32, i32) {
    %c0_i32 = arith.constant 0 : i32
    %c0_i32_0 = arith.constant 0 : i32
    return %arg0, %c0_i32 : i32, i32
  }
}

module attributes {stable_mosaic.version = 14 : i64} {
  func.func @_tc_tail_body(%arg0: i32, %arg1: memref<2000x128xf32, #tpu.memory_space<vmem>>, %arg2: memref<2000x128xf32, #tpu.memory_space<vmem>>, %arg3: memref<2000x128xf32, #tpu.memory_space<vmem>>, %arg4: memref<384x64xf32, #tpu.memory_space<vmem>>, %arg5: memref<384x64xf32, #tpu.memory_space<vmem>>, %arg6: memref<1x64xf32, #tpu.memory_space<vmem>>, %arg7: memref<1x64xf32, #tpu.memory_space<vmem>>, %arg8: memref<64x1xf32, #tpu.memory_space<vmem>>, %arg9: memref<1x1xf32, #tpu.memory_space<vmem>>, %arg10: memref<2000x1xf32, #tpu.memory_space<vmem>>) attributes {dimension_semantics = [#tpu.dimension_semantics<arbitrary>], iteration_bounds = array<i64: 5>, scalar_prefetch = 0 : i64, scratch_operands = 0 : i64, tpu.core_type = #tpu.core_type<tc>, window_params = [{transform_indices = @transform_0, window_bounds = array<i64: 2000, 128>}, {transform_indices = @transform_1, window_bounds = array<i64: 2000, 128>}, {transform_indices = @transform_2, window_bounds = array<i64: 2000, 128>}, {pipeline_mode = #tpu.pipeline_mode<synchronous>, transform_indices = @transform_3, window_bounds = array<i64: 384, 64>}, {pipeline_mode = #tpu.pipeline_mode<synchronous>, transform_indices = @transform_4, window_bounds = array<i64: 384, 64>}, {pipeline_mode = #tpu.pipeline_mode<synchronous>, transform_indices = @transform_5, window_bounds = array<i64: 1, 64>}, {pipeline_mode = #tpu.pipeline_mode<synchronous>, transform_indices = @transform_6, window_bounds = array<i64: 1, 64>}, {pipeline_mode = #tpu.pipeline_mode<synchronous>, transform_indices = @transform_7, window_bounds = array<i64: 64, 1>}, {pipeline_mode = #tpu.pipeline_mode<synchronous>, transform_indices = @transform_8, window_bounds = array<i64: 1, 1>}, {transform_indices = @transform_9, window_bounds = array<i64: 2000, 1>}]} {
    %get3A = arith.constant 0 : index
    %get3A_0 = arith.constant 0 : index
    %get3A_1 = vector.load %arg1[%get3A, %get3A_0] : memref<2000x128xf32, #tpu.memory_space<vmem>>, vector<2000x128xf32>
    %get3A_2 = arith.constant 0 : index
    %get3A_3 = arith.constant 0 : index
    %get3A_4 = vector.load %arg2[%get3A_2, %get3A_3] : memref<2000x128xf32, #tpu.memory_space<vmem>>, vector<2000x128xf32>
    %get3A_5 = arith.constant 0 : index
    %get3A_6 = arith.constant 0 : index
    %get3A_7 = vector.load %arg3[%get3A_5, %get3A_6] : memref<2000x128xf32, #tpu.memory_space<vmem>>, vector<2000x128xf32>
    %concatenate3A = tpu.concatenate %get3A_1, %get3A_4, %get3A_7 in 1 : vector<2000x128xf32>, vector<2000x128xf32>, vector<2000x128xf32> -> vector<2000x384xf32>
    %get3A_8 = arith.constant 0 : index
    %get3A_9 = arith.constant 0 : index
    %get3A_10 = vector.load %arg4[%get3A_8, %get3A_9] : memref<384x64xf32, #tpu.memory_space<vmem>>, vector<384x64xf32>
    %dot_general3A = arith.constant dense<0.000000e+00> : vector<2000x64xf32>
    %dot_general3A_11 = tpu.matmul %concatenate3A, %get3A_10, %dot_general3A {dimension_numbers = #tpu.dot_dimension_numbers<[1], [0], [0], [1], [0, 0, 1, 1], [], []>, transpose_lhs_hint = false} : vector<2000x384xf32>, vector<384x64xf32>, vector<2000x64xf32> -> vector<2000x64xf32>
    %get3A_12 = arith.constant 0 : index
    %get3A_13 = arith.constant 0 : index
    %get3A_14 = vector.load %arg6[%get3A_12, %get3A_13] : memref<1x64xf32, #tpu.memory_space<vmem>>, vector<1x64xf32>
    %add3A = vector.broadcast %get3A_14 : vector<1x64xf32> to vector<2000x64xf32>
    %add3A_15 = arith.addf %dot_general3A_11, %add3A : vector<2000x64xf32>
    %logistic3A = arith.negf %add3A_15 : vector<2000x64xf32>
    %logistic3A_16 = math.exp %logistic3A : vector<2000x64xf32>
    %logistic3A_17 = arith.constant 1.000000e+00 : f32
    %logistic3A_18 = vector.broadcast %logistic3A_17 : f32 to vector<2000x64xf32>
    %logistic3A_19 = arith.addf %logistic3A_18, %logistic3A_16 : vector<2000x64xf32>
    %logistic3A_20 = arith.divf %logistic3A_18, %logistic3A_19 : vector<2000x64xf32>
    %get3A_21 = arith.constant 0 : index
    %get3A_22 = arith.constant 0 : index
    %get3A_23 = vector.load %arg5[%get3A_21, %get3A_22] : memref<384x64xf32, #tpu.memory_space<vmem>>, vector<384x64xf32>
    %dot_general3A_24 = arith.constant dense<0.000000e+00> : vector<2000x64xf32>
    %dot_general3A_25 = tpu.matmul %concatenate3A, %get3A_23, %dot_general3A_24 {dimension_numbers = #tpu.dot_dimension_numbers<[1], [0], [0], [1], [0, 0, 1, 1], [], []>, transpose_lhs_hint = false} : vector<2000x384xf32>, vector<384x64xf32>, vector<2000x64xf32> -> vector<2000x64xf32>
    %get3A_26 = arith.constant 0 : index
    %get3A_27 = arith.constant 0 : index
    %get3A_28 = vector.load %arg7[%get3A_26, %get3A_27] : memref<1x64xf32, #tpu.memory_space<vmem>>, vector<1x64xf32>
    %add3A_29 = vector.broadcast %get3A_28 : vector<1x64xf32> to vector<2000x64xf32>
    %add3A_30 = arith.addf %dot_general3A_25, %add3A_29 : vector<2000x64xf32>
    %tanh3A = math.tanh %add3A_30 : vector<2000x64xf32>
    %sub3A = arith.constant 1.000000e+00 : f32
    %sub3A_31 = vector.broadcast %sub3A : f32 to vector<2000x64xf32>
    %sub3A_32 = arith.subf %sub3A_31, %logistic3A_20 : vector<2000x64xf32>
    %mul3A = arith.mulf %sub3A_32, %tanh3A : vector<2000x64xf32>
    %max3A = arith.constant 0.000000e+00 : f32
    %max3A_33 = vector.broadcast %max3A : f32 to vector<2000x64xf32>
    %max3A_34 = arith.maximumf %mul3A, %max3A_33 : vector<2000x64xf32>
    %get3A_35 = arith.constant 0 : index
    %get3A_36 = arith.constant 0 : index
    %get3A_37 = vector.load %arg8[%get3A_35, %get3A_36] : memref<64x1xf32, #tpu.memory_space<vmem>>, vector<64x1xf32>
    %dot_general3A_38 = arith.constant dense<0.000000e+00> : vector<2000x1xf32>
    %dot_general3A_39 = tpu.matmul %max3A_34, %get3A_37, %dot_general3A_38 {dimension_numbers = #tpu.dot_dimension_numbers<[1], [0], [0], [1], [0, 0, 1, 1], [], []>, transpose_lhs_hint = false} : vector<2000x64xf32>, vector<64x1xf32>, vector<2000x1xf32> -> vector<2000x1xf32>
    %get3A_40 = arith.constant 0 : index
    %get3A_41 = arith.constant 0 : index
    %get3A_42 = vector.load %arg9[%get3A_40, %get3A_41] : memref<1x1xf32, #tpu.memory_space<vmem>>, vector<1x1xf32>
    %add3A_43 = vector.broadcast %get3A_42 : vector<1x1xf32> to vector<2000x1xf32>
    %add3A_44 = arith.addf %dot_general3A_39, %add3A_43 : vector<2000x1xf32>
    %swap3A = arith.constant 0 : index
    %swap3A_45 = arith.constant 0 : index
    %swap3A_46 = vector.load %arg10[%swap3A, %swap3A_45] : memref<2000x1xf32, #tpu.memory_space<vmem>>, vector<2000x1xf32>
    tpu.vector_store %arg10[%swap3A, %swap3A_45], %add3A_44 {strides = array<i32>} : memref<2000x1xf32, #tpu.memory_space<vmem>>, vector<2000x1xf32>,
    return
  }
  func.func @transform_0(%arg0: i32) -> (i32, i32) {
    %c0_i32 = arith.constant 0 : i32
    %c0_i32_0 = arith.constant 0 : i32
    return %arg0, %c0_i32 : i32, i32
  }
  func.func @transform_1(%arg0: i32) -> (i32, i32) {
    %c0_i32 = arith.constant 0 : i32
    %c0_i32_0 = arith.constant 0 : i32
    return %arg0, %c0_i32 : i32, i32
  }
  func.func @transform_2(%arg0: i32) -> (i32, i32) {
    %c0_i32 = arith.constant 0 : i32
    %c0_i32_0 = arith.constant 0 : i32
    return %arg0, %c0_i32 : i32, i32
  }
  func.func @transform_3(%arg0: i32) -> (i32, i32) {
    %c0_i32 = arith.constant 0 : i32
    %c0_i32_0 = arith.constant 0 : i32
    %c0_i32_1 = arith.constant 0 : i32
    return %c0_i32, %c0_i32_0 : i32, i32
  }
  func.func @transform_4(%arg0: i32) -> (i32, i32) {
    %c0_i32 = arith.constant 0 : i32
    %c0_i32_0 = arith.constant 0 : i32
    %c0_i32_1 = arith.constant 0 : i32
    return %c0_i32, %c0_i32_0 : i32, i32
  }
  func.func @transform_5(%arg0: i32) -> (i32, i32) {
    %c0_i32 = arith.constant 0 : i32
    %c0_i32_0 = arith.constant 0 : i32
    %c0_i32_1 = arith.constant 0 : i32
    return %c0_i32, %c0_i32_0 : i32, i32
  }
  func.func @transform_6(%arg0: i32) -> (i32, i32) {
    %c0_i32 = arith.constant 0 : i32
    %c0_i32_0 = arith.constant 0 : i32
    %c0_i32_1 = arith.constant 0 : i32
    return %c0_i32, %c0_i32_0 : i32, i32
  }
  func.func @transform_7(%arg0: i32) -> (i32, i32) {
    %c0_i32 = arith.constant 0 : i32
    %c0_i32_0 = arith.constant 0 : i32
    %c0_i32_1 = arith.constant 0 : i32
    return %c0_i32, %c0_i32_0 : i32, i32
  }
  func.func @transform_8(%arg0: i32) -> (i32, i32) {
    %c0_i32 = arith.constant 0 : i32
    %c0_i32_0 = arith.constant 0 : i32
    %c0_i32_1 = arith.constant 0 : i32
    return %c0_i32, %c0_i32_0 : i32, i32
  }
  func.func @transform_9(%arg0: i32) -> (i32, i32) {
    %c0_i32 = arith.constant 0 : i32
    %c0_i32_0 = arith.constant 0 : i32
    return %arg0, %c0_i32 : i32, i32
  }
}

</mosaic_0001>

<sc_bundles>
// kernel: kernel.6.cloned.1.call-start
scs
__scs_entry_jumppad:
0x0: {  	(pc) =	sbr.rel $0x88, $3  }
0x1: {  	(tag) =	ssettag $0x0;
	lr =	simm.s32 $0x1  }
0x2: {  	[smem:$0x3F98] =	sst lr;
	_ =	strace $0xD0000000  }
0x3: {  	_ = 	snop  }
0x4: {  	_ = 	snop  }
0x5: {  	_ = 	snop  }
0x6: {  	_ = 	snop  }
0x7: {  	_ = 	snop  }
__scs_overlays_trampoline_lowered:
0x8: {  	[smem:$0x3FA7] =	sst s0  }
0x9: {  	[smem:$0x3FA8] =	sst s1  }
0xa: {  	[smem:$0x3FA9] =	sst s2  }
0xb: {  	[smem:$0x3FAA] =	sst s3  }
0xc: {  	[smem:$0x3FAB] =	sst s4  }
0xd: {  	[smem:$0x3FAC] =	sst s5  }
0xe: {  	[smem:$0x3FAD] =	sst s6  }
0xf: {  	[smem:$0x3FAE] =	sst s7  }
0x10: {  	[smem:$0x3FAF] =	sst s8  }
0x11: {  	[smem:$0x3FB0] =	sst s9;
	s0 =	simm.s32 @!p0 $0x0  }
0x12: {  	s1 =	sld [smem:$0x3F96];
	s0 =	simm.s32 @p0 $0x1  }
0x13: {  	[smem:$0x3FB1] =	sst s0;
	s0 =	simm.s32 @!p1 $0x0  }
0x14: {  	s2 =	sld [smem:$0x3F95];
	s0 =	simm.s32 @p1 $0x1  }
0x15: {  	[smem:$0x3FB2] =	sst s0;
	s0 =	simm.s32 @!p2 $0x0  }
0x16: {  	s3 =	sld [smem:$0x3FDB];
	s0 =	simm.s32 @p2 $0x1  }
0x17: {  	s4 =	simm.s32 $0x1BF5;
	[smem:$0x3FB4] =	sst s0  }
0x18: {  	s0 =	sld [smem:$0x3F97];
	_ =	swait.ge [sflag:s4], $0x0  }
0x19: {  	s7 =	sld [smem:$0x3F98]  }
0x1a: {  	s8 =	sadd.s32 $0xFFFFE003, lr  }
0x1b: {  	s9 =	sadd.s32 $0xFFFFFEF7, lr;
	s5 =	simm.s32 $0xFFFFFFFF;
	p2 =	slt.u32 s8, $0xFFFFF086  }
0x1c: {  	p1 =	slt.u32 s9, $0xF7A;
	s5 =	simm.s32 @!p2 $0x0  }
0x1d: {  	s5 =	simm.s32 @p1 $0x1;
	p0 =	seq.s32 s7, s2  }
0x1e: {  	s7 =	smul.u32 @!p0 $0xF7A, s2;
	p2 =	seq.s32 @!p0 s5, $0x0  }
0x1f: {  	s9 =	smul.u32 $0xF7A, s1;
	s8 =	simm.s32 @!p0 $0x1BF5;
	p2 =	por !p2, p0  }
0x20: {  	[sflag:s8] =	ssyncset.s32 @!p0 $0xFFFFF086;
	s6 =	sadd.s32 @!p0 s3, s7;
	s7 =	simm.s32 @!p0 $0x108  }
0x21: {  	s3 =	sadd.s32 s3, s9;
	s6 =	sadd.s32 @!p0 $0x88, s6;
	s7 =	simm.s32 @p2 $0x1082  }
0x22: {  	[simem:s7], [sflag:s8] =	dma.local @!p0 [hbm:s6], $0xF7A  }
0x23: {  	s9 =	sor.u32 $0xD0000000, s2;
	s6 =	simm.s32 $0x108;
	_ =	swait.ge @!p0 [sflag:s8], $0x0  }
0x24: {  	s3 =	sadd.s32 $0x88, s3;
	s6 =	simm.s32 @!p1 $0x1082;
	[sflag:s4] =	ssyncset.s32 $0xFFFFF086  }
0x25: {  	[simem:s6], [sflag:s4] =	dma.local [hbm:s3], $0xF7A  }
0x26: {  	[smem:$0x3F98] =	sst s1;
	(tag) =	ssettag s2;
	_ =	strace s9  }
0x27: {  	s1 =	sld [smem:$0x3FA8]  }
0x28: {  	s2 =	sld [smem:$0x3FA9]  }
0x29: {  	s4 =	sld [smem:$0x3FAB]  }
0x2a: {  	p0 =	seq.s32 s5, $0x0;
	s5 =	sld [smem:$0x3FAC]  }
0x2b: {  	s6 =	sld [smem:$0x3FAD]  }
0x2c: {  	s7 =	sld [smem:$0x3FAE]  }
0x2d: {  	s3 =	simm.s32 $0x108;
	s8 =	sld [smem:$0x3FAF]  }
0x2e: {  	s3 =	simm.s32 @!p0 $0x1082;
	s9 =	sld [smem:$0x3FB0]  }
0x2f: {  	lr =	sadd.s32 s0, s3;
	s0 =	sld [smem:$0x3FA7]  }
0x30: {  	s3 =	sld [smem:$0x3FAA]  }
0x31: {  	[smem:$0x3FB3] =	sst s10  }
0x32: {  	s10 =	sld [smem:$0x3FB1];
	_ =	sdelay $0x3  }
0x33: {  	p0 =	seq.s32 s10, $0x1;
	s10 =	sld [smem:$0x3FB3];
	_ =	sdelay $0x3  }
0x34: {  	[smem:$0x3FB3] =	sst s10  }
0x35: {  	s10 =	sld [smem:$0x3FB2];
	_ =	sdelay $0x3  }
0x36: {  	p1 =	seq.s32 s10, $0x1;
	s10 =	sld [smem:$0x3FB3];
	_ =	sdelay $0x3  }
0x37: {  	[smem:$0x3FB3] =	sst s10  }
0x38: {  	s10 =	sld [smem:$0x3FB4]  }
0x39: {  	_ = 	snop;
	(pc) =	sbr.ind lr, $3  }
0x3a: {  	_ = 	snop  }
0x3b: {  	_ = 	snop  }
0x3c: {  	p2 =	seq.s32 s10, $0x1;
	s10 =	sld [smem:$0x3FB3]  }
0x3d: {  	_ =	shalt  }
0x3e: {  	_ =	shalt  }
0x3f: {  	_ =	shalt  }
0x40: {  	_ =	shalt  }
0x41: {  	_ =	shalt  }
0x42: {  	_ =	shalt  }
0x43: {  	_ =	shalt  }
0x44: {  	_ =	shalt  }
0x45: {  	_ =	shalt  }
0x46: {  	_ =	shalt  }
0x47: {  	_ =	shalt  }
0x48: {  	_ =	shalt  }
0x49: {  	_ =	shalt  }
0x4a: {  	_ =	shalt  }
0x4b: {  	_ =	shalt  }
0x4c: {  	_ =	shalt  }
0x4d: {  	_ =	shalt  }
0x4e: {  	_ =	shalt  }
0x4f: {  	_ =	shalt  }
0x50: {  	_ =	shalt  }
0x51: {  	_ =	shalt  }
0x52: {  	_ =	shalt  }
0x53: {  	_ =	shalt  }
0x54: {  	_ =	shalt  }
0x55: {  	_ =	shalt  }
0x56: {  	_ =	shalt  }
0x57: {  	_ =	shalt  }
0x58: {  	_ =	shalt  }
0x59: {  	_ =	shalt  }
0x5a: {  	_ =	shalt  }
0x5b: {  	_ =	shalt  }
0x5c: {  	_ =	shalt  }
0x5d: {  	_ =	shalt  }
0x5e: {  	_ =	shalt  }
0x5f: {  	_ =	shalt  }
0x60: {  	_ =	shalt  }
0x61: {  	_ =	shalt  }
0x62: {  	_ =	shalt  }
0x63: {  	_ =	shalt  }
0x64: {  	_ =	shalt  }
0x65: {  	_ =	shalt  }
0x66: {  	_ =	shalt  }
0x67: {  	_ =	shalt  }
0x68: {  	_ =	shalt  }
0x69: {  	_ =	shalt  }
0x6a: {  	_ =	shalt  }
0x6b: {  	_ =	shalt  }
0x6c: {  	_ =	shalt  }
0x6d: {  	_ =	shalt  }
0x6e: {  	_ =	shalt  }
0x6f: {  	_ =	shalt  }
0x70: {  	_ =	shalt  }
0x71: {  	_ =	shalt  }
0x72: {  	_ =	shalt  }
0x73: {  	_ =	shalt  }
0x74: {  	_ =	shalt  }
0x75: {  	_ =	shalt  }
0x76: {  	_ =	shalt  }
0x77: {  	_ =	shalt  }
0x78: {  	_ =	shalt  }
0x79: {  	_ =	shalt  }
0x7a: {  	_ =	shalt  }
0x7b: {  	_ =	shalt  }
0x7c: {  	_ =	shalt  }
0x7d: {  	_ =	shalt  }
0x7e: {  	_ =	shalt  }
0x7f: {  	_ =	shalt  }
0x80: {  	_ =	shalt  }
0x81: {  	_ =	shalt  }
0x82: {  	_ =	shalt  }
0x83: {  	_ =	shalt  }
0x84: {  	_ =	shalt  }
0x85: {  	_ =	shalt  }
0x86: {  	_ =	shalt  }
0x87: {  	_ =	shalt  }
.Lfunc_end0:
.L_simem_size_0:
called_computation_lowered:
.L_overlay_start_0:
0x88: {  	s2 =	sld [smem:$0x3FD9]  }
0x89: {  	s3 =	sld [smem:$0x3FFE];
	_ =	sdelay $0x1  }
0x8a: {  	s1 =	srdreg.scid  }
0x8b: {  	s0 =	sand.u32 $0x1, s1  }
0x8c: {  	s17 =	sshll.u32 s0, $0xA;
	s2 =	sadd.s32 s3, s2  }
0x8d: {  	s2 =	sadd.s32 s2, s17  }
0x8e: {  	[smem:$0x3FBF] =	sst s2  }
0x8f: {  	_ = 	snop  }
0x90: {  	s2 =	sld [smem:$0x3FC7];
	(tm) =	ssettm $0x1  }
0x91: {  	s18 =	sld [smem:$0x3FFB];
	_ =	sdelay $0x3  }
0x92: {  	_ =	strace s18  }
0x93: {  	s3 =	sld [smem:$0x3FFC];
	_ =	sdelay $0x3  }
0x94: {  	_ =	strace s3  }
0x95: {  	s3 =	sld [smem:$0x3FFD];
	_ =	sdelay $0x3  }
0x96: {  	_ =	strace s3  }
0x97: {  	_ =	strace $0x8FFFFFFF  }
0x98: {  	s19 =	sld [smem:$0x3FDB];
	_ =	sdelay $0x1  }
0x99: {  	s4 =	simm.s32 $_scs_section_size  }
0x9a: {  	s5 =	simm.s32 $_size__tile_overlayer_lowered;
	s6 =	simm.s32 $_tile_overlayer_lowered  }
0x9b: {  	s22 =	simm.s32 $0x1BFF;
	s21 =	sshll.u32 s6, $0x1;
	s3 =	sadd.s32 s4, s19  }
0x9c: {  	s7 =	simm.s32 $0x0;
	s20 =	sshll.u32 s5, $0x1;
	s5 =	sadd.s32 s21, s3  }
0x9d: {  	[timem:s7], [sflag:s22] =	dma.local [hbm:s5], s20  }
0x9e: {  	_ =	swait.ge [sflag:s22], s20  }
0x9f: {  	s4 =	ssub.s32 $0x0, s20;
	[sflag:s22] =	ssyncset.done $0x0  }
0xa0: {  	[sflag:s22] =	ssyncadd.s32 s4;
	_ =	sdelay $0x1  }
0xa1: {  	s23 =	simm.s32 $0x1B8B  }
0xa2: {  	_ =	swait.ge [sflag:s23], $0x1  }
0xa3: {  	[sflag:s23] =	ssyncset.done $0x0  }
0xa4: {  	s25 =	simm.s32 $0x1B8E;
	s24 =	sld [smem:$0x3FFE];
	[sflag:s23] =	ssyncadd.s32 $0xFFFFFFFF  }
0xa5: {  	s26 =	simm.s32 $execute0_lowered;
	[smem:$0x3FD2] =	sst s25  }
0xa6: {  	s5 =	sshll.u32 s26, $0x1;
	_ =	strace $0x80000046;
	[dreg:$0x1] =	wrdreg $0xFFFFFFFF  }
0xa7: {  	s28 =	simm.s32 $_size_execute0_lowered;
	s3 =	sadd.s32 s3, s5;
	[dreg:$0x0] =	wrdreg $0x0  }
0xa8: {  	s5 =	sshll.u32 s28, $0x1;
	[dreg:$0x2] =	wrdreg s3  }
0xa9: {  	[dreg:$0x3] =	wrdreg s5  }
0xaa: {  	[dreg:$0x4] =	wrdreg $0xC0  }
0xab: {  	_ =	task [dreg:s7], $0x5FFFF  }
0xac: {  	[dreg:$0x1] =	wrdreg $0xFFFFFFFF  }
0xad: {  	[dreg:$0x0] =	wrdreg $0x60  }
0xae: {  	[dreg:$0x2] =	wrdreg s24  }
0xaf: {  	[dreg:$0x3] =	wrdreg s2  }
0xb0: {  	[dreg:$0x4] =	wrdreg $0x0  }
0xb1: {  	[dreg:$0x5] =	wrdreg $0x9  }
0xb2: {  	_ =	task.clear_ibuf [dreg:s7], $0x6FFFF;
	_ =	strace $0x90000046  }
0xb3: {  	s29 =	simm.s32 $0x9;
	_ =	strace $0x80000048  }
0xb4: {  	_ =	swait.ge [sflag:s29], $0x1  }
0xb5: {  	[sflag:s29] =	ssyncadd.s32 $0xFFFFFFFF  }
0xb6: {  	_ =	strace $0x90000048  }
0xb7: {  	_ =	sfence  }
0xb8: {  	s30 =	sld [smem:$0x0];
	_ =	sdelay $0x2  }
0xb9: {  	s31 =	sshll.u32 s1, $0xD;
	s1 =	sshrl.u32 s1, $0x2  }
0xba: {  	s3 =	sand.u32 $0x4000, s31;
	s1 =	sadd.s32 s1, s30  }
0xbb: {  	s0 =	sor.u32 s3, s0;
	s1 =	sshll.u32 s1, $0x11  }
0xbc: {  	s0 =	sor.u32 s1, s0  }
0xbd: {  	s0 =	sadd.s32 $0x8F2B, s0  }
0xbe: {  	[sflag:s0] =	ssyncadd.remote.s32 $0x1  }
0xbf: {  	_ =	sfence.sel $0xFFFF  }
0xc0: {  	[dreg:$0x0] =	wrdreg $0xFFFFFFFF;
	(pc) =	sbr.abs _section_cstart, $3  }
0xc1: {  	[dreg:$0x1] =	wrdreg $0xFFFFFFFF  }
0xc2: {  	_ =	task.clear_ibuf [dreg:s7], $0x2FFFF;
	_ =	strace $0x9FFFFFFF  }
0xc3: {  	(tm) =	ssettm $0x7FFFFFFF  }
tec
execute0_lowered:
.L_overlay_start_1:
0x0: {  	(tag) =	ssettag $0x1  }
0x1: {  	s4 =	rddreg [dreg:$0x0]  }
0x2: {  	s5 =	rddreg [dreg:$0x1]  }
0x3: {  	s1 =	rddreg [dreg:$0x2]  }
0x4: {  	s0 =	rddreg [dreg:$0x3];
	s2 =	simm.s32 $0x0;
	s7 =	srdreg.scid  }
0x5: {  	s3 =	stileid.u32;
	s14 =	simm.s32 $0x50;
	s15 =	simm.s32 $0x2  }
0x6: {  	s18 =	simm.s32 $0x0;
	[smem:$0x7FF] =	sst s2;
	s6 =	sadd.s32 $0x16E00, s4  }
0x7: {  	s8 =	sadd.s32 $0x3400, s4;
	s7 =	sand.u32 $0x1, s7;
	s11 =	smul.u32 $0x280, s3  }
0x8: {  	s9 =	sadd.s32 $0x2A800, s4;
	s12 =	sadd.s32 $0x2AE00, s4;
	s13 =	smul.u32 $0x1388, s3  }
0x9: {  	s16 =	sshll.u32 s3, $0x6;
	_ =	strace $0x80000047;
	s10 =	ssub.s32 $0x2, s7  }
0xa: {  	p0 =	seq.s32 s7, $0x0;
	s16 =	sor.u32 $0x1C03, s16;
	s31 =	sshrl.u32 s10, $0x1  }
0xb: {  	s4 =	sadd.s32 s11, s1;
	s5 =	sadd.s32 s5, s13;
	s11 =	sshrl.u32 s11, $0x3  }
0xc: {  	s8 =	smov.u32 @p0 s6;
	s12 =	smov.u32 @p0 s9;
	s9 =	simm.s32 $0x280  }
0xd: {  	s10 =	ssub.s32 s10, s31;
	s7 =	sadd.s32 s8, s13;
	s8 =	sadd.s32 s12, s11  }
0xe: {  	s11 =	simm.s32 $0x500;
	s12 =	simm.s32 $0xA180;
	s13 =	simm.s32 $0x1  }
0xf: {  	v0 =	vimm.f32 $0.0e+00;
	s17 =	sshrl.u32 s4, $0x3;
	s6 =	smax.u32 s10, $0x1;
	s10 =	simm.s32 $0x3  }
.LBB2_1:
0x10: {  	[tilespmem:$0x280] =	vst v0  }
0x11: {  	[tilespmem:$0x290] =	vst v0  }
0x12: {  	[tilespmem:$0x2A0] =	vst v0  }
0x13: {  	[tilespmem:$0x2B0] =	vst v0  }
0x14: {  	[tilespmem:$0x2C0] =	vst v0  }
0x15: {  	[tilespmem:$0x2D0] =	vst v0  }
0x16: {  	[tilespmem:$0x2E0] =	vst v0  }
0x17: {  	[tilespmem:$0x2F0] =	vst v0  }
0x18: {  	[tilespmem:$0x300] =	vst v0  }
0x19: {  	[tilespmem:$0x310] =	vst v0  }
0x1a: {  	[tilespmem:$0x320] =	vst v0  }
0x1b: {  	[tilespmem:$0x330] =	vst v0  }
0x1c: {  	[tilespmem:$0x340] =	vst v0  }
0x1d: {  	[tilespmem:$0x350] =	vst v0  }
0x1e: {  	[tilespmem:$0x360] =	vst v0  }
0x1f: {  	[tilespmem:$0x370] =	vst v0  }
0x20: {  	[tilespmem:$0x380] =	vst v0  }
0x21: {  	[tilespmem:$0x390] =	vst v0  }
0x22: {  	[tilespmem:$0x3A0] =	vst v0  }
0x23: {  	[tilespmem:$0x3B0] =	vst v0  }
0x24: {  	[tilespmem:$0x3C0] =	vst v0  }
0x25: {  	[tilespmem:$0x3D0] =	vst v0  }
0x26: {  	[tilespmem:$0x3E0] =	vst v0  }
0x27: {  	[tilespmem:$0x3F0] =	vst v0  }
0x28: {  	[tilespmem:$0x400] =	vst v0  }
0x29: {  	[tilespmem:$0x410] =	vst v0  }
0x2a: {  	[tilespmem:$0x420] =	vst v0  }
0x2b: {  	[tilespmem:$0x430] =	vst v0  }
0x2c: {  	[tilespmem:$0x440] =	vst v0  }
0x2d: {  	[tilespmem:$0x450] =	vst v0  }
0x2e: {  	[tilespmem:$0x460] =	vst v0  }
0x2f: {  	[tilespmem:$0x470] =	vst v0  }
0x30: {  	[tilespmem:$0x480] =	vst v0  }
0x31: {  	[tilespmem:$0x490] =	vst v0  }
0x32: {  	[tilespmem:$0x4A0] =	vst v0  }
0x33: {  	[tilespmem:$0x4B0] =	vst v0  }
0x34: {  	[tilespmem:$0x4C0] =	vst v0  }
0x35: {  	[tilespmem:$0x4D0] =	vst v0  }
0x36: {  	[tilespmem:$0x4E0] =	vst v0  }
0x37: {  	[tilespmem:$0x4F0] =	vst v0  }
0x38: {  	[spmem:s4] =	stream.linear.scatter [tilespmem:s9], [sflag:$0x3], $0x280, $0x38;
	[tilespmem:$0x13E00] =	vst v63  }
0x39: {  	_ =	swait.ge [sflag:s10], $0x280  }
0x3a: {  	[sflag:s10] =	ssyncset.done $0x0  }
0x3b: {  	[sflag:s10] =	ssyncadd.s32 $0xFFFFFD80  }
0x3c: {  	[tilespmem:s11], [sflag:$0x1] =	stream.linear.gather [hbm4b:s7+s2], $0x9C40, $0x38;
	[tilespmem:$0x13E00] =	vst v63  }
0x3d: {  	_ = 	snop  }
0x3e: {  	[tilespmem:s12], [sflag:$0x1] =	stream.linear.gather [hbm4b:s5+s2], $0x9C40, $0x38;
	[tilespmem:$0x13E00] =	vst v63  }
0x3f: {  	_ =	swait.ge [sflag:s13], $0x9C40  }
0x40: {  	[sflag:s13] =	ssyncset.done $0x0  }
0x41: {  	[sflag:s13] =	ssyncadd.s32 $0xFFFF63C0  }
0x42: {  	_ =	swait.ge [sflag:s13], $0x9C40  }
0x43: {  	[sflag:s13] =	ssyncset.done $0x0  }
0x44: {  	[sflag:s13] =	ssyncadd.s32 $0xFFFF63C0  }
0x45: {  	s19 =	simm.s32 $0xA180;
	s20 =	simm.s32 $0x500;
	[bflag:$0x0] =	sbarrier.arrive $0xFFFF  }
0x46: {  	[spmem:s1] =	stream.indirect.scatter.add.f32 [tilespmem:s19], [sflag:$0x2], $0x1, s20, s14, $0xb8;
	[tilespmem:$0x13E00] =	vst v63  }
0x47: {  	s23 =	simm.s32 $0xA1D0;
	s24 =	simm.s32 $0x550  }
0x48: {  	[spmem:s1] =	stream.indirect.scatter.add.f32 [tilespmem:s23], [sflag:$0x2], $0x1, s24, s14, $0xb8;
	[tilespmem:$0x13E00] =	vst v63  }
0x49: {  	s25 =	simm.s32 $0xA220;
	s26 =	simm.s32 $0x5A0  }
0x4a: {  	[spmem:s1] =	stream.indirect.scatter.add.f32 [tilespmem:s25], [sflag:$0x2], $0x1, s26, s14, $0xb8;
	[tilespmem:$0x13E00] =	vst v63  }
0x4b: {  	s28 =	simm.s32 $0xA270;
	s29 =	simm.s32 $0x5F0  }
0x4c: {  	[spmem:s1] =	stream.indirect.scatter.add.f32 [tilespmem:s28], [sflag:$0x2], $0x1, s29, s14, $0xb8;
	[tilespmem:$0x13E00] =	vst v63  }
0x4d: {  	s30 =	simm.s32 $0xA2C0;
	s31 =	simm.s32 $0x640  }
0x4e: {  	[spmem:s1] =	stream.indirect.scatter.add.f32 [tilespmem:s30], [sflag:$0x2], $0x1, s31, s14, $0xb8;
	[tilespmem:$0x13E00] =	vst v63  }
0x4f: {  	s21 =	simm.s32 $0xA310;
	s22 =	simm.s32 $0x690  }
0x50: {  	[spmem:s1] =	stream.indirect.scatter.add.f32 [tilespmem:s21], [sflag:$0x2], $0x1, s22, s14, $0xb8;
	[tilespmem:$0x13E00] =	vst v63  }
0x51: {  	s23 =	simm.s32 $0xA360;
	s24 =	simm.s32 $0x6E0  }
0x52: {  	[spmem:s1] =	stream.indirect.scatter.add.f32 [tilespmem:s23], [sflag:$0x2], $0x1, s24, s14, $0xb8;
	[tilespmem:$0x13E00] =	vst v63  }
0x53: {  	s25 =	simm.s32 $0xA3B0;
	s26 =	simm.s32 $0x730  }
0x54: {  	[spmem:s1] =	stream.indirect.scatter.add.f32 [tilespmem:s25], [sflag:$0x2], $0x1, s26, s14, $0xb8;
	[tilespmem:$0x13E00] =	vst v63  }
0x55: {  	s28 =	simm.s32 $0xA400;
	s29 =	simm.s32 $0x780  }
0x56: {  	[spmem:s1] =	stream.indirect.scatter.add.f32 [tilespmem:s28], [sflag:$0x2], $0x1, s29, s14, $0xb8;
	[tilespmem:$0x13E00] =	vst v63  }
0x57: {  	s30 =	simm.s32 $0xA450;
	s31 =	simm.s32 $0x7D0  }
0x58: {  	[spmem:s1] =	stream.indirect.scatter.add.f32 [tilespmem:s30], [sflag:$0x2], $0x1, s31, s14, $0xb8;
	[tilespmem:$0x13E00] =	vst v63  }
0x59: {  	_ =	swait.ge [sflag:s15], $0x50  }
0x5a: {  	[sflag:s15] =	ssyncset.done $0x0  }
0x5b: {  	[sflag:s15] =	ssyncadd.s32 $0xFFFFFFB0  }
0x5c: {  	_ =	swait.ge [sflag:s15], $0x50  }
0x5d: {  	[sflag:s15] =	ssyncset.done $0x0  }
0x5e: {  	[sflag:s15] =	ssyncadd.s32 $0xFFFFFFB0  }
0x5f: {  	_ =	swait.ge [sflag:s15], $0x50  }
0x60: {  	[sflag:s15] =	ssyncset.done $0x0  }
0x61: {  	[sflag:s15] =	ssyncadd.s32 $0xFFFFFFB0  }
0x62: {  	_ =	swait.ge [sflag:s15], $0x50  }
0x63: {  	[sflag:s15] =	ssyncset.done $0x0  }
0x64: {  	[sflag:s15] =	ssyncadd.s32 $0xFFFFFFB0  }
0x65: {  	_ =	swait.ge [sflag:s15], $0x50  }
0x66: {  	[sflag:s15] =	ssyncset.done $0x0  }
0x67: {  	[sflag:s15] =	ssyncadd.s32 $0xFFFFFFB0  }
0x68: {  	_ =	swait.ge [sflag:s15], $0x50  }
0x69: {  	[sflag:s15] =	ssyncset.done $0x0  }
0x6a: {  	[sflag:s15] =	ssyncadd.s32 $0xFFFFFFB0  }
0x6b: {  	_ =	swait.ge [sflag:s15], $0x50  }
0x6c: {  	[sflag:s15] =	ssyncset.done $0x0  }
0x6d: {  	[sflag:s15] =	ssyncadd.s32 $0xFFFFFFB0  }
0x6e: {  	_ =	swait.ge [sflag:s15], $0x50  }
0x6f: {  	[sflag:s15] =	ssyncset.done $0x0  }
0x70: {  	[sflag:s15] =	ssyncadd.s32 $0xFFFFFFB0  }
0x71: {  	_ =	swait.ge [sflag:s15], $0x50  }
0x72: {  	[sflag:s15] =	ssyncset.done $0x0  }
0x73: {  	[sflag:s15] =	ssyncadd.s32 $0xFFFFFFB0  }
0x74: {  	_ =	swait.ge [sflag:s15], $0x50  }
0x75: {  	s22 =	simm.s32 $0x1900;
	s21 =	simm.s32 $0x320;
	[sflag:s15] =	ssyncset.done $0x0  }
.LBB2_2:
0x76: {  	s20 =	sadd.s32 $0xA180, s21  }
0x77: {  	s23 =	sadd.s32 $0x500, s21;
	[sflag:s15] =	ssyncadd.s32 $0xFFFFFFB0;
	s19 =	smov.u32 s22  }
0x78: {  	[spmem:s1] =	stream.indirect.scatter.add.f32 [tilespmem:s20], [sflag:$0x2], $0x1, s23, s14, $0xb8;
	[tilespmem:$0x13E00] =	vst v63  }
0x79: {  	s24 =	sadd.s32 $0x550, s21;
	s20 =	sadd.s32 $0xC80, s22;
	s23 =	sadd.s32 $0xA1D0, s21  }
0x7a: {  	[spmem:s1] =	stream.indirect.scatter.add.f32 [tilespmem:s23], [sflag:$0x2], $0x1, s24, s14, $0xb8;
	[tilespmem:$0x13E00] =	vst v63  }
0x7b: {  	p0 =	sne.s32 s22, $0x26480;
	s22 =	sadd.s32 $0xA220, s21;
	s23 =	sadd.s32 $0x5A0, s21  }
0x7c: {  	[spmem:s1] =	stream.indirect.scatter.add.f32 [tilespmem:s22], [sflag:$0x2], $0x1, s23, s14, $0xb8;
	[tilespmem:$0x13E00] =	vst v63  }
0x7d: {  	s22 =	sadd.s32 $0xA270, s21;
	s23 =	sadd.s32 $0x5F0, s21  }
0x7e: {  	[spmem:s1] =	stream.indirect.scatter.add.f32 [tilespmem:s22], [sflag:$0x2], $0x1, s23, s14, $0xb8;
	[tilespmem:$0x13E00] =	vst v63  }
0x7f: {  	s22 =	sadd.s32 $0xA2C0, s21;
	s23 =	sadd.s32 $0x640, s21  }
0x80: {  	[spmem:s1] =	stream.indirect.scatter.add.f32 [tilespmem:s22], [sflag:$0x2], $0x1, s23, s14, $0xb8;
	[tilespmem:$0x13E00] =	vst v63  }
0x81: {  	s22 =	sadd.s32 $0xA310, s21;
	s23 =	sadd.s32 $0x690, s21  }
0x82: {  	[spmem:s1] =	stream.indirect.scatter.add.f32 [tilespmem:s22], [sflag:$0x2], $0x1, s23, s14, $0xb8;
	[tilespmem:$0x13E00] =	vst v63  }
0x83: {  	s22 =	sadd.s32 $0xA360, s21;
	s23 =	sadd.s32 $0x6E0, s21  }
0x84: {  	[spmem:s1] =	stream.indirect.scatter.add.f32 [tilespmem:s22], [sflag:$0x2], $0x1, s23, s14, $0xb8;
	[tilespmem:$0x13E00] =	vst v63  }
0x85: {  	s22 =	sadd.s32 $0xA3B0, s21;
	s23 =	sadd.s32 $0x730, s21  }
0x86: {  	[spmem:s1] =	stream.indirect.scatter.add.f32 [tilespmem:s22], [sflag:$0x2], $0x1, s23, s14, $0xb8;
	[tilespmem:$0x13E00] =	vst v63  }
0x87: {  	s22 =	sadd.s32 $0xA400, s21;
	s23 =	sadd.s32 $0x780, s21  }
0x88: {  	[spmem:s1] =	stream.indirect.scatter.add.f32 [tilespmem:s22], [sflag:$0x2], $0x1, s23, s14, $0xb8;
	[tilespmem:$0x13E00] =	vst v63  }
0x89: {  	s22 =	sadd.s32 $0xA450, s21;
	s21 =	sadd.s32 $0x7D0, s21  }
0x8a: {  	[spmem:s1] =	stream.indirect.scatter.add.f32 [tilespmem:s22], [sflag:$0x2], $0x1, s21, s14, $0xb8;
	[tilespmem:$0x13E00] =	vst v63  }
0x8b: {  	_ =	swait.ge [sflag:s15], $0x50  }
0x8c: {  	[sflag:s15] =	ssyncset.done $0x0  }
0x8d: {  	[sflag:s15] =	ssyncadd.s32 $0xFFFFFFB0  }
0x8e: {  	_ =	swait.ge [sflag:s15], $0x50  }
0x8f: {  	[sflag:s15] =	ssyncset.done $0x0  }
0x90: {  	[sflag:s15] =	ssyncadd.s32 $0xFFFFFFB0  }
0x91: {  	_ =	swait.ge [sflag:s15], $0x50  }
0x92: {  	[sflag:s15] =	ssyncset.done $0x0  }
0x93: {  	[sflag:s15] =	ssyncadd.s32 $0xFFFFFFB0  }
0x94: {  	_ =	swait.ge [sflag:s15], $0x50  }
0x95: {  	[sflag:s15] =	ssyncset.done $0x0  }
0x96: {  	[sflag:s15] =	ssyncadd.s32 $0xFFFFFFB0  }
0x97: {  	_ =	swait.ge [sflag:s15], $0x50  }
0x98: {  	[sflag:s15] =	ssyncset.done $0x0  }
0x99: {  	[sflag:s15] =	ssyncadd.s32 $0xFFFFFFB0  }
0x9a: {  	_ =	swait.ge [sflag:s15], $0x50  }
0x9b: {  	[sflag:s15] =	ssyncset.done $0x0  }
0x9c: {  	[sflag:s15] =	ssyncadd.s32 $0xFFFFFFB0  }
0x9d: {  	_ =	swait.ge [sflag:s15], $0x50  }
0x9e: {  	[sflag:s15] =	ssyncset.done $0x0  }
0x9f: {  	[sflag:s15] =	ssyncadd.s32 $0xFFFFFFB0  }
0xa0: {  	_ =	swait.ge [sflag:s15], $0x50  }
0xa1: {  	[sflag:s15] =	ssyncset.done $0x0  }
0xa2: {  	[sflag:s15] =	ssyncadd.s32 $0xFFFFFFB0  }
.Ltmp0:
0xa3: {  	_ =	swait.ge [sflag:s15], $0x50;
	(pc) =	sbr.rel @p0 .LBB2_2-.Ltmp0, $4  }
0xa4: {  	[sflag:s15] =	ssyncset.done $0x0  }
0xa5: {  	[sflag:s15] =	ssyncadd.s32 $0xFFFFFFB0  }
0xa6: {  	_ =	swait.ge [sflag:s15], $0x50  }
0xa7: {  	s21 =	sshra.s32 s19, $0x2;
	s22 =	smov.u32 s20;
	[sflag:s15] =	ssyncset.done $0x0  }
0xa8: {  	s19 =	sadd.s32 $0xA180, s21;
	s20 =	sadd.s32 $0x500, s21;
	[sflag:s15] =	ssyncadd.s32 $0xFFFFFFB0  }
0xa9: {  	[spmem:s1] =	stream.indirect.scatter.add.f32 [tilespmem:s19], [sflag:$0x2], $0x1, s20, s14, $0xb8;
	[tilespmem:$0x13E00] =	vst v63  }
0xaa: {  	s23 =	sadd.s32 $0xA1D0, s21;
	s24 =	sadd.s32 $0x550, s21  }
0xab: {  	[spmem:s1] =	stream.indirect.scatter.add.f32 [tilespmem:s23], [sflag:$0x2], $0x1, s24, s14, $0xb8;
	[tilespmem:$0x13E00] =	vst v63  }
0xac: {  	s25 =	sadd.s32 $0xA220, s21;
	s26 =	sadd.s32 $0x5A0, s21  }
0xad: {  	[spmem:s1] =	stream.indirect.scatter.add.f32 [tilespmem:s25], [sflag:$0x2], $0x1, s26, s14, $0xb8;
	[tilespmem:$0x13E00] =	vst v63  }
0xae: {  	s28 =	sadd.s32 $0xA270, s21;
	s29 =	sadd.s32 $0x5F0, s21  }
0xaf: {  	[spmem:s1] =	stream.indirect.scatter.add.f32 [tilespmem:s28], [sflag:$0x2], $0x1, s29, s14, $0xb8;
	[tilespmem:$0x13E00] =	vst v63  }
0xb0: {  	s30 =	sadd.s32 $0xA2C0, s21;
	s31 =	sadd.s32 $0x640, s21  }
0xb1: {  	[spmem:s1] =	stream.indirect.scatter.add.f32 [tilespmem:s30], [sflag:$0x2], $0x1, s31, s14, $0xb8;
	[tilespmem:$0x13E00] =	vst v63  }
0xb2: {  	s22 =	sadd.s32 $0x690, s21;
	s20 =	sadd.s32 $0xA310, s21  }
0xb3: {  	[spmem:s1] =	stream.indirect.scatter.add.f32 [tilespmem:s20], [sflag:$0x2], $0x1, s22, s14, $0xb8;
	[tilespmem:$0x13E00] =	vst v63  }
0xb4: {  	s23 =	sadd.s32 $0xA360, s21;
	s24 =	sadd.s32 $0x6E0, s21  }
0xb5: {  	[spmem:s1] =	stream.indirect.scatter.add.f32 [tilespmem:s23], [sflag:$0x2], $0x1, s24, s14, $0xb8;
	[tilespmem:$0x13E00] =	vst v63  }
0xb6: {  	s25 =	sadd.s32 $0xA3B0, s21;
	s26 =	sadd.s32 $0x730, s21  }
0xb7: {  	[spmem:s1] =	stream.indirect.scatter.add.f32 [tilespmem:s25], [sflag:$0x2], $0x1, s26, s14, $0xb8;
	[tilespmem:$0x13E00] =	vst v63  }
0xb8: {  	s28 =	sadd.s32 $0xA400, s21;
	s29 =	sadd.s32 $0x780, s21  }
0xb9: {  	[spmem:s1] =	stream.indirect.scatter.add.f32 [tilespmem:s28], [sflag:$0x2], $0x1, s29, s14, $0xb8;
	[tilespmem:$0x13E00] =	vst v63  }
0xba: {  	s30 =	sadd.s32 $0xA450, s21;
	s31 =	sadd.s32 $0x7D0, s21  }
0xbb: {  	[spmem:s1] =	stream.indirect.scatter.add.f32 [tilespmem:s30], [sflag:$0x2], $0x1, s31, s14, $0xb8;
	[tilespmem:$0x13E00] =	vst v63  }
0xbc: {  	_ =	swait.ge [sflag:s15], $0x50  }
0xbd: {  	[sflag:s15] =	ssyncset.done $0x0  }
0xbe: {  	[sflag:s15] =	ssyncadd.s32 $0xFFFFFFB0  }
0xbf: {  	_ =	swait.ge [sflag:s15], $0x50  }
0xc0: {  	[sflag:s15] =	ssyncset.done $0x0  }
0xc1: {  	[sflag:s15] =	ssyncadd.s32 $0xFFFFFFB0  }
0xc2: {  	_ =	swait.ge [sflag:s15], $0x50  }
0xc3: {  	[sflag:s15] =	ssyncset.done $0x0  }
0xc4: {  	[sflag:s15] =	ssyncadd.s32 $0xFFFFFFB0  }
0xc5: {  	_ =	swait.ge [sflag:s15], $0x50  }
0xc6: {  	[sflag:s15] =	ssyncset.done $0x0  }
0xc7: {  	[sflag:s15] =	ssyncadd.s32 $0xFFFFFFB0  }
0xc8: {  	_ =	swait.ge [sflag:s15], $0x50  }
0xc9: {  	[sflag:s15] =	ssyncset.done $0x0  }
0xca: {  	[sflag:s15] =	ssyncadd.s32 $0xFFFFFFB0  }
0xcb: {  	_ =	swait.ge [sflag:s15], $0x50  }
0xcc: {  	[sflag:s15] =	ssyncset.done $0x0  }
0xcd: {  	[sflag:s15] =	ssyncadd.s32 $0xFFFFFFB0  }
0xce: {  	_ =	swait.ge [sflag:s15], $0x50  }
0xcf: {  	[sflag:s15] =	ssyncset.done $0x0  }
0xd0: {  	[sflag:s15] =	ssyncadd.s32 $0xFFFFFFB0  }
0xd1: {  	_ =	swait.ge [sflag:s15], $0x50  }
0xd2: {  	[sflag:s15] =	ssyncset.done $0x0  }
0xd3: {  	[sflag:s15] =	ssyncadd.s32 $0xFFFFFFB0  }
0xd4: {  	_ =	swait.ge [sflag:s15], $0x50  }
0xd5: {  	[sflag:s15] =	ssyncset.done $0x0  }
0xd6: {  	[sflag:s15] =	ssyncadd.s32 $0xFFFFFFB0  }
0xd7: {  	_ =	swait.ge [sflag:s15], $0x50  }
0xd8: {  	s18 =	sadd.s32 $0x1, s18;
	[sflag:s15] =	ssyncset.done $0x0  }
0xd9: {  	p0 =	sne.s32 s18, s6;
	[sflag:s15] =	ssyncadd.s32 $0xFFFFFFB0  }
.Ltmp1:
0xda: {  	[bflag:$0x0] =	sbarrier.arrive $0xFFFF;
	(pc) =	sbr.rel @p0 .LBB2_1-.Ltmp1, $4  }
0xdb: {  	[hbm:s8], [sflag:s16] =	dma.local [spmem:s17], $0x50  }
0xdc: {  	_ =	swait.ge [sflag:s10], $0x50  }
0xdd: {  	[sflag:s10] =	ssyncset.done $0x0  }
0xde: {  	[sflag:s10] =	ssyncadd.s32 $0xFFFFFFB0  }
0xdf: {  	_ =	sfence.sel $0x180000  }
0xe0: {  	[bflag:$0x0] =	sbarrier.arrive $0xFFFF  }
0xe1: {  	p0 =	sne.s32 s3, $0x0;
	_ =	strace $0x90000047  }
0xe2: {  	s0 =	sadd.s32 @!p0 $0x100000, s0;
	[bflag:$0x2] =	sbarrier.arrive $0xFFFF  }
0xe3: {  	[sflag:s0] =	ssyncadd.tile.s32 @!p0 $0x1;
	_ =	shalt  }
.Lfunc_end2:
_tile_overlayer_lowered:
.L_overlay_start_2:
0xe4: {  	(tag) =	ssettag $0x2  }
0xe5: {  	s0 =	rddreg [dreg:$0x0];
	s2 =	stileid.u32  }
0xe6: {  	s1 =	rddreg [dreg:$0x1];
	p0 =	sne.s32 s2, $0x0  }
0xe7: {  	s3 =	rddreg [dreg:$0x2];
	[bflag:$0x3] =	sbarrier.arrive $0xFFFF;
	s2 =	simm.s32 @!p0 $0x1C03  }
0xe8: {  	[timem:s3], [sflag:s2] =	dma.local @!p0 [hbm:s0], s1  }
0xe9: {  	s0 =	simm.s32 @!p0 $0x3  }
0xea: {  	_ =	swait.ge @!p0 [sflag:s0], s1  }
0xeb: {  	s1 =	ssub.s32 @!p0 $0x0, s1;
	[sflag:s0] =	ssyncset.done @!p0 $0x0  }
0xec: {  	[sflag:s0] =	ssyncadd.s32 @!p0 s1  }
0xed: {  	[bflag:$0x3] =	sbarrier.arrive $0xFFFF  }
0xee: {  	_ =	shalt  }

// kernel: kernel.9.cloned.1.call-start
scs
__scs_entry_jumppad:
0x0: {  	(pc) =	sbr.rel $0x88, $3  }
0x1: {  	(tag) =	ssettag $0x0;
	lr =	simm.s32 $0x1  }
0x2: {  	[smem:$0x3F98] =	sst lr;
	_ =	strace $0xD0000000  }
0x3: {  	_ = 	snop  }
0x4: {  	_ = 	snop  }
0x5: {  	_ = 	snop  }
0x6: {  	_ = 	snop  }
0x7: {  	_ = 	snop  }
__scs_overlays_trampoline_lowered:
0x8: {  	[smem:$0x3FA7] =	sst s0  }
0x9: {  	[smem:$0x3FA8] =	sst s1  }
0xa: {  	[smem:$0x3FA9] =	sst s2  }
0xb: {  	[smem:$0x3FAA] =	sst s3  }
0xc: {  	[smem:$0x3FAB] =	sst s4  }
0xd: {  	[smem:$0x3FAC] =	sst s5  }
0xe: {  	[smem:$0x3FAD] =	sst s6  }
0xf: {  	[smem:$0x3FAE] =	sst s7  }
0x10: {  	[smem:$0x3FAF] =	sst s8  }
0x11: {  	[smem:$0x3FB0] =	sst s9;
	s0 =	simm.s32 @!p0 $0x0  }
0x12: {  	s1 =	sld [smem:$0x3F96];
	s0 =	simm.s32 @p0 $0x1  }
0x13: {  	[smem:$0x3FB1] =	sst s0;
	s0 =	simm.s32 @!p1 $0x0  }
0x14: {  	s2 =	sld [smem:$0x3F95];
	s0 =	simm.s32 @p1 $0x1  }
0x15: {  	[smem:$0x3FB2] =	sst s0;
	s0 =	simm.s32 @!p2 $0x0  }
0x16: {  	s3 =	sld [smem:$0x3FDB];
	s0 =	simm.s32 @p2 $0x1  }
0x17: {  	s4 =	simm.s32 $0x1BF5;
	[smem:$0x3FB4] =	sst s0  }
0x18: {  	s0 =	sld [smem:$0x3F97];
	_ =	swait.ge [sflag:s4], $0x0  }
0x19: {  	s7 =	sld [smem:$0x3F98]  }
0x1a: {  	s8 =	sadd.s32 $0xFFFFE003, lr  }
0x1b: {  	s9 =	sadd.s32 $0xFFFFFEF7, lr;
	s5 =	simm.s32 $0xFFFFFFFF;
	p2 =	slt.u32 s8, $0xFFFFF086  }
0x1c: {  	p1 =	slt.u32 s9, $0xF7A;
	s5 =	simm.s32 @!p2 $0x0  }
0x1d: {  	s5 =	simm.s32 @p1 $0x1;
	p0 =	seq.s32 s7, s2  }
0x1e: {  	s7 =	smul.u32 @!p0 $0xF7A, s2;
	p2 =	seq.s32 @!p0 s5, $0x0  }
0x1f: {  	s9 =	smul.u32 $0xF7A, s1;
	s8 =	simm.s32 @!p0 $0x1BF5;
	p2 =	por !p2, p0  }
0x20: {  	[sflag:s8] =	ssyncset.s32 @!p0 $0xFFFFF086;
	s6 =	sadd.s32 @!p0 s3, s7;
	s7 =	simm.s32 @!p0 $0x108  }
0x21: {  	s3 =	sadd.s32 s3, s9;
	s6 =	sadd.s32 @!p0 $0x88, s6;
	s7 =	simm.s32 @p2 $0x1082  }
0x22: {  	[simem:s7], [sflag:s8] =	dma.local @!p0 [hbm:s6], $0xF7A  }
0x23: {  	s9 =	sor.u32 $0xD0000000, s2;
	s6 =	simm.s32 $0x108;
	_ =	swait.ge @!p0 [sflag:s8], $0x0  }
0x24: {  	s3 =	sadd.s32 $0x88, s3;
	s6 =	simm.s32 @!p1 $0x1082;
	[sflag:s4] =	ssyncset.s32 $0xFFFFF086  }
0x25: {  	[simem:s6], [sflag:s4] =	dma.local [hbm:s3], $0xF7A  }
0x26: {  	[smem:$0x3F98] =	sst s1;
	(tag) =	ssettag s2;
	_ =	strace s9  }
0x27: {  	s1 =	sld [smem:$0x3FA8]  }
0x28: {  	s2 =	sld [smem:$0x3FA9]  }
0x29: {  	s4 =	sld [smem:$0x3FAB]  }
0x2a: {  	p0 =	seq.s32 s5, $0x0;
	s5 =	sld [smem:$0x3FAC]  }
0x2b: {  	s6 =	sld [smem:$0x3FAD]  }
0x2c: {  	s7 =	sld [smem:$0x3FAE]  }
0x2d: {  	s3 =	simm.s32 $0x108;
	s8 =	sld [smem:$0x3FAF]  }
0x2e: {  	s3 =	simm.s32 @!p0 $0x1082;
	s9 =	sld [smem:$0x3FB0]  }
0x2f: {  	lr =	sadd.s32 s0, s3;
	s0 =	sld [smem:$0x3FA7]  }
0x30: {  	s3 =	sld [smem:$0x3FAA]  }
0x31: {  	[smem:$0x3FB3] =	sst s10  }
0x32: {  	s10 =	sld [smem:$0x3FB1];
	_ =	sdelay $0x3  }
0x33: {  	p0 =	seq.s32 s10, $0x1;
	s10 =	sld [smem:$0x3FB3];
	_ =	sdelay $0x3  }
0x34: {  	[smem:$0x3FB3] =	sst s10  }
0x35: {  	s10 =	sld [smem:$0x3FB2];
	_ =	sdelay $0x3  }
0x36: {  	p1 =	seq.s32 s10, $0x1;
	s10 =	sld [smem:$0x3FB3];
	_ =	sdelay $0x3  }
0x37: {  	[smem:$0x3FB3] =	sst s10  }
0x38: {  	s10 =	sld [smem:$0x3FB4]  }
0x39: {  	_ = 	snop;
	(pc) =	sbr.ind lr, $3  }
0x3a: {  	_ = 	snop  }
0x3b: {  	_ = 	snop  }
0x3c: {  	p2 =	seq.s32 s10, $0x1;
	s10 =	sld [smem:$0x3FB3]  }
0x3d: {  	_ =	shalt  }
0x3e: {  	_ =	shalt  }
0x3f: {  	_ =	shalt  }
0x40: {  	_ =	shalt  }
0x41: {  	_ =	shalt  }
0x42: {  	_ =	shalt  }
0x43: {  	_ =	shalt  }
0x44: {  	_ =	shalt  }
0x45: {  	_ =	shalt  }
0x46: {  	_ =	shalt  }
0x47: {  	_ =	shalt  }
0x48: {  	_ =	shalt  }
0x49: {  	_ =	shalt  }
0x4a: {  	_ =	shalt  }
0x4b: {  	_ =	shalt  }
0x4c: {  	_ =	shalt  }
0x4d: {  	_ =	shalt  }
0x4e: {  	_ =	shalt  }
0x4f: {  	_ =	shalt  }
0x50: {  	_ =	shalt  }
0x51: {  	_ =	shalt  }
0x52: {  	_ =	shalt  }
0x53: {  	_ =	shalt  }
0x54: {  	_ =	shalt  }
0x55: {  	_ =	shalt  }
0x56: {  	_ =	shalt  }
0x57: {  	_ =	shalt  }
0x58: {  	_ =	shalt  }
0x59: {  	_ =	shalt  }
0x5a: {  	_ =	shalt  }
0x5b: {  	_ =	shalt  }
0x5c: {  	_ =	shalt  }
0x5d: {  	_ =	shalt  }
0x5e: {  	_ =	shalt  }
0x5f: {  	_ =	shalt  }
0x60: {  	_ =	shalt  }
0x61: {  	_ =	shalt  }
0x62: {  	_ =	shalt  }
0x63: {  	_ =	shalt  }
0x64: {  	_ =	shalt  }
0x65: {  	_ =	shalt  }
0x66: {  	_ =	shalt  }
0x67: {  	_ =	shalt  }
0x68: {  	_ =	shalt  }
0x69: {  	_ =	shalt  }
0x6a: {  	_ =	shalt  }
0x6b: {  	_ =	shalt  }
0x6c: {  	_ =	shalt  }
0x6d: {  	_ =	shalt  }
0x6e: {  	_ =	shalt  }
0x6f: {  	_ =	shalt  }
0x70: {  	_ =	shalt  }
0x71: {  	_ =	shalt  }
0x72: {  	_ =	shalt  }
0x73: {  	_ =	shalt  }
0x74: {  	_ =	shalt  }
0x75: {  	_ =	shalt  }
0x76: {  	_ =	shalt  }
0x77: {  	_ =	shalt  }
0x78: {  	_ =	shalt  }
0x79: {  	_ =	shalt  }
0x7a: {  	_ =	shalt  }
0x7b: {  	_ =	shalt  }
0x7c: {  	_ =	shalt  }
0x7d: {  	_ =	shalt  }
0x7e: {  	_ =	shalt  }
0x7f: {  	_ =	shalt  }
0x80: {  	_ =	shalt  }
0x81: {  	_ =	shalt  }
0x82: {  	_ =	shalt  }
0x83: {  	_ =	shalt  }
0x84: {  	_ =	shalt  }
0x85: {  	_ =	shalt  }
0x86: {  	_ =	shalt  }
0x87: {  	_ =	shalt  }
.Lfunc_end0:
.L_simem_size_0:
called_computation.1_lowered:
.L_overlay_start_0:
0x88: {  	s2 =	sld [smem:$0x3FD9]  }
0x89: {  	s3 =	sld [smem:$0x3FFE];
	_ =	sdelay $0x1  }
0x8a: {  	s1 =	srdreg.scid  }
0x8b: {  	s0 =	sand.u32 $0x1, s1  }
0x8c: {  	s16 =	sshll.u32 s0, $0xA;
	s2 =	sadd.s32 s3, s2  }
0x8d: {  	s2 =	sadd.s32 s2, s16  }
0x8e: {  	[smem:$0x3FBF] =	sst s2  }
0x8f: {  	_ = 	snop  }
0x90: {  	(tm) =	ssettm $0x1  }
0x91: {  	s17 =	sld [smem:$0x3FFB];
	_ =	sdelay $0x3  }
0x92: {  	_ =	strace s17  }
0x93: {  	s2 =	sld [smem:$0x3FFC];
	_ =	sdelay $0x3  }
0x94: {  	_ =	strace s2  }
0x95: {  	s2 =	sld [smem:$0x3FFD];
	_ =	sdelay $0x3  }
0x96: {  	_ =	strace s2  }
0x97: {  	_ =	strace $0x8FFFFFFF  }
0x98: {  	s18 =	sld [smem:$0x3FDB];
	_ =	sdelay $0x1  }
0x99: {  	s19 =	simm.s32 $_scs_section_size  }
0x9a: {  	s4 =	simm.s32 $_size__tile_overlayer_lowered;
	s5 =	simm.s32 $_tile_overlayer_lowered  }
0x9b: {  	s22 =	simm.s32 $0x1BFF;
	s21 =	sshll.u32 s5, $0x1;
	s2 =	sadd.s32 s19, s18  }
0x9c: {  	s6 =	simm.s32 $0x0;
	s20 =	sshll.u32 s4, $0x1;
	s4 =	sadd.s32 s21, s2  }
0x9d: {  	[timem:s6], [sflag:s22] =	dma.local [hbm:s4], s20  }
0x9e: {  	_ =	swait.ge [sflag:s22], s20  }
0x9f: {  	s3 =	ssub.s32 $0x0, s20;
	[sflag:s22] =	ssyncset.done $0x0  }
0xa0: {  	[sflag:s22] =	ssyncadd.s32 s3;
	_ =	sdelay $0x1  }
0xa1: {  	s23 =	simm.s32 $0x1B8B  }
0xa2: {  	_ =	swait.ge [sflag:s23], $0x1  }
0xa3: {  	[sflag:s23] =	ssyncset.done $0x0  }
0xa4: {  	s25 =	simm.s32 $0x1B8E;
	s24 =	sld [smem:$0x3FFE];
	[sflag:s23] =	ssyncadd.s32 $0xFFFFFFFF  }
0xa5: {  	s26 =	simm.s32 $execute0_lowered;
	[smem:$0x3FD2] =	sst s25  }
0xa6: {  	s4 =	sshll.u32 s26, $0x1;
	_ =	strace $0x80000049;
	[dreg:$0x1] =	wrdreg $0xFFFFFFFF  }
0xa7: {  	s28 =	simm.s32 $_size_execute0_lowered;
	s2 =	sadd.s32 s2, s4;
	[dreg:$0x0] =	wrdreg $0x0  }
0xa8: {  	s4 =	sshll.u32 s28, $0x1;
	[dreg:$0x2] =	wrdreg s2  }
0xa9: {  	[dreg:$0x3] =	wrdreg s4  }
0xaa: {  	[dreg:$0x4] =	wrdreg $0xC0  }
0xab: {  	_ =	task [dreg:s6], $0x5FFFF  }
0xac: {  	[dreg:$0x1] =	wrdreg $0xFFFFFFFF  }
0xad: {  	[dreg:$0x0] =	wrdreg $0x60  }
0xae: {  	[dreg:$0x2] =	wrdreg s24  }
0xaf: {  	[dreg:$0x3] =	wrdreg $0x0  }
0xb0: {  	[dreg:$0x4] =	wrdreg $0x9  }
0xb1: {  	_ =	task.clear_ibuf [dreg:s6], $0x5FFFF;
	_ =	strace $0x90000049  }
0xb2: {  	s29 =	simm.s32 $0x9;
	_ =	strace $0x8000004B  }
0xb3: {  	_ =	swait.ge [sflag:s29], $0x1  }
0xb4: {  	[sflag:s29] =	ssyncadd.s32 $0xFFFFFFFF  }
0xb5: {  	_ =	strace $0x9000004B  }
0xb6: {  	_ =	sfence  }
0xb7: {  	s30 =	sld [smem:$0x0];
	_ =	sdelay $0x2  }
0xb8: {  	s31 =	sshll.u32 s1, $0xD;
	s1 =	sshrl.u32 s1, $0x2  }
0xb9: {  	s3 =	sand.u32 $0x4000, s31;
	s1 =	sadd.s32 s1, s30  }
0xba: {  	s0 =	sor.u32 s3, s0;
	s1 =	sshll.u32 s1, $0x11  }
0xbb: {  	s0 =	sor.u32 s1, s0  }
0xbc: {  	s0 =	sadd.s32 $0x8F2B, s0  }
0xbd: {  	[sflag:s0] =	ssyncadd.remote.s32 $0x1  }
0xbe: {  	_ =	sfence.sel $0xFFFF  }
0xbf: {  	[dreg:$0x0] =	wrdreg $0xFFFFFFFF;
	(pc) =	sbr.abs _section_cstart, $3  }
0xc0: {  	[dreg:$0x1] =	wrdreg $0xFFFFFFFF  }
0xc1: {  	_ =	task.clear_ibuf [dreg:s6], $0x2FFFF;
	_ =	strace $0x9FFFFFFF  }
0xc2: {  	(tm) =	ssettm $0x7FFFFFFF  }
0xc3: {  	_ =	shalt  }
tec
execute0_lowered:
.L_overlay_start_1:
0x0: {  	(tag) =	ssettag $0x1  }
0x1: {  	s0 =	rddreg [dreg:$0x0]  }
0x2: {  	s1 =	rddreg [dreg:$0x1];
	s2 =	simm.s32 $0x0;
	s3 =	srdreg.scid  }
0x3: {  	s11 =	stileid.u32;
	s29 =	simm.s32 $0x16D00;
	s31 =	simm.s32 $0x19500  }
0x4: {  	s28 =	simm.s32 $0x3;
	s30 =	simm.s32 $0x4;
	s13 =	simm.s32 $0x0  }
0x5: {  	[smem:$0x7FF] =	sst s2;
	s4 =	sadd.s32 $0x2A800, s0;
	s7 =	smul.u32 $0x50000, s11  }
0x6: {  	s5 =	sadd.s32 $0x51A00, s0;
	s6 =	sadd.s32 $0x16E00, s0;
	s10 =	smul.u32 $0x9C40, s11  }
0x7: {  	s3 =	sand.u32 $0x1, s3;
	s9 =	sadd.s32 $0x3400, s0;
	s23 =	smul.u32 $0x1388, s11  }
0x8: {  	s8 =	sadd.s32 $0x78C00, s0;
	s0 =	sadd.s32 $0xA0C00, s0;
	s24 =	smul.u32 $0x2800, s11  }
0x9: {  	s11 =	simm.s32 $0x8;
	_ =	strace $0x8000004A;
	[dreg:$0x3] =	wrdreg s8  }
0xa: {  	s14 =	ssub.s32 $0x2, s3;
	[dreg:$0x4] =	wrdreg s0;
	p0 =	sne.s32 s3, $0x0  }
0xb: {  	s3 =	simm.s32 $0x1;
	s7 =	sshrl.u32 s7, $0x2;
	s22 =	sshrl.u32 s10, $0x3  }
0xc: {  	[dreg:$0xe] =	wrdreg s24;
	s8 =	sadd.s32 s7, s1;
	s12 =	sadd.s32 s9, s22  }
0xd: {  	s15 =	sshrl.u32 s14, $0x1;
	s7 =	sadd.s32 $0x2800, s8;
	[dreg:$0xc] =	wrdreg s12  }
0xe: {  	s25 =	sadd.s32 s23, s6;
	s16 =	sadd.s32 $0x5000, s8;
	[dreg:$0x5] =	wrdreg s7  }
0xf: {  	s26 =	sadd.s32 s23, s9;
	s17 =	sadd.s32 $0x7800, s8;
	[dreg:$0x6] =	wrdreg s16  }
0x10: {  	s23 =	simm.s32 $0xA;
	s18 =	sadd.s32 $0xA000, s8;
	[dreg:$0x7] =	wrdreg s17  }
0x11: {  	s10 =	simm.s32 $0x7;
	s19 =	sadd.s32 $0xC800, s8;
	[dreg:$0x8] =	wrdreg s18  }
0x12: {  	s0 =	ssub.s32 s14, s15;
	s20 =	sadd.s32 $0xF000, s8;
	[dreg:$0x9] =	wrdreg s19  }
0x13: {  	s9 =	simm.s32 $0x6;
	s21 =	sadd.s32 $0x11800, s8;
	[dreg:$0xa] =	wrdreg s20  }
.Ltmp0:
0x14: {  	s0 =	smax.u32 s0, $0x1;
	[dreg:$0xb] =	wrdreg s21;
	(pc) =	sbr.rel .LBB2_1-.Ltmp0, $4  }
0x15: {  	s12 =	simm.s32 $0x9;
	s7 =	sadd.s32 s6, s22;
	[dreg:$0xf] =	wrdreg s0  }
0x16: {  	s20 =	sadd.s32 $0x28, s25;
	s21 =	sadd.s32 $0x28, s26;
	s22 =	simm.s32 $0x14500  }
0x17: {  	s17 =	simm.s32 $0x14280;
	s26 =	simm.s32 $0x50;
	s6 =	simm.s32 $0x1BD00  }
0x18: {  	v0 =	vimm.f32 $0.0e+00;
	s0 =	simm.s32 $0x5;
	[dreg:$0xd] =	wrdreg s7;
	s7 =	simm.s32 $0x2  }
.LBB2_9:
0x19: {  	s16 =	simm.s32 $0x140  }
0x1a: {  	[sflag:s12] =	ssyncadd.s32 $0xFFFFD800;
	s16 =	simm.s32 @!p2 $0x0  }
0x1b: {  	[tilespmem:s6], [sflag:$0x5] =	stream.indirect.gather [hbm4b:s5+s26], $0x80, s25, s26, $0xb8;
	[tilespmem:$0x1E500] =	vst v63  }
0x1c: {  	s17 =	sor.u32 $0x14000, s16  }
0x1d: {  	[tilespmem:s17], [sflag:$0x1] =	stream.linear.gather [hbm4b:s14+s2], $0x140, $0x38;
	[tilespmem:$0x1E500] =	vst v63  }
0x1e: {  	s19 =	sor.u32 $0x14280, s16  }
0x1f: {  	[tilespmem:s19], [sflag:$0x1] =	stream.linear.gather [hbm4b:s15+s2], $0x140, $0x38;
	[tilespmem:$0x1E500] =	vst v63  }
0x20: {  	s14 =	simm.s32 $0x0;
	_ =	swait.ge [sflag:s7], $0x2800  }
0x21: {  	s14 =	simm.s32 @!p2 $0x140;
	[sflag:s7] =	ssyncset.done $0x0  }
0x22: {  	s24 =	sor.u32 $0x14280, s14;
	[sflag:s7] =	ssyncadd.s32 $0xFFFFD800  }
0x23: {  	[spmem:s1] =	stream.indirect.scatter.add.f32 [tilespmem:s22], [sflag:$0x6], $0x80, s24, s26, $0xb8;
	[tilespmem:$0x1E500] =	vst v63  }
0x24: {  	_ =	swait.ge [sflag:s28], $0x2800  }
0x25: {  	[sflag:s28] =	ssyncset.done $0x0  }
0x26: {  	s25 =	sadd.s32 $0x142D0, s14;
	[sflag:s28] =	ssyncadd.s32 $0xFFFFD800  }
0x27: {  	[spmem:s1] =	stream.indirect.scatter.add.f32 [tilespmem:s29], [sflag:$0x7], $0x80, s25, s26, $0xb8;
	[tilespmem:$0x1E500] =	vst v63  }
0x28: {  	_ =	swait.ge [sflag:s30], $0x2800  }
0x29: {  	[sflag:s30] =	ssyncset.done $0x0  }
0x2a: {  	s18 =	sadd.s32 $0x14320, s14;
	[sflag:s30] =	ssyncadd.s32 $0xFFFFD800  }
0x2b: {  	[spmem:s1] =	stream.indirect.scatter.add.f32 [tilespmem:s31], [sflag:$0x8], $0x80, s18, s26, $0xb8;
	[tilespmem:$0x1E500] =	vst v63  }
0x2c: {  	_ =	swait.ge [sflag:s0], $0x2800  }
0x2d: {  	[sflag:s0] =	ssyncset.done $0x0  }
0x2e: {  	s14 =	sadd.s32 $0x14370, s14;
	[sflag:s0] =	ssyncadd.s32 $0xFFFFD800  }
0x2f: {  	[spmem:s1] =	stream.indirect.scatter.add.f32 [tilespmem:s6], [sflag:$0x9], $0x80, s14, s26, $0xb8;
	[tilespmem:$0x1E500] =	vst v63  }
0x30: {  	_ =	swait.ge [sflag:s3], $0x140  }
0x31: {  	[sflag:s3] =	ssyncset.done $0x0  }
0x32: {  	[sflag:s3] =	ssyncadd.s32 $0xFFFFFEC0  }
0x33: {  	_ =	swait.ge [sflag:s3], $0x140  }
0x34: {  	[sflag:s3] =	ssyncset.done $0x0  }
0x35: {  	[sflag:s3] =	ssyncadd.s32 $0xFFFFFEC0  }
0x36: {  	_ =	swait.ge [sflag:s9], $0x2800  }
0x37: {  	[sflag:s9] =	ssyncset.done $0x0  }
0x38: {  	[sflag:s9] =	ssyncadd.s32 $0xFFFFD800  }
0x39: {  	[tilespmem:s22], [sflag:$0x2] =	stream.indirect.gather [hbm4b:s5+s26], $0x80, s17, s26, $0xb8;
	[tilespmem:$0x1E500] =	vst v63  }
0x3a: {  	_ =	swait.ge [sflag:s10], $0x2800  }
0x3b: {  	[sflag:s10] =	ssyncset.done $0x0  }
0x3c: {  	s19 =	sadd.s32 $0x14050, s16;
	[sflag:s10] =	ssyncadd.s32 $0xFFFFD800  }
0x3d: {  	[tilespmem:s29], [sflag:$0x3] =	stream.indirect.gather [hbm4b:s5+s26], $0x80, s19, s26, $0xb8;
	[tilespmem:$0x1E500] =	vst v63  }
0x3e: {  	_ =	swait.ge [sflag:s11], $0x2800  }
0x3f: {  	[sflag:s11] =	ssyncset.done $0x0  }
0x40: {  	s24 =	sor.u32 $0x140A0, s16;
	[sflag:s11] =	ssyncadd.s32 $0xFFFFD800  }
0x41: {  	[tilespmem:s31], [sflag:$0x4] =	stream.indirect.gather [hbm4b:s5+s26], $0x80, s24, s26, $0xb8;
	[tilespmem:$0x1E500] =	vst v63  }
0x42: {  	_ =	swait.ge [sflag:s12], $0x2800  }
0x43: {  	[sflag:s12] =	ssyncset.done $0x0  }
0x44: {  	s25 =	sadd.s32 $0x140F0, s16;
	s14 =	rddreg [dreg:$0x4];
	[sflag:s12] =	ssyncadd.s32 $0xFFFFD800  }
0x45: {  	[tilespmem:s6], [sflag:$0x5] =	stream.indirect.gather [hbm4b:s5+s26], $0x80, s25, s26, $0xb8;
	[tilespmem:$0x1E500] =	vst v63  }
.LBB2_10:
0x46: {  	_ =	swait.ge [sflag:s7], $0x2800  }
0x47: {  	[sflag:s7] =	ssyncset.done $0x0  }
0x48: {  	s17 =	simm.s32 $0x14280;
	[sflag:s7] =	ssyncadd.s32 $0xFFFFD800  }
0x49: {  	[spmem:s1] =	stream.indirect.scatter.add.f32 [tilespmem:s22], [sflag:$0x6], $0x80, s17, s26, $0xb8;
	[tilespmem:$0x1E500] =	vst v63  }
0x4a: {  	_ =	swait.ge [sflag:s28], $0x2800  }
0x4b: {  	[sflag:s28] =	ssyncset.done $0x0  }
0x4c: {  	s15 =	simm.s32 $0x142D0;
	[sflag:s28] =	ssyncadd.s32 $0xFFFFD800  }
0x4d: {  	[spmem:s1] =	stream.indirect.scatter.add.f32 [tilespmem:s29], [sflag:$0x7], $0x80, s15, s26, $0xb8;
	[tilespmem:$0x1E500] =	vst v63  }
0x4e: {  	_ =	swait.ge [sflag:s30], $0x2800  }
0x4f: {  	[sflag:s30] =	ssyncset.done $0x0  }
0x50: {  	s16 =	simm.s32 $0x14320;
	[sflag:s30] =	ssyncadd.s32 $0xFFFFD800  }
0x51: {  	[spmem:s1] =	stream.indirect.scatter.add.f32 [tilespmem:s31], [sflag:$0x8], $0x80, s16, s26, $0xb8;
	[tilespmem:$0x1E500] =	vst v63  }
0x52: {  	_ =	swait.ge [sflag:s0], $0x2800  }
0x53: {  	[sflag:s0] =	ssyncset.done $0x0  }
0x54: {  	s18 =	simm.s32 $0x14370;
	[sflag:s0] =	ssyncadd.s32 $0xFFFFD800  }
0x55: {  	[spmem:s1] =	stream.indirect.scatter.add.f32 [tilespmem:s6], [sflag:$0x9], $0x80, s18, s26, $0xb8;
	[tilespmem:$0x1E500] =	vst v63  }
0x56: {  	_ =	swait.ge [sflag:s9], $0x2800  }
0x57: {  	[sflag:s9] =	ssyncset.done $0x0  }
0x58: {  	[sflag:s9] =	ssyncadd.s32 $0xFFFFD800  }
0x59: {  	_ =	swait.ge [sflag:s10], $0x2800  }
0x5a: {  	[sflag:s10] =	ssyncset.done $0x0  }
0x5b: {  	[sflag:s10] =	ssyncadd.s32 $0xFFFFD800  }
0x5c: {  	_ =	swait.ge [sflag:s11], $0x2800  }
0x5d: {  	[sflag:s11] =	ssyncset.done $0x0  }
0x5e: {  	[sflag:s11] =	ssyncadd.s32 $0xFFFFD800  }
0x5f: {  	s24 =	stileid.u32;
	_ =	swait.ge [sflag:s12], $0x2800  }
0x60: {  	s15 =	sshll.u32 s24, $0x6;
	[sflag:s12] =	ssyncset.done $0x0  }
0x61: {  	s15 =	sor.u32 $0x1C0A, s15;
	s19 =	rddreg [dreg:$0xe];
	[sflag:s12] =	ssyncadd.s32 $0xFFFFD800  }
0x62: {  	s16 =	sshrl.u32 s8, $0x3;
	s14 =	sadd.s32 s14, s19;
	[bflag:$0x0] =	sbarrier.arrive $0xFFFF  }
0x63: {  	[hbm:s14], [sflag:s15] =	dma.local [spmem:s16], $0x2800  }
0x64: {  	_ =	swait.ge [sflag:s23], $0x2800  }
0x65: {  	s13 =	sadd.s32 $0x1, s13;
	s25 =	rddreg [dreg:$0xf]  }
0x66: {  	p1 =	sne.s32 s13, s25  }
.Ltmp1:
0x67: {  	_ = 	snop;
	(pc) =	sbr.rel @!p1 .LBB2_11-.Ltmp1, $3  }
0x68: {  	_ =	sdelay $0x1  }
0x69: {  	[sflag:s23] =	ssyncset.done $0x0  }
0x6a: {  	[sflag:s23] =	ssyncadd.s32 $0xFFFFD800  }
.LBB2_1:
0x6b: {  	s14 =	simm.s32 $0x0;
	s15 =	simm.s32 $0x200  }
.LBB2_2:
0x6c: {  	p1 =	sne.s32 s15, $0x9E00;
	[tilespmem:s14+$0x14570] =	vst v0  }
0x6d: {  	[tilespmem:s14+$0x14500] =	vst v0  }
0x6e: {  	[tilespmem:s14+$0x14510] =	vst v0  }
.Ltmp2:
0x6f: {  	[tilespmem:s14+$0x14520] =	vst v0;
	(pc) =	sbr.rel @p1 .LBB2_2-.Ltmp2, $4  }
0x70: {  	[tilespmem:s14+$0x14530] =	vst v0  }
0x71: {  	[tilespmem:s14+$0x14540] =	vst v0  }
0x72: {  	[tilespmem:s14+$0x14550] =	vst v0  }
0x73: {  	[tilespmem:s14+$0x14560] =	vst v0;
	s14 =	sshra.s32 s15, $0x2;
	s15 =	sadd.s32 $0x200, s15  }
0x74: {  	[tilespmem:s14+$0x14570] =	vst v0  }
0x75: {  	[tilespmem:s14+$0x14500] =	vst v0  }
0x76: {  	[tilespmem:s14+$0x14510] =	vst v0  }
0x77: {  	[tilespmem:s14+$0x14520] =	vst v0  }
0x78: {  	[tilespmem:s14+$0x14530] =	vst v0  }
0x79: {  	[tilespmem:s14+$0x14540] =	vst v0  }
0x7a: {  	[tilespmem:s14+$0x14550] =	vst v0  }
0x7b: {  	[tilespmem:s14+$0x14560] =	vst v0  }
0x7c: {  	[spmem:s8] =	stream.linear.scatter [tilespmem:s22], [sflag:$0xA], $0x2800, $0x38;
	[tilespmem:$0x1E500] =	vst v63  }
0x7d: {  	_ =	swait.ge [sflag:s23], $0x2800  }
0x7e: {  	[sflag:s23] =	ssyncset.done $0x0  }
0x7f: {  	s25 =	rddreg [dreg:$0x5];
	[sflag:s23] =	ssyncadd.s32 $0xFFFFD800  }
0x80: {  	[spmem:s25] =	stream.linear.scatter [tilespmem:s22], [sflag:$0xA], $0x2800, $0x38;
	[tilespmem:$0x1E500] =	vst v63  }
0x81: {  	_ =	swait.ge [sflag:s23], $0x2800  }
0x82: {  	[sflag:s23] =	ssyncset.done $0x0  }
0x83: {  	s15 =	rddreg [dreg:$0x6];
	[sflag:s23] =	ssyncadd.s32 $0xFFFFD800  }
0x84: {  	[spmem:s15] =	stream.linear.scatter [tilespmem:s22], [sflag:$0xA], $0x2800, $0x38;
	[tilespmem:$0x1E500] =	vst v63  }
0x85: {  	_ =	swait.ge [sflag:s23], $0x2800  }
0x86: {  	[sflag:s23] =	ssyncset.done $0x0  }
0x87: {  	s16 =	rddreg [dreg:$0x7];
	[sflag:s23] =	ssyncadd.s32 $0xFFFFD800  }
0x88: {  	[spmem:s16] =	stream.linear.scatter [tilespmem:s22], [sflag:$0xA], $0x2800, $0x38;
	[tilespmem:$0x1E500] =	vst v63  }
0x89: {  	_ =	swait.ge [sflag:s23], $0x2800  }
0x8a: {  	[sflag:s23] =	ssyncset.done $0x0  }
0x8b: {  	s18 =	rddreg [dreg:$0x8];
	[sflag:s23] =	ssyncadd.s32 $0xFFFFD800  }
0x8c: {  	[spmem:s18] =	stream.linear.scatter [tilespmem:s22], [sflag:$0xA], $0x2800, $0x38;
	[tilespmem:$0x1E500] =	vst v63  }
0x8d: {  	_ =	swait.ge [sflag:s23], $0x2800  }
0x8e: {  	[sflag:s23] =	ssyncset.done $0x0  }
0x8f: {  	s19 =	rddreg [dreg:$0x9];
	[sflag:s23] =	ssyncadd.s32 $0xFFFFD800  }
0x90: {  	[spmem:s19] =	stream.linear.scatter [tilespmem:s22], [sflag:$0xA], $0x2800, $0x38;
	[tilespmem:$0x1E500] =	vst v63  }
0x91: {  	_ =	swait.ge [sflag:s23], $0x2800  }
0x92: {  	[sflag:s23] =	ssyncset.done $0x0  }
0x93: {  	s24 =	rddreg [dreg:$0xa];
	[sflag:s23] =	ssyncadd.s32 $0xFFFFD800  }
0x94: {  	[spmem:s24] =	stream.linear.scatter [tilespmem:s22], [sflag:$0xA], $0x2800, $0x38;
	[tilespmem:$0x1E500] =	vst v63  }
0x95: {  	_ =	swait.ge [sflag:s23], $0x2800  }
0x96: {  	[sflag:s23] =	ssyncset.done $0x0  }
0x97: {  	s25 =	rddreg [dreg:$0xb];
	[sflag:s23] =	ssyncadd.s32 $0xFFFFD800  }
0x98: {  	[spmem:s25] =	stream.linear.scatter [tilespmem:s22], [sflag:$0xA], $0x2800, $0x38;
	[tilespmem:$0x1E500] =	vst v63  }
.Ltmp3:
0x99: {  	_ =	swait.ge [sflag:s23], $0x2800;
	(pc) =	sbr.rel @p0 .LBB2_7-.Ltmp3, $3  }
0x9a: {  	[sflag:s23] =	ssyncset.done $0x0  }
0x9b: {  	[sflag:s23] =	ssyncadd.s32 $0xFFFFD800  }
0x9c: {  	[bflag:$0x0] =	sbarrier.arrive $0xFFFF;
	_ =	sdelay $0x1  }
0x9d: {  	s14 =	rddreg [dreg:$0xd];
	s15 =	simm.s32 $0x14000  }
0x9e: {  	[tilespmem:s15], [sflag:$0xA] =	stream.linear.gather [hbm4b:s14+s2], $0x140, $0x38;
	[tilespmem:$0x1E500] =	vst v63  }
0x9f: {  	_ =	swait.ge [sflag:s23], $0x140  }
0xa0: {  	[sflag:s23] =	ssyncset.done $0x0  }
0xa1: {  	s24 =	rddreg [dreg:$0xc];
	[sflag:s23] =	ssyncadd.s32 $0xFFFFFEC0  }
0xa2: {  	[tilespmem:s17], [sflag:$0xA] =	stream.linear.gather [hbm4b:s24+s2], $0x140, $0x38;
	[tilespmem:$0x1E500] =	vst v63  }
0xa3: {  	_ =	swait.ge [sflag:s23], $0x140  }
0xa4: {  	[sflag:s23] =	ssyncset.done $0x0  }
0xa5: {  	[sflag:s23] =	ssyncadd.s32 $0xFFFFFEC0  }
0xa6: {  	[tilespmem:s22], [sflag:$0x2] =	stream.indirect.gather [hbm4b:s4+s26], $0x80, s15, s26, $0xb8;
	[tilespmem:$0x1E500] =	vst v63  }
0xa7: {  	s25 =	simm.s32 $0x14050  }
0xa8: {  	[tilespmem:s29], [sflag:$0x3] =	stream.indirect.gather [hbm4b:s4+s26], $0x80, s25, s26, $0xb8;
	[tilespmem:$0x1E500] =	vst v63  }
0xa9: {  	s17 =	simm.s32 $0x1;
	s15 =	simm.s32 $0x140A0  }
0xaa: {  	[tilespmem:s31], [sflag:$0x4] =	stream.indirect.gather [hbm4b:s4+s26], $0x80, s15, s26, $0xb8;
	[tilespmem:$0x1E500] =	vst v63  }
0xab: {  	s16 =	simm.s32 $0x140F0;
	s14 =	sand.u32 $0x1, s17  }
0xac: {  	[tilespmem:s6], [sflag:$0x5] =	stream.indirect.gather [hbm4b:s4+s26], $0x80, s16, s26, $0xb8;
	[tilespmem:$0x1E500] =	vst v63  }
0xad: {  	p1 =	seq.s32 s14, $0x1;
	s16 =	simm.s32 $0x140  }
0xae: {  	s16 =	simm.s32 @!p1 $0x0  }
0xaf: {  	s14 =	sor.u32 $0x14000, s16  }
0xb0: {  	[tilespmem:s14], [sflag:$0x1] =	stream.linear.gather [hbm4b:s20+s2], $0x140, $0x38;
	[tilespmem:$0x1E500] =	vst v63  }
0xb1: {  	s18 =	sor.u32 $0x14280, s16  }
0xb2: {  	[tilespmem:s18], [sflag:$0x1] =	stream.linear.gather [hbm4b:s21+s2], $0x140, $0x38;
	[tilespmem:$0x1E500] =	vst v63  }
0xb3: {  	s15 =	simm.s32 $0x0;
	_ =	swait.ge [sflag:s7], $0x2800  }
0xb4: {  	s15 =	simm.s32 @!p1 $0x140;
	[sflag:s7] =	ssyncset.done $0x0  }
0xb5: {  	s19 =	sor.u32 $0x14280, s15;
	[sflag:s7] =	ssyncadd.s32 $0xFFFFD800  }
0xb6: {  	[spmem:s1] =	stream.indirect.scatter.add.f32 [tilespmem:s22], [sflag:$0x6], $0x80, s19, s26, $0xb8;
	[tilespmem:$0x1E500] =	vst v63  }
0xb7: {  	_ =	swait.ge [sflag:s28], $0x2800  }
0xb8: {  	[sflag:s28] =	ssyncset.done $0x0  }
0xb9: {  	s24 =	sadd.s32 $0x142D0, s15;
	[sflag:s28] =	ssyncadd.s32 $0xFFFFD800  }
0xba: {  	[spmem:s1] =	stream.indirect.scatter.add.f32 [tilespmem:s29], [sflag:$0x7], $0x80, s24, s26, $0xb8;
	[tilespmem:$0x1E500] =	vst v63  }
0xbb: {  	_ =	swait.ge [sflag:s30], $0x2800  }
0xbc: {  	[sflag:s30] =	ssyncset.done $0x0  }
0xbd: {  	s25 =	sadd.s32 $0x14320, s15;
	[sflag:s30] =	ssyncadd.s32 $0xFFFFD800  }
0xbe: {  	[spmem:s1] =	stream.indirect.scatter.add.f32 [tilespmem:s31], [sflag:$0x8], $0x80, s25, s26, $0xb8;
	[tilespmem:$0x1E500] =	vst v63  }
0xbf: {  	_ =	swait.ge [sflag:s0], $0x2800  }
0xc0: {  	[sflag:s0] =	ssyncset.done $0x0  }
0xc1: {  	s15 =	sadd.s32 $0x14370, s15;
	[sflag:s0] =	ssyncadd.s32 $0xFFFFD800  }
0xc2: {  	[spmem:s1] =	stream.indirect.scatter.add.f32 [tilespmem:s6], [sflag:$0x9], $0x80, s15, s26, $0xb8;
	[tilespmem:$0x1E500] =	vst v63  }
0xc3: {  	_ =	swait.ge [sflag:s3], $0x140  }
0xc4: {  	[sflag:s3] =	ssyncset.done $0x0  }
0xc5: {  	[sflag:s3] =	ssyncadd.s32 $0xFFFFFEC0  }
0xc6: {  	_ =	swait.ge [sflag:s3], $0x140  }
0xc7: {  	[sflag:s3] =	ssyncset.done $0x0  }
0xc8: {  	[sflag:s3] =	ssyncadd.s32 $0xFFFFFEC0  }
0xc9: {  	_ =	swait.ge [sflag:s9], $0x2800  }
0xca: {  	[sflag:s9] =	ssyncset.done $0x0  }
0xcb: {  	[sflag:s9] =	ssyncadd.s32 $0xFFFFD800  }
0xcc: {  	[tilespmem:s22], [sflag:$0x2] =	stream.indirect.gather [hbm4b:s4+s26], $0x80, s14, s26, $0xb8;
	[tilespmem:$0x1E500] =	vst v63  }
0xcd: {  	_ =	swait.ge [sflag:s10], $0x2800  }
0xce: {  	[sflag:s10] =	ssyncset.done $0x0  }
0xcf: {  	s18 =	sadd.s32 $0x14050, s16;
	[sflag:s10] =	ssyncadd.s32 $0xFFFFD800  }
0xd0: {  	[tilespmem:s29], [sflag:$0x3] =	stream.indirect.gather [hbm4b:s4+s26], $0x80, s18, s26, $0xb8;
	[tilespmem:$0x1E500] =	vst v63  }
0xd1: {  	s19 =	simm.s32 $0x2;
	_ =	swait.ge [sflag:s11], $0x2800  }
0xd2: {  	s25 =	sand.u32 $0x1, s19;
	[sflag:s11] =	ssyncset.done $0x0  }
0xd3: {  	s24 =	sor.u32 $0x140A0, s16;
	p2 =	seq.s32 s25, $0x1;
	[sflag:s11] =	ssyncadd.s32 $0xFFFFD800  }
0xd4: {  	[tilespmem:s31], [sflag:$0x4] =	stream.indirect.gather [hbm4b:s4+s26], $0x80, s24, s26, $0xb8;
	[tilespmem:$0x1E500] =	vst v63  }
0xd5: {  	s25 =	sadd.s32 $0x140F0, s16;
	s15 =	sadd.s32 $0x28, s21;
	_ =	swait.ge [sflag:s12], $0x2800  }
0xd6: {  	s14 =	sadd.s32 $0x28, s20;
	s18 =	simm.s32 $0x3;
	[sflag:s12] =	ssyncset.done $0x0  }
.LBB2_5:
0xd7: {  	s16 =	simm.s32 $0x140;
	[sflag:s12] =	ssyncadd.s32 $0xFFFFD800  }
0xd8: {  	s24 =	smov.u32 s18;
	s17 =	sadd.s32 $0x1, s18;
	s16 =	simm.s32 @!p2 $0x0  }
0xd9: {  	[tilespmem:s6], [sflag:$0x5] =	stream.indirect.gather [hbm4b:s4+s26], $0x80, s25, s26, $0xb8;
	[tilespmem:$0x1E500] =	vst v63  }
0xda: {  	p1 =	seq.s32 s18, $0x7C;
	s18 =	sor.u32 $0x14000, s16  }
0xdb: {  	[tilespmem:s18], [sflag:$0x1] =	stream.linear.gather [hbm4b:s14+s2], $0x140, $0x38;
	[tilespmem:$0x1E500] =	vst v63  }
0xdc: {  	s25 =	sor.u32 $0x14280, s16  }
0xdd: {  	[tilespmem:s25], [sflag:$0x1] =	stream.linear.gather [hbm4b:s15+s2], $0x140, $0x38;
	[tilespmem:$0x1E500] =	vst v63  }
0xde: {  	s25 =	simm.s32 $0x0;
	_ =	swait.ge [sflag:s7], $0x2800  }
0xdf: {  	s25 =	simm.s32 @!p2 $0x140;
	[sflag:s7] =	ssyncset.done $0x0  }
0xe0: {  	s19 =	sor.u32 $0x14280, s25;
	[sflag:s7] =	ssyncadd.s32 $0xFFFFD800  }
0xe1: {  	[spmem:s1] =	stream.indirect.scatter.add.f32 [tilespmem:s22], [sflag:$0x6], $0x80, s19, s26, $0xb8;
	[tilespmem:$0x1E500] =	vst v63  }
0xe2: {  	_ =	swait.ge [sflag:s28], $0x2800  }
0xe3: {  	[sflag:s28] =	ssyncset.done $0x0  }
0xe4: {  	s19 =	sadd.s32 $0x142D0, s25;
	[sflag:s28] =	ssyncadd.s32 $0xFFFFD800  }
0xe5: {  	[spmem:s1] =	stream.indirect.scatter.add.f32 [tilespmem:s29], [sflag:$0x7], $0x80, s19, s26, $0xb8;
	[tilespmem:$0x1E500] =	vst v63  }
0xe6: {  	_ =	swait.ge [sflag:s30], $0x2800  }
0xe7: {  	[sflag:s30] =	ssyncset.done $0x0  }
0xe8: {  	s19 =	sadd.s32 $0x14320, s25;
	[sflag:s30] =	ssyncadd.s32 $0xFFFFD800  }
0xe9: {  	[spmem:s1] =	stream.indirect.scatter.add.f32 [tilespmem:s31], [sflag:$0x8], $0x80, s19, s26, $0xb8;
	[tilespmem:$0x1E500] =	vst v63  }
0xea: {  	_ =	swait.ge [sflag:s0], $0x2800  }
0xeb: {  	[sflag:s0] =	ssyncset.done $0x0  }
0xec: {  	s19 =	sadd.s32 $0x14370, s25;
	[sflag:s0] =	ssyncadd.s32 $0xFFFFD800  }
0xed: {  	[spmem:s1] =	stream.indirect.scatter.add.f32 [tilespmem:s6], [sflag:$0x9], $0x80, s19, s26, $0xb8;
	[tilespmem:$0x1E500] =	vst v63  }
0xee: {  	_ =	swait.ge [sflag:s3], $0x140  }
0xef: {  	[sflag:s3] =	ssyncset.done $0x0  }
0xf0: {  	[sflag:s3] =	ssyncadd.s32 $0xFFFFFEC0  }
0xf1: {  	_ =	swait.ge [sflag:s3], $0x140  }
0xf2: {  	[sflag:s3] =	ssyncset.done $0x0  }
0xf3: {  	[sflag:s3] =	ssyncadd.s32 $0xFFFFFEC0  }
0xf4: {  	_ =	swait.ge [sflag:s9], $0x2800  }
0xf5: {  	[sflag:s9] =	ssyncset.done $0x0  }
0xf6: {  	[sflag:s9] =	ssyncadd.s32 $0xFFFFD800  }
0xf7: {  	[tilespmem:s22], [sflag:$0x2] =	stream.indirect.gather [hbm4b:s4+s26], $0x80, s18, s26, $0xb8;
	[tilespmem:$0x1E500] =	vst v63  }
0xf8: {  	_ =	swait.ge [sflag:s10], $0x2800  }
0xf9: {  	[sflag:s10] =	ssyncset.done $0x0  }
0xfa: {  	s18 =	sadd.s32 $0x14050, s16;
	[sflag:s10] =	ssyncadd.s32 $0xFFFFD800  }
0xfb: {  	[tilespmem:s29], [sflag:$0x3] =	stream.indirect.gather [hbm4b:s4+s26], $0x80, s18, s26, $0xb8;
	[tilespmem:$0x1E500] =	vst v63  }
0xfc: {  	_ =	swait.ge [sflag:s11], $0x2800  }
.Ltmp4:
0xfd: {  	s14 =	sadd.s32 $0x28, s14;
	[sflag:s11] =	ssyncset.done $0x0;
	(pc) =	sbr.rel @!p1 .LBB2_5-.Ltmp4, $4  }
0xfe: {  	s15 =	sadd.s32 $0x28, s15;
	s18 =	sor.u32 $0x140A0, s16;
	[sflag:s11] =	ssyncadd.s32 $0xFFFFD800  }
0xff: {  	[tilespmem:s31], [sflag:$0x4] =	stream.indirect.gather [hbm4b:s4+s26], $0x80, s18, s26, $0xb8;
	[tilespmem:$0x1E500] =	vst v63  }
0x100: {  	s25 =	sadd.s32 $0x140F0, s16;
	s18 =	sand.u32 $0x1, s24;
	_ =	swait.ge [sflag:s12], $0x2800  }
0x101: {  	p2 =	seq.s32 s18, $0x1;
	s18 =	smov.u32 s17;
	[sflag:s12] =	ssyncset.done $0x0  }
0x102: {  	s16 =	simm.s32 $0x140  }
0x103: {  	[sflag:s12] =	ssyncadd.s32 $0xFFFFD800;
	s16 =	simm.s32 @!p2 $0x0  }
0x104: {  	[tilespmem:s6], [sflag:$0x5] =	stream.indirect.gather [hbm4b:s4+s26], $0x80, s25, s26, $0xb8;
	[tilespmem:$0x1E500] =	vst v63  }
0x105: {  	s17 =	sor.u32 $0x14000, s16  }
0x106: {  	[tilespmem:s17], [sflag:$0x1] =	stream.linear.gather [hbm4b:s14+s2], $0x140, $0x38;
	[tilespmem:$0x1E500] =	vst v63  }
0x107: {  	s19 =	sor.u32 $0x14280, s16  }
0x108: {  	[tilespmem:s19], [sflag:$0x1] =	stream.linear.gather [hbm4b:s15+s2], $0x140, $0x38;
	[tilespmem:$0x1E500] =	vst v63  }
0x109: {  	s14 =	simm.s32 $0x0;
	_ =	swait.ge [sflag:s7], $0x2800  }
0x10a: {  	s14 =	simm.s32 @!p2 $0x140;
	[sflag:s7] =	ssyncset.done $0x0  }
0x10b: {  	s24 =	sor.u32 $0x14280, s14;
	[sflag:s7] =	ssyncadd.s32 $0xFFFFD800  }
0x10c: {  	[spmem:s1] =	stream.indirect.scatter.add.f32 [tilespmem:s22], [sflag:$0x6], $0x80, s24, s26, $0xb8;
	[tilespmem:$0x1E500] =	vst v63  }
0x10d: {  	_ =	swait.ge [sflag:s28], $0x2800  }
0x10e: {  	[sflag:s28] =	ssyncset.done $0x0  }
0x10f: {  	s25 =	sadd.s32 $0x142D0, s14;
	[sflag:s28] =	ssyncadd.s32 $0xFFFFD800  }
0x110: {  	[spmem:s1] =	stream.indirect.scatter.add.f32 [tilespmem:s29], [sflag:$0x7], $0x80, s25, s26, $0xb8;
	[tilespmem:$0x1E500] =	vst v63  }
0x111: {  	_ =	swait.ge [sflag:s30], $0x2800  }
0x112: {  	[sflag:s30] =	ssyncset.done $0x0  }
0x113: {  	s18 =	sadd.s32 $0x14320, s14;
	[sflag:s30] =	ssyncadd.s32 $0xFFFFD800  }
0x114: {  	[spmem:s1] =	stream.indirect.scatter.add.f32 [tilespmem:s31], [sflag:$0x8], $0x80, s18, s26, $0xb8;
	[tilespmem:$0x1E500] =	vst v63  }
0x115: {  	_ =	swait.ge [sflag:s0], $0x2800  }
0x116: {  	[sflag:s0] =	ssyncset.done $0x0  }
0x117: {  	s14 =	sadd.s32 $0x14370, s14;
	[sflag:s0] =	ssyncadd.s32 $0xFFFFD800  }
0x118: {  	[spmem:s1] =	stream.indirect.scatter.add.f32 [tilespmem:s6], [sflag:$0x9], $0x80, s14, s26, $0xb8;
	[tilespmem:$0x1E500] =	vst v63  }
0x119: {  	_ =	swait.ge [sflag:s3], $0x140  }
0x11a: {  	[sflag:s3] =	ssyncset.done $0x0  }
0x11b: {  	[sflag:s3] =	ssyncadd.s32 $0xFFFFFEC0  }
0x11c: {  	_ =	swait.ge [sflag:s3], $0x140  }
0x11d: {  	[sflag:s3] =	ssyncset.done $0x0  }
0x11e: {  	[sflag:s3] =	ssyncadd.s32 $0xFFFFFEC0  }
0x11f: {  	_ =	swait.ge [sflag:s9], $0x2800  }
0x120: {  	[sflag:s9] =	ssyncset.done $0x0  }
0x121: {  	[sflag:s9] =	ssyncadd.s32 $0xFFFFD800  }
0x122: {  	[tilespmem:s22], [sflag:$0x2] =	stream.indirect.gather [hbm4b:s4+s26], $0x80, s17, s26, $0xb8;
	[tilespmem:$0x1E500] =	vst v63  }
0x123: {  	_ =	swait.ge [sflag:s10], $0x2800  }
0x124: {  	[sflag:s10] =	ssyncset.done $0x0  }
0x125: {  	s19 =	sadd.s32 $0x14050, s16;
	[sflag:s10] =	ssyncadd.s32 $0xFFFFD800  }
0x126: {  	[tilespmem:s29], [sflag:$0x3] =	stream.indirect.gather [hbm4b:s4+s26], $0x80, s19, s26, $0xb8;
	[tilespmem:$0x1E500] =	vst v63  }
0x127: {  	_ =	swait.ge [sflag:s11], $0x2800  }
0x128: {  	[sflag:s11] =	ssyncset.done $0x0  }
0x129: {  	s24 =	sor.u32 $0x140A0, s16;
	[sflag:s11] =	ssyncadd.s32 $0xFFFFD800  }
0x12a: {  	[tilespmem:s31], [sflag:$0x4] =	stream.indirect.gather [hbm4b:s4+s26], $0x80, s24, s26, $0xb8;
	[tilespmem:$0x1E500] =	vst v63  }
.Ltmp5:
0x12b: {  	_ = 	snop;
	(pc) =	sbr.rel .LBB2_10-.Ltmp5, $4  }
0x12c: {  	_ =	swait.ge [sflag:s12], $0x2800  }
0x12d: {  	[sflag:s12] =	ssyncset.done $0x0  }
0x12e: {  	s25 =	sadd.s32 $0x140F0, s16;
	s14 =	rddreg [dreg:$0x3];
	[sflag:s12] =	ssyncadd.s32 $0xFFFFD800  }
0x12f: {  	[tilespmem:s6], [sflag:$0x5] =	stream.indirect.gather [hbm4b:s4+s26], $0x80, s25, s26, $0xb8;
	[tilespmem:$0x1E500] =	vst v63  }
.LBB2_7:
0x130: {  	s14 =	rddreg [dreg:$0xc];
	s15 =	simm.s32 $0x14000  }
0x131: {  	[tilespmem:s15], [sflag:$0xA] =	stream.linear.gather [hbm4b:s14+s2], $0x140, $0x38;
	[tilespmem:$0x1E500] =	vst v63  }
0x132: {  	_ =	swait.ge [sflag:s23], $0x140  }
0x133: {  	[sflag:s23] =	ssyncset.done $0x0  }
0x134: {  	s24 =	rddreg [dreg:$0xd];
	[sflag:s23] =	ssyncadd.s32 $0xFFFFFEC0  }
0x135: {  	[tilespmem:s17], [sflag:$0xA] =	stream.linear.gather [hbm4b:s24+s2], $0x140, $0x38;
	[tilespmem:$0x1E500] =	vst v63  }
0x136: {  	_ =	swait.ge [sflag:s23], $0x140  }
0x137: {  	[sflag:s23] =	ssyncset.done $0x0  }
0x138: {  	[sflag:s23] =	ssyncadd.s32 $0xFFFFFEC0  }
0x139: {  	[tilespmem:s22], [sflag:$0x2] =	stream.indirect.gather [hbm4b:s5+s26], $0x80, s15, s26, $0xb8;
	[tilespmem:$0x1E500] =	vst v63  }
0x13a: {  	s25 =	simm.s32 $0x14050  }
0x13b: {  	[tilespmem:s29], [sflag:$0x3] =	stream.indirect.gather [hbm4b:s5+s26], $0x80, s25, s26, $0xb8;
	[tilespmem:$0x1E500] =	vst v63  }
0x13c: {  	s17 =	simm.s32 $0x1;
	s15 =	simm.s32 $0x140A0  }
0x13d: {  	[tilespmem:s31], [sflag:$0x4] =	stream.indirect.gather [hbm4b:s5+s26], $0x80, s15, s26, $0xb8;
	[tilespmem:$0x1E500] =	vst v63  }
0x13e: {  	s16 =	simm.s32 $0x140F0;
	s14 =	sand.u32 $0x1, s17  }
0x13f: {  	[tilespmem:s6], [sflag:$0x5] =	stream.indirect.gather [hbm4b:s5+s26], $0x80, s16, s26, $0xb8;
	[tilespmem:$0x1E500] =	vst v63  }
0x140: {  	p1 =	seq.s32 s14, $0x1;
	s16 =	simm.s32 $0x140  }
0x141: {  	s16 =	simm.s32 @!p1 $0x0  }
0x142: {  	s14 =	sor.u32 $0x14000, s16  }
0x143: {  	[tilespmem:s14], [sflag:$0x1] =	stream.linear.gather [hbm4b:s21+s2], $0x140, $0x38;
	[tilespmem:$0x1E500] =	vst v63  }
0x144: {  	s18 =	sor.u32 $0x14280, s16  }
0x145: {  	[tilespmem:s18], [sflag:$0x1] =	stream.linear.gather [hbm4b:s20+s2], $0x140, $0x38;
	[tilespmem:$0x1E500] =	vst v63  }
0x146: {  	s15 =	simm.s32 $0x0;
	_ =	swait.ge [sflag:s7], $0x2800  }
0x147: {  	s15 =	simm.s32 @!p1 $0x140;
	[sflag:s7] =	ssyncset.done $0x0  }
0x148: {  	s19 =	sor.u32 $0x14280, s15;
	[sflag:s7] =	ssyncadd.s32 $0xFFFFD800  }
0x149: {  	[spmem:s1] =	stream.indirect.scatter.add.f32 [tilespmem:s22], [sflag:$0x6], $0x80, s19, s26, $0xb8;
	[tilespmem:$0x1E500] =	vst v63  }
0x14a: {  	_ =	swait.ge [sflag:s28], $0x2800  }
0x14b: {  	[sflag:s28] =	ssyncset.done $0x0  }
0x14c: {  	s24 =	sadd.s32 $0x142D0, s15;
	[sflag:s28] =	ssyncadd.s32 $0xFFFFD800  }
0x14d: {  	[spmem:s1] =	stream.indirect.scatter.add.f32 [tilespmem:s29], [sflag:$0x7], $0x80, s24, s26, $0xb8;
	[tilespmem:$0x1E500] =	vst v63  }
0x14e: {  	_ =	swait.ge [sflag:s30], $0x2800  }
0x14f: {  	[sflag:s30] =	ssyncset.done $0x0  }
0x150: {  	s25 =	sadd.s32 $0x14320, s15;
	[sflag:s30] =	ssyncadd.s32 $0xFFFFD800  }
0x151: {  	[spmem:s1] =	stream.indirect.scatter.add.f32 [tilespmem:s31], [sflag:$0x8], $0x80, s25, s26, $0xb8;
	[tilespmem:$0x1E500] =	vst v63  }
0x152: {  	_ =	swait.ge [sflag:s0], $0x2800  }
0x153: {  	[sflag:s0] =	ssyncset.done $0x0  }
0x154: {  	s15 =	sadd.s32 $0x14370, s15;
	[sflag:s0] =	ssyncadd.s32 $0xFFFFD800  }
0x155: {  	[spmem:s1] =	stream.indirect.scatter.add.f32 [tilespmem:s6], [sflag:$0x9], $0x80, s15, s26, $0xb8;
	[tilespmem:$0x1E500] =	vst v63  }
0x156: {  	_ =	swait.ge [sflag:s3], $0x140  }
0x157: {  	[sflag:s3] =	ssyncset.done $0x0  }
0x158: {  	[sflag:s3] =	ssyncadd.s32 $0xFFFFFEC0  }
0x159: {  	_ =	swait.ge [sflag:s3], $0x140  }
0x15a: {  	[sflag:s3] =	ssyncset.done $0x0  }
0x15b: {  	[sflag:s3] =	ssyncadd.s32 $0xFFFFFEC0  }
0x15c: {  	_ =	swait.ge [sflag:s9], $0x2800  }
0x15d: {  	[sflag:s9] =	ssyncset.done $0x0  }
0x15e: {  	[sflag:s9] =	ssyncadd.s32 $0xFFFFD800  }
0x15f: {  	[tilespmem:s22], [sflag:$0x2] =	stream.indirect.gather [hbm4b:s5+s26], $0x80, s14, s26, $0xb8;
	[tilespmem:$0x1E500] =	vst v63  }
0x160: {  	_ =	swait.ge [sflag:s10], $0x2800  }
0x161: {  	[sflag:s10] =	ssyncset.done $0x0  }
0x162: {  	s18 =	sadd.s32 $0x14050, s16;
	[sflag:s10] =	ssyncadd.s32 $0xFFFFD800  }
0x163: {  	[tilespmem:s29], [sflag:$0x3] =	stream.indirect.gather [hbm4b:s5+s26], $0x80, s18, s26, $0xb8;
	[tilespmem:$0x1E500] =	vst v63  }
0x164: {  	s19 =	simm.s32 $0x2;
	_ =	swait.ge [sflag:s11], $0x2800  }
0x165: {  	s25 =	sand.u32 $0x1, s19;
	[sflag:s11] =	ssyncset.done $0x0  }
0x166: {  	s24 =	sor.u32 $0x140A0, s16;
	p2 =	seq.s32 s25, $0x1;
	[sflag:s11] =	ssyncadd.s32 $0xFFFFD800  }
0x167: {  	[tilespmem:s31], [sflag:$0x4] =	stream.indirect.gather [hbm4b:s5+s26], $0x80, s24, s26, $0xb8;
	[tilespmem:$0x1E500] =	vst v63  }
0x168: {  	s25 =	sadd.s32 $0x140F0, s16;
	s15 =	sadd.s32 $0x28, s20;
	_ =	swait.ge [sflag:s12], $0x2800  }
0x169: {  	s14 =	sadd.s32 $0x28, s21;
	s18 =	simm.s32 $0x3;
	[sflag:s12] =	ssyncset.done $0x0  }
.LBB2_8:
0x16a: {  	s16 =	simm.s32 $0x140;
	[sflag:s12] =	ssyncadd.s32 $0xFFFFD800  }
0x16b: {  	s24 =	smov.u32 s18;
	s17 =	sadd.s32 $0x1, s18;
	s16 =	simm.s32 @!p2 $0x0  }
0x16c: {  	[tilespmem:s6], [sflag:$0x5] =	stream.indirect.gather [hbm4b:s5+s26], $0x80, s25, s26, $0xb8;
	[tilespmem:$0x1E500] =	vst v63  }
0x16d: {  	p1 =	sne.s32 s18, $0x7C;
	s18 =	sor.u32 $0x14000, s16  }
0x16e: {  	[tilespmem:s18], [sflag:$0x1] =	stream.linear.gather [hbm4b:s14+s2], $0x140, $0x38;
	[tilespmem:$0x1E500] =	vst v63  }
0x16f: {  	s19 =	sor.u32 $0x14280, s16  }
0x170: {  	[tilespmem:s19], [sflag:$0x1] =	stream.linear.gather [hbm4b:s15+s2], $0x140, $0x38;
	[tilespmem:$0x1E500] =	vst v63  }
0x171: {  	s19 =	simm.s32 $0x0;
	_ =	swait.ge [sflag:s7], $0x2800  }
0x172: {  	s19 =	simm.s32 @!p2 $0x140;
	[sflag:s7] =	ssyncset.done $0x0  }
0x173: {  	s25 =	sor.u32 $0x14280, s19;
	[sflag:s7] =	ssyncadd.s32 $0xFFFFD800  }
0x174: {  	[spmem:s1] =	stream.indirect.scatter.add.f32 [tilespmem:s22], [sflag:$0x6], $0x80, s25, s26, $0xb8;
	[tilespmem:$0x1E500] =	vst v63  }
0x175: {  	_ =	swait.ge [sflag:s28], $0x2800  }
0x176: {  	[sflag:s28] =	ssyncset.done $0x0  }
0x177: {  	s25 =	sadd.s32 $0x142D0, s19;
	[sflag:s28] =	ssyncadd.s32 $0xFFFFD800  }
0x178: {  	[spmem:s1] =	stream.indirect.scatter.add.f32 [tilespmem:s29], [sflag:$0x7], $0x80, s25, s26, $0xb8;
	[tilespmem:$0x1E500] =	vst v63  }
0x179: {  	_ =	swait.ge [sflag:s30], $0x2800  }
0x17a: {  	[sflag:s30] =	ssyncset.done $0x0  }
0x17b: {  	s25 =	sadd.s32 $0x14320, s19;
	[sflag:s30] =	ssyncadd.s32 $0xFFFFD800  }
0x17c: {  	[spmem:s1] =	stream.indirect.scatter.add.f32 [tilespmem:s31], [sflag:$0x8], $0x80, s25, s26, $0xb8;
	[tilespmem:$0x1E500] =	vst v63  }
0x17d: {  	_ =	swait.ge [sflag:s0], $0x2800  }
0x17e: {  	[sflag:s0] =	ssyncset.done $0x0  }
0x17f: {  	s19 =	sadd.s32 $0x14370, s19;
	[sflag:s0] =	ssyncadd.s32 $0xFFFFD800  }
0x180: {  	[spmem:s1] =	stream.indirect.scatter.add.f32 [tilespmem:s6], [sflag:$0x9], $0x80, s19, s26, $0xb8;
	[tilespmem:$0x1E500] =	vst v63  }
0x181: {  	_ =	swait.ge [sflag:s3], $0x140  }
0x182: {  	[sflag:s3] =	ssyncset.done $0x0  }
0x183: {  	[sflag:s3] =	ssyncadd.s32 $0xFFFFFEC0  }
0x184: {  	_ =	swait.ge [sflag:s3], $0x140  }
0x185: {  	[sflag:s3] =	ssyncset.done $0x0  }
0x186: {  	[sflag:s3] =	ssyncadd.s32 $0xFFFFFEC0  }
0x187: {  	_ =	swait.ge [sflag:s9], $0x2800  }
0x188: {  	[sflag:s9] =	ssyncset.done $0x0  }
0x189: {  	[sflag:s9] =	ssyncadd.s32 $0xFFFFD800  }
0x18a: {  	[tilespmem:s22], [sflag:$0x2] =	stream.indirect.gather [hbm4b:s5+s26], $0x80, s18, s26, $0xb8;
	[tilespmem:$0x1E500] =	vst v63  }
0x18b: {  	_ =	swait.ge [sflag:s10], $0x2800  }
0x18c: {  	[sflag:s10] =	ssyncset.done $0x0  }
0x18d: {  	s18 =	sadd.s32 $0x14050, s16;
	[sflag:s10] =	ssyncadd.s32 $0xFFFFD800  }
0x18e: {  	[tilespmem:s29], [sflag:$0x3] =	stream.indirect.gather [hbm4b:s5+s26], $0x80, s18, s26, $0xb8;
	[tilespmem:$0x1E500] =	vst v63  }
0x18f: {  	_ =	swait.ge [sflag:s11], $0x2800  }
.Ltmp6:
0x190: {  	s14 =	sadd.s32 $0x28, s14;
	[sflag:s11] =	ssyncset.done $0x0;
	(pc) =	sbr.rel @p1 .LBB2_8-.Ltmp6, $4  }
0x191: {  	s15 =	sadd.s32 $0x28, s15;
	s18 =	sor.u32 $0x140A0, s16;
	[sflag:s11] =	ssyncadd.s32 $0xFFFFD800  }
0x192: {  	[tilespmem:s31], [sflag:$0x4] =	stream.indirect.gather [hbm4b:s5+s26], $0x80, s18, s26, $0xb8;
	[tilespmem:$0x1E500] =	vst v63  }
0x193: {  	s25 =	sadd.s32 $0x140F0, s16;
	s18 =	sand.u32 $0x1, s24;
	_ =	swait.ge [sflag:s12], $0x2800  }
0x194: {  	p2 =	seq.s32 s18, $0x1;
	s18 =	smov.u32 s17;
	[sflag:s12] =	ssyncset.done $0x0  }
.Ltmp7:
0x195: {  	_ = 	snop;
	(pc) =	sbr.rel .LBB2_9-.Ltmp7, $1  }
0x196: {  	_ =	sdelay $0x3  }
.LBB2_11:
0x197: {  	_ =	sfence.sel $0x180000  }
0x198: {  	[bflag:$0x0] =	sbarrier.arrive $0xFFFF  }
0x199: {  	_ =	strace $0x9000004A  }
0x19a: {  	s0 =	stileid.u32;
	[bflag:$0x2] =	sbarrier.arrive $0xFFFF  }
0x19b: {  	p0 =	sne.s32 s0, $0x0;
	s0 =	rddreg [dreg:$0x2]  }
0x19c: {  	s0 =	sadd.s32 @!p0 $0x100000, s0  }
0x19d: {  	[sflag:s0] =	ssyncadd.tile.s32 @!p0 $0x1;
	_ =	shalt  }
.Lfunc_end2:
_tile_overlayer_lowered:
.L_overlay_start_2:
0x19e: {  	(tag) =	ssettag $0x2  }
0x19f: {  	s0 =	rddreg [dreg:$0x0];
	s2 =	stileid.u32  }
0x1a0: {  	s1 =	rddreg [dreg:$0x1];
	p0 =	sne.s32 s2, $0x0  }
0x1a1: {  	s3 =	rddreg [dreg:$0x2];
	[bflag:$0x3] =	sbarrier.arrive $0xFFFF;
	s2 =	simm.s32 @!p0 $0x1C0A  }
0x1a2: {  	[timem:s3], [sflag:s2] =	dma.local @!p0 [hbm:s0], s1  }
0x1a3: {  	s0 =	simm.s32 @!p0 $0xA  }
0x1a4: {  	_ =	swait.ge @!p0 [sflag:s0], s1  }
0x1a5: {  	s1 =	ssub.s32 @!p0 $0x0, s1;
	[sflag:s0] =	ssyncset.done @!p0 $0x0  }
0x1a6: {  	[sflag:s0] =	ssyncadd.s32 @!p0 s1  }
0x1a7: {  	[bflag:$0x3] =	sbarrier.arrive $0xFFFF  }
0x1a8: {  	_ =	shalt  }

</sc_bundles>
